<compile_context>
chip_gen: v7x
topology: tpu7x:2x2x1
jax: 0.10.2.dev20260603
libtpu: 0.0.44.dev20260713+nightly
codegen_flags: <defaults>
</compile_context>

<pallas_src>
import functools

import jax
import jax.numpy as jnp
from jax import lax
from jax.experimental import pallas as pl
from jax.experimental.pallas import tpu as pltpu
from jax.experimental.pallas import tpu_sc as plsc

N = 10000
E = 160000
DF = 128
H = 32
HP = 128
GH = 64
NG = 128
HH = H * H

NC, NS = 2, 16
NW = NC * NS
CHUNK = 128
NJ = E // CHUNK
T = -(-NJ // NW)
EPAD = NW * T * CHUNK


def _sc_mesh():
    return plsc.VectorSubcoreMesh(core_axis_name="c", subcore_axis_name="s",
                                  num_cores=NC, num_subcores=NS)



def _sc_gather(table, idx3):

    @functools.partial(
        pl.kernel,
        out_type=jax.ShapeDtypeStruct((E, HP), jnp.float32),
        mesh=_sc_mesh(),
        scratch_types=[
            pltpu.VMEM((T, CHUNK), jnp.int32),
            pltpu.VMEM((2, CHUNK, HP), jnp.float32),
            pltpu.SemaphoreType.DMA((2,)),
        ],
    )
    def k(table_hbm, idx_hbm, out_hbm, idx_v, rows_v, sem):
        wid = lax.axis_index("s") * NC + lax.axis_index("c")
        nc = jnp.maximum(0, jnp.minimum(T, NJ - wid * T))
        pltpu.sync_copy(idx_hbm.at[wid], idx_v)

        @pl.when(nc > 0)
        def _():
            pltpu.async_copy(table_hbm.at[idx_v.at[0]], rows_v.at[0], sem.at[0])

        def body(t, carry):
            p = lax.rem(t, 2)
            pn = lax.rem(t + 1, 2)

            @pl.when(t + 1 < nc)
            def _():
                pltpu.async_copy(table_hbm.at[idx_v.at[t + 1]],
                                 rows_v.at[pn], sem.at[pn])

            pltpu.make_async_copy(table_hbm.at[idx_v.at[t]],
                                  rows_v.at[p], sem.at[p]).wait()
            pltpu.sync_copy(rows_v.at[p],
                            out_hbm.at[pl.ds((wid * T + t) * CHUNK, CHUNK)])
            return carry

        lax.fori_loop(0, nc, body, 0)

    return k(table, idx3)


def _sc_scatter_add(msg, dst3, zeros):
    wb = N // 10

    @functools.partial(
        pl.kernel,
        out_type=jax.ShapeDtypeStruct((NC, N, HP), jnp.float32),
        mesh=_sc_mesh(),
        scratch_types=[
            pltpu.VMEM((T, CHUNK), jnp.int32),
            pltpu.VMEM((2, CHUNK, HP), jnp.float32),
            pltpu.VMEM_SHARED((N, HP), jnp.float32),
            pltpu.SemaphoreType.DMA((2,)),
        ],
    )
    def k(msg_hbm, dst_hbm, zeros_hbm, out_hbm, dst_v, rows_v, acc_sh, sem):
        cid = lax.axis_index("c")
        sid = lax.axis_index("s")
        wid = sid * NC + cid
        nc = jnp.maximum(0, jnp.minimum(T, NJ - wid * T))

        @pl.when(sid == 0)
        def _():
            pltpu.sync_copy(zeros_hbm, acc_sh)

        plsc.subcore_barrier()
        pltpu.sync_copy(dst_hbm.at[wid], dst_v)

        @pl.when(nc > 0)
        def _():
            pltpu.async_copy(msg_hbm.at[pl.ds(wid * T * CHUNK, CHUNK)],
                             rows_v.at[0], sem.at[0])

        def body(t, carry):
            p = lax.rem(t, 2)
            pn = lax.rem(t + 1, 2)

            @pl.when(t + 1 < nc)
            def _():
                pltpu.async_copy(
                    msg_hbm.at[pl.ds((wid * T + t + 1) * CHUNK, CHUNK)],
                    rows_v.at[pn], sem.at[pn])

            pltpu.make_async_copy(
                msg_hbm.at[pl.ds((wid * T + t) * CHUNK, CHUNK)],
                rows_v.at[p], sem.at[p]).wait()
            pltpu.sync_copy(rows_v.at[p], acc_sh.at[dst_v.at[t]], add=True)
            return carry

        lax.fori_loop(0, nc, body, 0)
        plsc.subcore_barrier()

        @pl.when(sid < 10)
        def _():
            pltpu.sync_copy(acc_sh.at[pl.ds(sid * wb, wb)],
                            out_hbm.at[cid].at[pl.ds(sid * wb, wb)])

    return k(msg, dst3, zeros)



_BE = 4000
_BN = 2000


def _tc_pre_mlp(X, p0W, p0b, p1W, p1b, p2W, p2b):
    def body(x_ref, w0, b0, w1, b1, w2, b2, o_ref):
        o = jnp.maximum(jnp.dot(x_ref[...], w0[...],
                                preferred_element_type=jnp.float32) + b0[...], 0.0)
        o = jnp.maximum(jnp.dot(o, w1[...],
                                preferred_element_type=jnp.float32) + b1[...], 0.0)
        o = jnp.maximum(jnp.dot(o, w2[...],
                                preferred_element_type=jnp.float32) + b2[...], 0.0)
        o_ref[...] = jnp.concatenate(
            [o, jnp.zeros((_BN, HP - H), jnp.float32)], axis=1)

    full = lambda shape: pl.BlockSpec(shape, lambda i: (0, 0))
    return pl.pallas_call(
        body,
        grid=(N // _BN,),
        in_specs=[pl.BlockSpec((_BN, DF), lambda i: (i, 0)),
                  full((DF, H)), full((1, H)),
                  full((H, H)), full((1, H)),
                  full((H, H)), full((1, H))],
        out_specs=pl.BlockSpec((_BN, HP), lambda i: (i, 0)),
        out_shape=jax.ShapeDtypeStruct((N, HP), jnp.float32),
    )(X, p0W, p0b, p1W, p1b, p2W, p2b)


def _tc_messages(ea, y, w0, b0, W1a, Rt):

    def body(ea_ref, y_ref, w0r, b0r, W1r, Rtr, o_ref):
        u1 = jnp.maximum(ea_ref[...] * w0r[...] + b0r[...], 0.0)
        wf = jnp.dot(u1.astype(jnp.bfloat16), W1r[...],
                     preferred_element_type=jnp.float32)
        yt = jnp.tile(y_ref[...][:, :H], (1, H))
        P = (wf * yt).astype(jnp.bfloat16)
        msg = jnp.dot(P, Rtr[...], preferred_element_type=jnp.float32)
        o_ref[:, :H] = msg
        o_ref[:, H:2 * H] = jnp.ones((_BE, H), jnp.float32)

    full = lambda shape: pl.BlockSpec(shape, lambda i: (0, 0))
    return pl.pallas_call(
        body,
        grid=(E // _BE,),
        in_specs=[pl.BlockSpec((_BE, 1), lambda i: (i, 0)),
                  pl.BlockSpec((_BE, HP), lambda i: (i, 0)),
                  full((1, GH + 1)), full((1, GH + 1)),
                  full((GH + 1, HH)), full((HH, H))],
        out_specs=pl.BlockSpec((_BE, HP), lambda i: (i, 0)),
        out_shape=jax.ShapeDtypeStruct((E, HP), jnp.float32),
    )(ea, y, w0, b0, W1a, Rt)


def _tc_gru(h, agg0, agg1, Wroot, broot, WihT, bih, WhhT, bhh):
    def body(h_ref, a0, a1, wr, br, wih, bi, whh, bh, o_ref):
        hv = h_ref[...][:, :H]
        a0v = a0[...]
        a1v = a1[...]
        cnt = a0v[:, H:H + 1] + a1v[:, H:H + 1]
        inv = 1.0 / jnp.maximum(cnt, 1.0)
        agg = (a0v[:, :H] + a1v[:, :H]) * inv
        conv = jnp.dot(hv, wr[...],
                       preferred_element_type=jnp.float32) + br[...] + agg
        gi = jnp.dot(conv, wih[...],
                     preferred_element_type=jnp.float32) + bi[...]
        gh = jnp.dot(hv, whh[...],
                     preferred_element_type=jnp.float32) + bh[...]
        r = jax.nn.sigmoid(gi[:, 0:H] + gh[:, 0:H])
        z = jax.nn.sigmoid(gi[:, H:2 * H] + gh[:, H:2 * H])
        n = jnp.tanh(gi[:, 2 * H:] + r * gh[:, 2 * H:])
        o = (1.0 - z) * n + z * hv
        o_ref[...] = jnp.concatenate(
            [o, jnp.zeros((_BN, HP - H), jnp.float32)], axis=1)

    full = lambda shape: pl.BlockSpec(shape, lambda i: (0, 0))
    blk = lambda w: pl.BlockSpec((_BN, w), lambda i: (i, 0))
    return pl.pallas_call(
        body,
        grid=(N // _BN,),
        in_specs=[blk(HP), blk(HP), blk(HP),
                  full((H, H)), full((1, H)),
                  full((H, 3 * H)), full((1, 3 * H)),
                  full((H, 3 * H)), full((1, 3 * H))],
        out_specs=blk(HP),
        out_shape=jax.ShapeDtypeStruct((N, HP), jnp.float32),
    )(h, agg0, agg1, Wroot, broot, WihT, bih, WhhT, bhh)


def _tc_pool_post(x, bm, q0W, q0b, q1W, q1b, q2W, q2b, q3W, q3b):
    G = N // _BN

    def body(x_ref, bm_ref, w0, b0, w1, b1, w2, b2, w3, b3, o_ref, acc, cnt):
        i = pl.program_id(0)

        @pl.when(i == 0)
        def _():
            acc[...] = jnp.zeros_like(acc)
            cnt[...] = jnp.zeros_like(cnt)

        ids = bm_ref[...]
        onehot = (ids == lax.broadcasted_iota(jnp.int32, (_BN, NG), 1)
                  ).astype(jnp.float32)
        dn = (((0,), (0,)), ((), ()))
        acc[...] += lax.dot_general(onehot, x_ref[...][:, :H], dn,
                                    preferred_element_type=jnp.float32)
        cnt[...] += lax.dot_general(onehot, jnp.ones((_BN, H), jnp.float32), dn,
                                    preferred_element_type=jnp.float32)

        @pl.when(i == G - 1)
        def _():
            m = acc[...] / jnp.maximum(cnt[...], 1.0)
            o = jnp.maximum(jnp.dot(m, w0[...],
                                    preferred_element_type=jnp.float32) + b0[...], 0.0)
            o = jnp.maximum(jnp.dot(o, w1[...],
                                    preferred_element_type=jnp.float32) + b1[...], 0.0)
            o = jnp.maximum(jnp.dot(o, w2[...],
                                    preferred_element_type=jnp.float32) + b2[...], 0.0)
            o_ref[...] = jnp.dot(o, w3[...],
                                 preferred_element_type=jnp.float32) + b3[...]

    full = lambda shape: pl.BlockSpec(shape, lambda i: (0, 0))
    return pl.pallas_call(
        body,
        grid=(G,),
        in_specs=[pl.BlockSpec((_BN, HP), lambda i: (i, 0)),
                  pl.BlockSpec((_BN, 1), lambda i: (i, 0)),
                  full((H, H)), full((1, H)),
                  full((H, H)), full((1, H)),
                  full((H, H)), full((1, H)),
                  full((H, 1)), full((1, 1))],
        out_specs=pl.BlockSpec((NG, 1), lambda i: (0, 0)),
        out_shape=jax.ShapeDtypeStruct((NG, 1), jnp.float32),
        scratch_shapes=[pltpu.VMEM((NG, H), jnp.float32),
                        pltpu.VMEM((NG, H), jnp.float32)],
    )(x, bm, q0W, q0b, q1W, q1b, q2W, q2b, q3W, q3b)



def kernel(X, edge_idx, edge_attr, batch_map, params):
    pad = jnp.zeros((EPAD - E,), jnp.int32)
    src2 = jnp.concatenate([edge_idx[0], pad]).reshape(NW, T, CHUNK)
    dst2 = jnp.concatenate([edge_idx[1], pad]).reshape(NW, T, CHUNK)
    ea = edge_attr.reshape(E, 1)
    bm = batch_map.reshape(N, 1)
    zeros = jnp.zeros((N, HP), jnp.float32)

    row = lambda b: b.reshape(1, -1)
    Rt = jnp.kron(jnp.eye(H, dtype=jnp.bfloat16),
                  jnp.ones((H, 1), jnp.bfloat16))

    pre = params['pre']
    out = _tc_pre_mlp(X, pre[0]['W'], row(pre[0]['b']),
                      pre[1]['W'], row(pre[1]['b']),
                      pre[2]['W'], row(pre[2]['b']))

    for g in params['gcn']:
        W1 = g['edge_nn1']['W']
        b1 = g['edge_nn1']['b']
        W1p = W1.reshape(GH, H, H).transpose(0, 2, 1).reshape(GH, HH)
        b1p = b1.reshape(H, H).T.reshape(1, HH)
        W1a = jnp.concatenate([W1p, b1p], axis=0).astype(jnp.bfloat16)

        w0a = jnp.concatenate([g['edge_nn0']['W'].reshape(1, GH),
                               jnp.zeros((1, 1), jnp.float32)], axis=1)
        b0a = jnp.concatenate([g['edge_nn0']['b'].reshape(1, GH),
                               jnp.ones((1, 1), jnp.float32)], axis=1)

        y = _sc_gather(out, src2)
        msg = _tc_messages(ea, y, w0a, b0a, W1a, Rt)
        aggp = _sc_scatter_add(msg, dst2, zeros)
        out = _tc_gru(out, aggp[0], aggp[1],
                      g['root']['W'], row(g['root']['b']),
                      g['gru']['W_ih'].T, row(g['gru']['b_ih']),
                      g['gru']['W_hh'].T, row(g['gru']['b_hh']))

    post = params['post']
    return _tc_pool_post(out, bm,
                         post[0]['W'], row(post[0]['b']),
                         post[1]['W'], row(post[1]['b']),
                         post[2]['W'], row(post[2]['b']),
                         post[3]['W'], row(post[3]['b']))

# --- scband reference (transcript-rebuilt; emitter-appended) ---
"""Pipeline reference for scband-mpnn-84610855731437 (READ-ONLY COPY).

The authoritative reference and input builder live on the scoring server;
editing this copy changes nothing except your own understanding.
"""

import jax, jax.numpy as jnp
import numpy as np

N_NODES = 10000
N_EDGES = 160000
D_FEAT = 128
H = 32
GH = 64
N_GRAPHS = 128
N_GCN = 3

def _lin(k, fan_in, fan_out):
    k1, k2 = jax.random.split(k)
    s = 1.0 / np.sqrt(fan_in)
    return {'W': jax.random.uniform(k1, (fan_in, fan_out), jnp.float32, -s, s),
            'b': jax.random.uniform(k2, (fan_out,), jnp.float32, -s, s)}

def _gru(k, dim):
    ks = jax.random.split(k, 4)
    s = 1.0 / np.sqrt(dim)
    return {'W_ih': jax.random.uniform(ks[0], (3 * dim, dim), jnp.float32, -s, s),
            'W_hh': jax.random.uniform(ks[1], (3 * dim, dim), jnp.float32, -s, s),
            'b_ih': jax.random.uniform(ks[2], (3 * dim,), jnp.float32, -s, s),
            'b_hh': jax.random.uniform(ks[3], (3 * dim,), jnp.float32, -s, s)}

def _make_params(key):
    ks = jax.random.split(key, 16)
    pre = [_lin(ks[0], D_FEAT, H), _lin(ks[1], H, H), _lin(ks[2], H, H)]
    gcn = []
    for i in range(N_GCN):
        kk = jax.random.split(ks[3 + i], 4)
        gcn.append({'edge_nn0': _lin(kk[0], 1, GH),
                    'edge_nn1': _lin(kk[1], GH, H * H),
                    'root': _lin(kk[2], H, H),
                    'gru': _gru(kk[3], H)})
    post = [_lin(ks[8], H, H), _lin(ks[9], H, H), _lin(ks[10], H, H), _lin(ks[11], H, 1)]
    return {'pre': pre, 'gcn': gcn, 'post': post}

def setup_inputs(seed: int = 0):
    key = jax.random.key(seed)
    ks = jax.random.split(key, 8)
    X = jax.random.normal(ks[0], (N_NODES, D_FEAT), jnp.float32)
    edge_idx = jax.random.randint(ks[1], (2, N_EDGES), 0, N_NODES, dtype=jnp.int32)
    edge_attr = jax.random.normal(ks[2], (N_EDGES,), jnp.float32)
    batch_map = jnp.sort(jax.random.randint(ks[3], (N_NODES,), 0, N_GRAPHS, dtype=jnp.int32))
    params = _make_params(ks[4])
    return {'X': X, 'edge_idx': edge_idx, 'edge_attr': edge_attr, 'batch_map': batch_map, 'params': params}

def _linear(p, x):
    return x @ p['W'] + p['b']

def reference(X, edge_idx, edge_attr, batch_map, params):
    # pre-GC MLP: Linear(128,32)+relu, Linear(32,32)+relu, Linear(32,32)+relu
    out = X
    for p in params['pre']:
        out = jax.nn.relu(_linear(p, out))
    src = edge_idx[0]
    dst = edge_idx[1]
    ea = edge_attr.reshape(-1, 1)
    # 3x (NNConv(aggr='mean') -> GRU cell)
    for g in params['gcn']:
        h = out
        # edge_nn: Linear(1,64)+ReLU, Linear(64, 32*32); per-edge weight matrix
        w = jax.nn.relu(_linear(g['edge_nn0'], ea))
        w = _linear(g['edge_nn1'], w).reshape(-1, H, H)
        # NNConv message: x_j @ Theta(e); gather at src, scatter-mean at dst
        msg = jnp.einsum('ei,eio->eo', out[src], w)
        agg = jax.ops.segment_sum(msg, dst, num_segments=N_NODES)
        cnt = jax.ops.segment_sum(jnp.ones((N_EDGES,), jnp.float32), dst, num_segments=N_NODES)
        agg = agg / jnp.maximum(cnt, 1.0)[:, None]
        conv = _linear(g['root'], out) + agg
        # single-step GRU (seq_len=1), torch gate layout [r, z, n]
        gi = conv @ g['gru']['W_ih'].T + g['gru']['b_ih']
        gh = h @ g['gru']['W_hh'].T + g['gru']['b_hh']
        i_r, i_z, i_n = jnp.split(gi, 3, axis=-1)
        h_r, h_z, h_n = jnp.split(gh, 3, axis=-1)
        r = jax.nn.sigmoid(i_r + h_r)
        z = jax.nn.sigmoid(i_z + h_z)
        n = jnp.tanh(i_n + r * h_n)
        out = (1.0 - z) * n + z * h
    # early global mean pool over batch_map
    s = jax.ops.segment_sum(out, batch_map, num_segments=N_GRAPHS)
    c = jax.ops.segment_sum(jnp.ones((N_NODES,), jnp.float32), batch_map, num_segments=N_GRAPHS)
    out = s / jnp.maximum(c, 1.0)[:, None]
    # post-GC MLP: 3x (Linear(32,32)+relu) then Linear(32,1)
    for p in params['post'][:-1]:
        out = jax.nn.relu(_linear(p, out))
    out = _linear(params['post'][-1], out)
    return out

if __name__ == "__main__":
    import jax
    _d = setup_inputs()
    print(jax.jit(kernel)(*tuple(_d.values())))

</pallas_src>

<mosaic_0001>
#map = affine_map<(d0, d1) -> (0, 0)>
#map1 = affine_map<(d0, d1) -> (0, 0, 0)>
module attributes {stable_mosaic.version = 14 : i64} {
  func.func @k(%arg0: i32, %arg1: i32, %arg2: memref<160000x128xf32, #tpu.memory_space<hbm>>, %arg3: memref<32x40x128xi32, #tpu.memory_space<hbm>>, %arg4: memref<10000x128xf32, #tpu.memory_space<hbm>>, %arg5: memref<2x10000x128xf32, #tpu.memory_space<hbm>>, %arg6: memref<40x128xi32, #tpu.memory_space<vmem>>, %arg7: memref<2x128x128xf32, #tpu.memory_space<vmem>>, %arg8: memref<10000x128xf32, #tpu.memory_space<vmem_shared>>, %arg9: memref<2x!tpu.dma_semaphore, #tpu.memory_space<semaphore_mem>>) attributes {dimension_semantics = [#tpu.dimension_semantics<core_parallel>, #tpu.dimension_semantics<subcore_parallel>], iteration_bounds = array<i64: 2, 16>, scalar_prefetch = 0 : i64, scratch_operands = 4 : i64, tpu.core_type = #tpu.core_type<sc_vector_subcore>, window_params = [{transform_indices = #map}, {transform_indices = #map1}, {transform_indices = #map}, {transform_indices = #map1}]} {
    %mul3A = arith.constant 2 : i32
    %mul3A_0 = arith.muli %arg1, %mul3A : i32
    %add3A = arith.addi %mul3A_0, %arg0 : i32
    %mul3A_1 = arith.constant 40 : i32
    %mul3A_2 = arith.muli %add3A, %mul3A_1 : i32
    %sub3A = arith.constant 1250 : i32
    %sub3A_3 = arith.subi %sub3A, %mul3A_2 : i32
    %min3A = arith.constant 40 : i32
    %min3A_4 = arith.minsi %min3A, %sub3A_3 : i32
    %max3A = arith.constant 0 : i32
    %max3A_5 = arith.maxsi %max3A, %min3A_4 : i32
    %eq3A = arith.constant 0 : i32
    %eq3A_6 = arith.cmpi eq, %arg1, %eq3A : i32
    %convert_element_type3A = arith.extui %eq3A_6 : i1 to i32
    %cond3A = arith.constant 0 : i32
    %cond3A_7 = arith.cmpi ne, %convert_element_type3A, %cond3A : i32
    scf.if %cond3A_7 {
      "tpu.region"() ({
        %run_scoped3A = tpu.sem_alloc : memref<!tpu.dma_semaphore, #tpu.memory_space<semaphore_mem>>
        tpu.enqueue_dma source(%arg4 : memref<10000x128xf32, #tpu.memory_space<hbm>>) target(%arg8 : memref<10000x128xf32, #tpu.memory_space<vmem_shared>>) target_semaphore(%run_scoped3A : memref<!tpu.dma_semaphore, #tpu.memory_space<semaphore_mem>>)
        tpu.wait_dma2 semaphore(%run_scoped3A : memref<!tpu.dma_semaphore, #tpu.memory_space<semaphore_mem>>) src(%arg4 : memref<10000x128xf32, #tpu.memory_space<hbm>>) dst(%arg8 : memref<10000x128xf32, #tpu.memory_space<vmem_shared>>)
        tpu.yield
      }) : () -> ()
    } else {
    }
    %barrier3A = arith.constant 0 : index
    tpu.barrier barrier_id(%barrier3A)
    "tpu.region"() ({
      %run_scoped3A = tpu.sem_alloc : memref<!tpu.dma_semaphore, #tpu.memory_space<semaphore_mem>>
      %dma_start3A = arith.constant 0 : i32
      %dma_start3A_26 = arith.constant 0 : i32
      %dma_start3A_27 = tpu.memref_slice %arg3[%add3A, %dma_start3A, %dma_start3A_26] : memref<32x40x128xi32, #tpu.memory_space<hbm>> -> memref<1x40x128xi32, #tpu.memory_space<hbm>>
      %dma_start3A_28 = tpu.memref_squeeze %dma_start3A_27 : memref<1x40x128xi32, #tpu.memory_space<hbm>> -> memref<40x128xi32, #tpu.memory_space<hbm>>
      %dma_start3A_29 = arith.constant 0 : i32
      %dma_start3A_30 = arith.constant 0 : i32
      %dma_start3A_31 = tpu.memref_slice %arg3[%add3A, %dma_start3A_29, %dma_start3A_30] : memref<32x40x128xi32, #tpu.memory_space<hbm>> -> memref<1x40x128xi32, #tpu.memory_space<hbm>>
      %dma_start3A_32 = tpu.memref_squeeze %dma_start3A_31 : memref<1x40x128xi32, #tpu.memory_space<hbm>> -> memref<40x128xi32, #tpu.memory_space<hbm>>
      tpu.enqueue_dma source(%dma_start3A_32 : memref<40x128xi32, #tpu.memory_space<hbm>>) target(%arg6 : memref<40x128xi32, #tpu.memory_space<vmem>>) target_semaphore(%run_scoped3A : memref<!tpu.dma_semaphore, #tpu.memory_space<semaphore_mem>>)
      %dma_wait3A = arith.constant 0 : i32
      %dma_wait3A_33 = arith.constant 0 : i32
      %dma_wait3A_34 = tpu.memref_slice %arg3[%add3A, %dma_wait3A, %dma_wait3A_33] : memref<32x40x128xi32, #tpu.memory_space<hbm>> -> memref<1x40x128xi32, #tpu.memory_space<hbm>>
      %dma_wait3A_35 = tpu.memref_squeeze %dma_wait3A_34 : memref<1x40x128xi32, #tpu.memory_space<hbm>> -> memref<40x128xi32, #tpu.memory_space<hbm>>
      %dma_wait3A_36 = arith.constant 0 : i32
      %dma_wait3A_37 = arith.constant 0 : i32
      %dma_wait3A_38 = tpu.memref_slice %arg3[%add3A, %dma_wait3A_36, %dma_wait3A_37] : memref<32x40x128xi32, #tpu.memory_space<hbm>> -> memref<1x40x128xi32, #tpu.memory_space<hbm>>
      %dma_wait3A_39 = tpu.memref_squeeze %dma_wait3A_38 : memref<1x40x128xi32, #tpu.memory_space<hbm>> -> memref<40x128xi32, #tpu.memory_space<hbm>>
      tpu.wait_dma2 semaphore(%run_scoped3A : memref<!tpu.dma_semaphore, #tpu.memory_space<semaphore_mem>>) src(%dma_wait3A_39 : memref<40x128xi32, #tpu.memory_space<hbm>>) dst(%arg6 : memref<40x128xi32, #tpu.memory_space<vmem>>)
      tpu.yield
    }) : () -> ()
    %gt3A = arith.constant 0 : i32
    %gt3A_8 = arith.cmpi sgt, %max3A_5, %gt3A : i32
    %convert_element_type3A_9 = arith.extui %gt3A_8 : i1 to i32
    %cond3A_10 = arith.constant 0 : i32
    %cond3A_11 = arith.cmpi ne, %convert_element_type3A_9, %cond3A_10 : i32
    scf.if %cond3A_11 {
      %mul3A_26 = arith.constant 40 : i32
      %mul3A_27 = arith.muli %add3A, %mul3A_26 : i32
      %mul3A_28 = arith.constant 128 : i32
      %mul3A_29 = arith.muli %mul3A_27, %mul3A_28 : i32
      %dma_start3A = arith.constant 0 : i32
      %dma_start3A_30 = arith.constant 0 : i32
      %dma_start3A_31 = arith.constant 0 : i32
      %dma_start3A_32 = arith.constant 0 : i32
      %dma_start3A_33 = tpu.memref_slice %arg7[%dma_start3A, %dma_start3A_31, %dma_start3A_32] : memref<2x128x128xf32, #tpu.memory_space<vmem>> -> memref<1x128x128xf32, #tpu.memory_space<vmem>>
      %dma_start3A_34 = tpu.memref_squeeze %dma_start3A_33 : memref<1x128x128xf32, #tpu.memory_space<vmem>> -> memref<128x128xf32, #tpu.memory_space<vmem>>
      %dma_start3A_35 = arith.constant 0 : i32
      %dma_start3A_36 = tpu.memref_slice %arg2[%mul3A_29, %dma_start3A_35] : memref<160000x128xf32, #tpu.memory_space<hbm>> -> memref<128x128xf32, #tpu.memory_space<hbm>>
      %dma_start3A_37 = tpu.memref_slice %arg9[%dma_start3A_30] : memref<2x!tpu.dma_semaphore, #tpu.memory_space<semaphore_mem>> -> memref<1x!tpu.dma_semaphore, #tpu.memory_space<semaphore_mem>>
      %dma_start3A_38 = tpu.memref_squeeze %dma_start3A_37 : memref<1x!tpu.dma_semaphore, #tpu.memory_space<semaphore_mem>> -> memref<!tpu.dma_semaphore, #tpu.memory_space<semaphore_mem>>
      %dma_start3A_39 = arith.constant 0 : i32
      %dma_start3A_40 = arith.constant 0 : i32
      %dma_start3A_41 = tpu.memref_slice %arg7[%dma_start3A, %dma_start3A_39, %dma_start3A_40] : memref<2x128x128xf32, #tpu.memory_space<vmem>> -> memref<1x128x128xf32, #tpu.memory_space<vmem>>
      %dma_start3A_42 = tpu.memref_squeeze %dma_start3A_41 : memref<1x128x128xf32, #tpu.memory_space<vmem>> -> memref<128x128xf32, #tpu.memory_space<vmem>>
      %dma_start3A_43 = arith.constant 0 : i32
      %dma_start3A_44 = tpu.memref_slice %arg2[%mul3A_29, %dma_start3A_43] : memref<160000x128xf32, #tpu.memory_space<hbm>> -> memref<128x128xf32, #tpu.memory_space<hbm>>
      tpu.enqueue_dma source(%dma_start3A_44 : memref<128x128xf32, #tpu.memory_space<hbm>>) target(%dma_start3A_42 : memref<128x128xf32, #tpu.memory_space<vmem>>) target_semaphore(%dma_start3A_38 : memref<!tpu.dma_semaphore, #tpu.memory_space<semaphore_mem>>)
    } else {
    }
    %while3A = arith.constant 0 : i32
    %while3A_12 = arith.constant 0 : i32
    %while3A_13 = arith.subi %max3A_5, %while3A_12 : i32
    %while3A_14 = arith.addi %while3A_12, %while3A_13 : i32
    %while3A_15 = arith.constant 1 : i32
    %while3A_16 = arith.divsi %while3A_13, %while3A_15 : i32
    %while3A_17 = arith.muli %while3A_16, %while3A_15 : i32
    %while3A_18 = arith.addi %while3A_12, %while3A_17 : i32
    %while3A_19 = arith.constant 1 : i32
    scf.for %while3A_26 = %while3A_12 to %while3A_18 step %while3A_19  : i32 {
      %rem3A = arith.constant 2 : i32
      %rem3A_27 = arith.remsi %while3A_26, %rem3A : i32
      %add3A_28 = arith.constant 1 : i32
      %add3A_29 = arith.addi %while3A_26, %add3A_28 : i32
      %rem3A_30 = arith.constant 2 : i32
      %rem3A_31 = arith.remsi %add3A_29, %rem3A_30 : i32
      %add3A_32 = arith.constant 1 : i32
      %add3A_33 = arith.addi %while3A_26, %add3A_32 : i32
      %lt3A_34 = arith.cmpi slt, %add3A_33, %max3A_5 : i32
      %convert_element_type3A_35 = arith.extui %lt3A_34 : i1 to i32
      %cond3A_36 = arith.constant 0 : i32
      %cond3A_37 = arith.cmpi ne, %convert_element_type3A_35, %cond3A_36 : i32
      scf.if %cond3A_37 {
        %mul3A_56 = arith.constant 40 : i32
        %mul3A_57 = arith.muli %add3A, %mul3A_56 : i32
        %add3A_58 = arith.addi %mul3A_57, %while3A_26 : i32
        %add3A_59 = arith.constant 1 : i32
        %add3A_60 = arith.addi %add3A_58, %add3A_59 : i32
        %mul3A_61 = arith.constant 128 : i32
        %mul3A_62 = arith.muli %add3A_60, %mul3A_61 : i32
        %dma_start3A = arith.constant 0 : i32
        %dma_start3A_63 = arith.constant 0 : i32
        %dma_start3A_64 = tpu.memref_slice %arg7[%rem3A_31, %dma_start3A, %dma_start3A_63] : memref<2x128x128xf32, #tpu.memory_space<vmem>> -> memref<1x128x128xf32, #tpu.memory_space<vmem>>
        %dma_start3A_65 = tpu.memref_squeeze %dma_start3A_64 : memref<1x128x128xf32, #tpu.memory_space<vmem>> -> memref<128x128xf32, #tpu.memory_space<vmem>>
        %dma_start3A_66 = arith.constant 0 : i32
        %dma_start3A_67 = tpu.memref_slice %arg2[%mul3A_62, %dma_start3A_66] : memref<160000x128xf32, #tpu.memory_space<hbm>> -> memref<128x128xf32, #tpu.memory_space<hbm>>
        %dma_start3A_68 = tpu.memref_slice %arg9[%rem3A_31] : memref<2x!tpu.dma_semaphore, #tpu.memory_space<semaphore_mem>> -> memref<1x!tpu.dma_semaphore, #tpu.memory_space<semaphore_mem>>
        %dma_start3A_69 = tpu.memref_squeeze %dma_start3A_68 : memref<1x!tpu.dma_semaphore, #tpu.memory_space<semaphore_mem>> -> memref<!tpu.dma_semaphore, #tpu.memory_space<semaphore_mem>>
        %dma_start3A_70 = arith.constant 0 : i32
        %dma_start3A_71 = arith.constant 0 : i32
        %dma_start3A_72 = tpu.memref_slice %arg7[%rem3A_31, %dma_start3A_70, %dma_start3A_71] : memref<2x128x128xf32, #tpu.memory_space<vmem>> -> memref<1x128x128xf32, #tpu.memory_space<vmem>>
        %dma_start3A_73 = tpu.memref_squeeze %dma_start3A_72 : memref<1x128x128xf32, #tpu.memory_space<vmem>> -> memref<128x128xf32, #tpu.memory_space<vmem>>
        %dma_start3A_74 = arith.constant 0 : i32
        %dma_start3A_75 = tpu.memref_slice %arg2[%mul3A_62, %dma_start3A_74] : memref<160000x128xf32, #tpu.memory_space<hbm>> -> memref<128x128xf32, #tpu.memory_space<hbm>>
        tpu.enqueue_dma source(%dma_start3A_75 : memref<128x128xf32, #tpu.memory_space<hbm>>) target(%dma_start3A_73 : memref<128x128xf32, #tpu.memory_space<vmem>>) target_semaphore(%dma_start3A_69 : memref<!tpu.dma_semaphore, #tpu.memory_space<semaphore_mem>>)
      } else {
      }
      %mul3A_38 = arith.constant 40 : i32
      %mul3A_39 = arith.muli %add3A, %mul3A_38 : i32
      %add3A_40 = arith.addi %mul3A_39, %while3A_26 : i32
      %mul3A_41 = arith.constant 128 : i32
      %mul3A_42 = arith.muli %add3A_40, %mul3A_41 : i32
      %dma_wait3A = arith.constant 0 : i32
      %dma_wait3A_43 = arith.constant 0 : i32
      %dma_wait3A_44 = tpu.memref_slice %arg7[%rem3A_27, %dma_wait3A, %dma_wait3A_43] : memref<2x128x128xf32, #tpu.memory_space<vmem>> -> memref<1x128x128xf32, #tpu.memory_space<vmem>>
      %dma_wait3A_45 = tpu.memref_squeeze %dma_wait3A_44 : memref<1x128x128xf32, #tpu.memory_space<vmem>> -> memref<128x128xf32, #tpu.memory_space<vmem>>
      %dma_wait3A_46 = arith.constant 0 : i32
      %dma_wait3A_47 = tpu.memref_slice %arg2[%mul3A_42, %dma_wait3A_46] : memref<160000x128xf32, #tpu.memory_space<hbm>> -> memref<128x128xf32, #tpu.memory_space<hbm>>
      %dma_wait3A_48 = tpu.memref_slice %arg9[%rem3A_27] : memref<2x!tpu.dma_semaphore, #tpu.memory_space<semaphore_mem>> -> memref<1x!tpu.dma_semaphore, #tpu.memory_space<semaphore_mem>>
      %dma_wait3A_49 = tpu.memref_squeeze %dma_wait3A_48 : memref<1x!tpu.dma_semaphore, #tpu.memory_space<semaphore_mem>> -> memref<!tpu.dma_semaphore, #tpu.memory_space<semaphore_mem>>
      %dma_wait3A_50 = arith.constant 0 : i32
      %dma_wait3A_51 = arith.constant 0 : i32
      %dma_wait3A_52 = tpu.memref_slice %arg7[%rem3A_27, %dma_wait3A_50, %dma_wait3A_51] : memref<2x128x128xf32, #tpu.memory_space<vmem>> -> memref<1x128x128xf32, #tpu.memory_space<vmem>>
      %dma_wait3A_53 = tpu.memref_squeeze %dma_wait3A_52 : memref<1x128x128xf32, #tpu.memory_space<vmem>> -> memref<128x128xf32, #tpu.memory_space<vmem>>
      %dma_wait3A_54 = arith.constant 0 : i32
      %dma_wait3A_55 = tpu.memref_slice %arg2[%mul3A_42, %dma_wait3A_54] : memref<160000x128xf32, #tpu.memory_space<hbm>> -> memref<128x128xf32, #tpu.memory_space<hbm>>
      tpu.wait_dma2 semaphore(%dma_wait3A_49 : memref<!tpu.dma_semaphore, #tpu.memory_space<semaphore_mem>>) src(%dma_wait3A_55 : memref<128x128xf32, #tpu.memory_space<hbm>>) dst(%dma_wait3A_53 : memref<128x128xf32, #tpu.memory_space<vmem>>)
      "tpu.region"() ({
        %run_scoped3A = tpu.sem_alloc : memref<!tpu.dma_semaphore, #tpu.memory_space<semaphore_mem>>
        %dma_start3A = arith.constant 0 : i32
        %dma_start3A_56 = arith.constant 0 : i32
        %dma_start3A_57 = tpu.memref_slice %arg7[%rem3A_27, %dma_start3A, %dma_start3A_56] : memref<2x128x128xf32, #tpu.memory_space<vmem>> -> memref<1x128x128xf32, #tpu.memory_space<vmem>>
        %dma_start3A_58 = tpu.memref_squeeze %dma_start3A_57 : memref<1x128x128xf32, #tpu.memory_space<vmem>> -> memref<128x128xf32, #tpu.memory_space<vmem>>
        %dma_start3A_59 = arith.constant 0 : i32
        %dma_start3A_60 = tpu.memref_slice %arg6[%while3A_26, %dma_start3A_59] : memref<40x128xi32, #tpu.memory_space<vmem>> -> memref<1x128xi32, #tpu.memory_space<vmem>>
        %dma_start3A_61 = tpu.memref_squeeze %dma_start3A_60 : memref<1x128xi32, #tpu.memory_space<vmem>> -> memref<128xi32, #tpu.memory_space<vmem>>
        %dma_start3A_62 = arith.constant 0 : i32
        %dma_start3A_63 = arith.constant 0 : i32
        %dma_start3A_64 = tpu.memref_slice %arg8[%dma_start3A_62, %dma_start3A_63] : memref<10000x128xf32, #tpu.memory_space<vmem_shared>> -> memref<10000x128xf32, #tpu.memory_space<vmem_shared>>
        tpu.enqueue_indirect_dma source(%dma_start3A_58 : memref<128x128xf32, #tpu.memory_space<vmem>>) target(%dma_start3A_64 : memref<10000x128xf32, #tpu.memory_space<vmem_shared>>) offsets(%dma_start3A_61 : memref<128xi32, #tpu.memory_space<vmem>>) semaphore(%run_scoped3A : memref<!tpu.dma_semaphore, #tpu.memory_space<semaphore_mem>>) {add = true}
        %dma_wait3A_65 = arith.constant 0 : i32
        %dma_wait3A_66 = arith.constant 0 : i32
        %dma_wait3A_67 = tpu.memref_slice %arg7[%rem3A_27, %dma_wait3A_65, %dma_wait3A_66] : memref<2x128x128xf32, #tpu.memory_space<vmem>> -> memref<1x128x128xf32, #tpu.memory_space<vmem>>
        %dma_wait3A_68 = tpu.memref_squeeze %dma_wait3A_67 : memref<1x128x128xf32, #tpu.memory_space<vmem>> -> memref<128x128xf32, #tpu.memory_space<vmem>>
        %dma_wait3A_69 = arith.constant 0 : i32
        %dma_wait3A_70 = tpu.memref_slice %arg6[%while3A_26, %dma_wait3A_69] : memref<40x128xi32, #tpu.memory_space<vmem>> -> memref<1x128xi32, #tpu.memory_space<vmem>>
        %dma_wait3A_71 = tpu.memref_squeeze %dma_wait3A_70 : memref<1x128xi32, #tpu.memory_space<vmem>> -> memref<128xi32, #tpu.memory_space<vmem>>
        %dma_wait3A_72 = arith.constant 0 : i32
        %dma_wait3A_73 = arith.constant 0 : i32
        %dma_wait3A_74 = tpu.memref_slice %arg8[%dma_wait3A_72, %dma_wait3A_73] : memref<10000x128xf32, #tpu.memory_space<vmem_shared>> -> memref<10000x128xf32, #tpu.memory_space<vmem_shared>>
        tpu.wait_indirect_dma semaphore(%run_scoped3A : memref<!tpu.dma_semaphore, #tpu.memory_space<semaphore_mem>>) src(%dma_wait3A_68 : memref<128x128xf32, #tpu.memory_space<vmem>>) dst(%dma_wait3A_74 : memref<10000x128xf32, #tpu.memory_space<vmem_shared>>)
        tpu.yield
      }) : () -> ()
    }
    %while3A_20 = arith.constant 1 : i32
    scf.for %while3A_26 = %while3A_18 to %while3A_14 step %while3A_20  : i32 {
      %rem3A = arith.constant 2 : i32
      %rem3A_27 = arith.remsi %while3A_26, %rem3A : i32
      %add3A_28 = arith.constant 1 : i32
      %add3A_29 = arith.addi %while3A_26, %add3A_28 : i32
      %rem3A_30 = arith.constant 2 : i32
      %rem3A_31 = arith.remsi %add3A_29, %rem3A_30 : i32
      %add3A_32 = arith.constant 1 : i32
      %add3A_33 = arith.addi %while3A_26, %add3A_32 : i32
      %lt3A_34 = arith.cmpi slt, %add3A_33, %max3A_5 : i32
      %convert_element_type3A_35 = arith.extui %lt3A_34 : i1 to i32
      %cond3A_36 = arith.constant 0 : i32
      %cond3A_37 = arith.cmpi ne, %convert_element_type3A_35, %cond3A_36 : i32
      scf.if %cond3A_37 {
        %mul3A_56 = arith.constant 40 : i32
        %mul3A_57 = arith.muli %add3A, %mul3A_56 : i32
        %add3A_58 = arith.addi %mul3A_57, %while3A_26 : i32
        %add3A_59 = arith.constant 1 : i32
        %add3A_60 = arith.addi %add3A_58, %add3A_59 : i32
        %mul3A_61 = arith.constant 128 : i32
        %mul3A_62 = arith.muli %add3A_60, %mul3A_61 : i32
        %dma_start3A = arith.constant 0 : i32
        %dma_start3A_63 = arith.constant 0 : i32
        %dma_start3A_64 = tpu.memref_slice %arg7[%rem3A_31, %dma_start3A, %dma_start3A_63] : memref<2x128x128xf32, #tpu.memory_space<vmem>> -> memref<1x128x128xf32, #tpu.memory_space<vmem>>
        %dma_start3A_65 = tpu.memref_squeeze %dma_start3A_64 : memref<1x128x128xf32, #tpu.memory_space<vmem>> -> memref<128x128xf32, #tpu.memory_space<vmem>>
        %dma_start3A_66 = arith.constant 0 : i32
        %dma_start3A_67 = tpu.memref_slice %arg2[%mul3A_62, %dma_start3A_66] : memref<160000x128xf32, #tpu.memory_space<hbm>> -> memref<128x128xf32, #tpu.memory_space<hbm>>
        %dma_start3A_68 = tpu.memref_slice %arg9[%rem3A_31] : memref<2x!tpu.dma_semaphore, #tpu.memory_space<semaphore_mem>> -> memref<1x!tpu.dma_semaphore, #tpu.memory_space<semaphore_mem>>
        %dma_start3A_69 = tpu.memref_squeeze %dma_start3A_68 : memref<1x!tpu.dma_semaphore, #tpu.memory_space<semaphore_mem>> -> memref<!tpu.dma_semaphore, #tpu.memory_space<semaphore_mem>>
        %dma_start3A_70 = arith.constant 0 : i32
        %dma_start3A_71 = arith.constant 0 : i32
        %dma_start3A_72 = tpu.memref_slice %arg7[%rem3A_31, %dma_start3A_70, %dma_start3A_71] : memref<2x128x128xf32, #tpu.memory_space<vmem>> -> memref<1x128x128xf32, #tpu.memory_space<vmem>>
        %dma_start3A_73 = tpu.memref_squeeze %dma_start3A_72 : memref<1x128x128xf32, #tpu.memory_space<vmem>> -> memref<128x128xf32, #tpu.memory_space<vmem>>
        %dma_start3A_74 = arith.constant 0 : i32
        %dma_start3A_75 = tpu.memref_slice %arg2[%mul3A_62, %dma_start3A_74] : memref<160000x128xf32, #tpu.memory_space<hbm>> -> memref<128x128xf32, #tpu.memory_space<hbm>>
        tpu.enqueue_dma source(%dma_start3A_75 : memref<128x128xf32, #tpu.memory_space<hbm>>) target(%dma_start3A_73 : memref<128x128xf32, #tpu.memory_space<vmem>>) target_semaphore(%dma_start3A_69 : memref<!tpu.dma_semaphore, #tpu.memory_space<semaphore_mem>>)
      } else {
      }
      %mul3A_38 = arith.constant 40 : i32
      %mul3A_39 = arith.muli %add3A, %mul3A_38 : i32
      %add3A_40 = arith.addi %mul3A_39, %while3A_26 : i32
      %mul3A_41 = arith.constant 128 : i32
      %mul3A_42 = arith.muli %add3A_40, %mul3A_41 : i32
      %dma_wait3A = arith.constant 0 : i32
      %dma_wait3A_43 = arith.constant 0 : i32
      %dma_wait3A_44 = tpu.memref_slice %arg7[%rem3A_27, %dma_wait3A, %dma_wait3A_43] : memref<2x128x128xf32, #tpu.memory_space<vmem>> -> memref<1x128x128xf32, #tpu.memory_space<vmem>>
      %dma_wait3A_45 = tpu.memref_squeeze %dma_wait3A_44 : memref<1x128x128xf32, #tpu.memory_space<vmem>> -> memref<128x128xf32, #tpu.memory_space<vmem>>
      %dma_wait3A_46 = arith.constant 0 : i32
      %dma_wait3A_47 = tpu.memref_slice %arg2[%mul3A_42, %dma_wait3A_46] : memref<160000x128xf32, #tpu.memory_space<hbm>> -> memref<128x128xf32, #tpu.memory_space<hbm>>
      %dma_wait3A_48 = tpu.memref_slice %arg9[%rem3A_27] : memref<2x!tpu.dma_semaphore, #tpu.memory_space<semaphore_mem>> -> memref<1x!tpu.dma_semaphore, #tpu.memory_space<semaphore_mem>>
      %dma_wait3A_49 = tpu.memref_squeeze %dma_wait3A_48 : memref<1x!tpu.dma_semaphore, #tpu.memory_space<semaphore_mem>> -> memref<!tpu.dma_semaphore, #tpu.memory_space<semaphore_mem>>
      %dma_wait3A_50 = arith.constant 0 : i32
      %dma_wait3A_51 = arith.constant 0 : i32
      %dma_wait3A_52 = tpu.memref_slice %arg7[%rem3A_27, %dma_wait3A_50, %dma_wait3A_51] : memref<2x128x128xf32, #tpu.memory_space<vmem>> -> memref<1x128x128xf32, #tpu.memory_space<vmem>>
      %dma_wait3A_53 = tpu.memref_squeeze %dma_wait3A_52 : memref<1x128x128xf32, #tpu.memory_space<vmem>> -> memref<128x128xf32, #tpu.memory_space<vmem>>
      %dma_wait3A_54 = arith.constant 0 : i32
      %dma_wait3A_55 = tpu.memref_slice %arg2[%mul3A_42, %dma_wait3A_54] : memref<160000x128xf32, #tpu.memory_space<hbm>> -> memref<128x128xf32, #tpu.memory_space<hbm>>
      tpu.wait_dma2 semaphore(%dma_wait3A_49 : memref<!tpu.dma_semaphore, #tpu.memory_space<semaphore_mem>>) src(%dma_wait3A_55 : memref<128x128xf32, #tpu.memory_space<hbm>>) dst(%dma_wait3A_53 : memref<128x128xf32, #tpu.memory_space<vmem>>)
      "tpu.region"() ({
        %run_scoped3A = tpu.sem_alloc : memref<!tpu.dma_semaphore, #tpu.memory_space<semaphore_mem>>
        %dma_start3A = arith.constant 0 : i32
        %dma_start3A_56 = arith.constant 0 : i32
        %dma_start3A_57 = tpu.memref_slice %arg7[%rem3A_27, %dma_start3A, %dma_start3A_56] : memref<2x128x128xf32, #tpu.memory_space<vmem>> -> memref<1x128x128xf32, #tpu.memory_space<vmem>>
        %dma_start3A_58 = tpu.memref_squeeze %dma_start3A_57 : memref<1x128x128xf32, #tpu.memory_space<vmem>> -> memref<128x128xf32, #tpu.memory_space<vmem>>
        %dma_start3A_59 = arith.constant 0 : i32
        %dma_start3A_60 = tpu.memref_slice %arg6[%while3A_26, %dma_start3A_59] : memref<40x128xi32, #tpu.memory_space<vmem>> -> memref<1x128xi32, #tpu.memory_space<vmem>>
        %dma_start3A_61 = tpu.memref_squeeze %dma_start3A_60 : memref<1x128xi32, #tpu.memory_space<vmem>> -> memref<128xi32, #tpu.memory_space<vmem>>
        %dma_start3A_62 = arith.constant 0 : i32
        %dma_start3A_63 = arith.constant 0 : i32
        %dma_start3A_64 = tpu.memref_slice %arg8[%dma_start3A_62, %dma_start3A_63] : memref<10000x128xf32, #tpu.memory_space<vmem_shared>> -> memref<10000x128xf32, #tpu.memory_space<vmem_shared>>
        tpu.enqueue_indirect_dma source(%dma_start3A_58 : memref<128x128xf32, #tpu.memory_space<vmem>>) target(%dma_start3A_64 : memref<10000x128xf32, #tpu.memory_space<vmem_shared>>) offsets(%dma_start3A_61 : memref<128xi32, #tpu.memory_space<vmem>>) semaphore(%run_scoped3A : memref<!tpu.dma_semaphore, #tpu.memory_space<semaphore_mem>>) {add = true}
        %dma_wait3A_65 = arith.constant 0 : i32
        %dma_wait3A_66 = arith.constant 0 : i32
        %dma_wait3A_67 = tpu.memref_slice %arg7[%rem3A_27, %dma_wait3A_65, %dma_wait3A_66] : memref<2x128x128xf32, #tpu.memory_space<vmem>> -> memref<1x128x128xf32, #tpu.memory_space<vmem>>
        %dma_wait3A_68 = tpu.memref_squeeze %dma_wait3A_67 : memref<1x128x128xf32, #tpu.memory_space<vmem>> -> memref<128x128xf32, #tpu.memory_space<vmem>>
        %dma_wait3A_69 = arith.constant 0 : i32
        %dma_wait3A_70 = tpu.memref_slice %arg6[%while3A_26, %dma_wait3A_69] : memref<40x128xi32, #tpu.memory_space<vmem>> -> memref<1x128xi32, #tpu.memory_space<vmem>>
        %dma_wait3A_71 = tpu.memref_squeeze %dma_wait3A_70 : memref<1x128xi32, #tpu.memory_space<vmem>> -> memref<128xi32, #tpu.memory_space<vmem>>
        %dma_wait3A_72 = arith.constant 0 : i32
        %dma_wait3A_73 = arith.constant 0 : i32
        %dma_wait3A_74 = tpu.memref_slice %arg8[%dma_wait3A_72, %dma_wait3A_73] : memref<10000x128xf32, #tpu.memory_space<vmem_shared>> -> memref<10000x128xf32, #tpu.memory_space<vmem_shared>>
        tpu.wait_indirect_dma semaphore(%run_scoped3A : memref<!tpu.dma_semaphore, #tpu.memory_space<semaphore_mem>>) src(%dma_wait3A_68 : memref<128x128xf32, #tpu.memory_space<vmem>>) dst(%dma_wait3A_74 : memref<10000x128xf32, #tpu.memory_space<vmem_shared>>)
        tpu.yield
      }) : () -> ()
    }
    %barrier3A_21 = arith.constant 0 : index
    tpu.barrier barrier_id(%barrier3A_21)
    %lt3A = arith.constant 10 : i32
    %lt3A_22 = arith.cmpi slt, %arg1, %lt3A : i32
    %convert_element_type3A_23 = arith.extui %lt3A_22 : i1 to i32
    %cond3A_24 = arith.constant 0 : i32
    %cond3A_25 = arith.cmpi ne, %convert_element_type3A_23, %cond3A_24 : i32
    scf.if %cond3A_25 {
      %mul3A_26 = arith.constant 1000 : i32
      %mul3A_27 = arith.muli %arg1, %mul3A_26 : i32
      %mul3A_28 = arith.constant 1000 : i32
      %mul3A_29 = arith.muli %arg1, %mul3A_28 : i32
      "tpu.region"() ({
        %run_scoped3A = tpu.sem_alloc : memref<!tpu.dma_semaphore, #tpu.memory_space<semaphore_mem>>
        %dma_start3A = arith.constant 0 : i32
        %dma_start3A_30 = arith.constant 0 : i32
        %dma_start3A_31 = tpu.memref_slice %arg5[%arg0, %dma_start3A, %dma_start3A_30] : memref<2x10000x128xf32, #tpu.memory_space<hbm>> -> memref<1x10000x128xf32, #tpu.memory_space<hbm>>
        %dma_start3A_32 = tpu.memref_squeeze %dma_start3A_31 : memref<1x10000x128xf32, #tpu.memory_space<hbm>> -> memref<10000x128xf32, #tpu.memory_space<hbm>>
        %dma_start3A_33 = arith.constant 0 : i32
        %dma_start3A_34 = tpu.memref_slice %dma_start3A_32[%mul3A_29, %dma_start3A_33] : memref<10000x128xf32, #tpu.memory_space<hbm>> -> memref<1000x128xf32, #tpu.memory_space<hbm>>
        %dma_start3A_35 = arith.constant 0 : i32
        %dma_start3A_36 = tpu.memref_slice %arg8[%mul3A_27, %dma_start3A_35] : memref<10000x128xf32, #tpu.memory_space<vmem_shared>> -> memref<1000x128xf32, #tpu.memory_space<vmem_shared>>
        tpu.enqueue_dma source(%dma_start3A_36 : memref<1000x128xf32, #tpu.memory_space<vmem_shared>>) target(%dma_start3A_34 : memref<1000x128xf32, #tpu.memory_space<hbm>>) target_semaphore(%run_scoped3A : memref<!tpu.dma_semaphore, #tpu.memory_space<semaphore_mem>>)
        %dma_wait3A = arith.constant 0 : i32
        %dma_wait3A_37 = arith.constant 0 : i32
        %dma_wait3A_38 = tpu.memref_slice %arg5[%arg0, %dma_wait3A, %dma_wait3A_37] : memref<2x10000x128xf32, #tpu.memory_space<hbm>> -> memref<1x10000x128xf32, #tpu.memory_space<hbm>>
        %dma_wait3A_39 = tpu.memref_squeeze %dma_wait3A_38 : memref<1x10000x128xf32, #tpu.memory_space<hbm>> -> memref<10000x128xf32, #tpu.memory_space<hbm>>
        %dma_wait3A_40 = arith.constant 0 : i32
        %dma_wait3A_41 = tpu.memref_slice %dma_wait3A_39[%mul3A_29, %dma_wait3A_40] : memref<10000x128xf32, #tpu.memory_space<hbm>> -> memref<1000x128xf32, #tpu.memory_space<hbm>>
        %dma_wait3A_42 = arith.constant 0 : i32
        %dma_wait3A_43 = tpu.memref_slice %arg8[%mul3A_27, %dma_wait3A_42] : memref<10000x128xf32, #tpu.memory_space<vmem_shared>> -> memref<1000x128xf32, #tpu.memory_space<vmem_shared>>
        tpu.wait_dma2 semaphore(%run_scoped3A : memref<!tpu.dma_semaphore, #tpu.memory_space<semaphore_mem>>) src(%dma_wait3A_43 : memref<1000x128xf32, #tpu.memory_space<vmem_shared>>) dst(%dma_wait3A_41 : memref<1000x128xf32, #tpu.memory_space<hbm>>)
        tpu.yield
      }) : () -> ()
    } else {
    }
    return
  }
}

#map = affine_map<(d0, d1) -> (0, 0)>
#map1 = affine_map<(d0, d1) -> (0, 0, 0)>
module attributes {stable_mosaic.version = 14 : i64} {
  func.func @k(%arg0: i32, %arg1: i32, %arg2: memref<10000x128xf32, #tpu.memory_space<hbm>>, %arg3: memref<32x40x128xi32, #tpu.memory_space<hbm>>, %arg4: memref<160000x128xf32, #tpu.memory_space<hbm>>, %arg5: memref<40x128xi32, #tpu.memory_space<vmem>>, %arg6: memref<2x128x128xf32, #tpu.memory_space<vmem>>, %arg7: memref<2x!tpu.dma_semaphore, #tpu.memory_space<semaphore_mem>>) attributes {dimension_semantics = [#tpu.dimension_semantics<core_parallel>, #tpu.dimension_semantics<subcore_parallel>], iteration_bounds = array<i64: 2, 16>, scalar_prefetch = 0 : i64, scratch_operands = 3 : i64, tpu.core_type = #tpu.core_type<sc_vector_subcore>, window_params = [{transform_indices = #map}, {transform_indices = #map1}, {transform_indices = #map}]} {
    %mul3A = arith.constant 2 : i32
    %mul3A_0 = arith.muli %arg1, %mul3A : i32
    %add3A = arith.addi %mul3A_0, %arg0 : i32
    %mul3A_1 = arith.constant 40 : i32
    %mul3A_2 = arith.muli %add3A, %mul3A_1 : i32
    %sub3A = arith.constant 1250 : i32
    %sub3A_3 = arith.subi %sub3A, %mul3A_2 : i32
    %min3A = arith.constant 40 : i32
    %min3A_4 = arith.minsi %min3A, %sub3A_3 : i32
    %max3A = arith.constant 0 : i32
    %max3A_5 = arith.maxsi %max3A, %min3A_4 : i32
    "tpu.region"() ({
      %run_scoped3A = tpu.sem_alloc : memref<!tpu.dma_semaphore, #tpu.memory_space<semaphore_mem>>
      %dma_start3A = arith.constant 0 : i32
      %dma_start3A_17 = arith.constant 0 : i32
      %dma_start3A_18 = tpu.memref_slice %arg3[%add3A, %dma_start3A, %dma_start3A_17] : memref<32x40x128xi32, #tpu.memory_space<hbm>> -> memref<1x40x128xi32, #tpu.memory_space<hbm>>
      %dma_start3A_19 = tpu.memref_squeeze %dma_start3A_18 : memref<1x40x128xi32, #tpu.memory_space<hbm>> -> memref<40x128xi32, #tpu.memory_space<hbm>>
      %dma_start3A_20 = arith.constant 0 : i32
      %dma_start3A_21 = arith.constant 0 : i32
      %dma_start3A_22 = tpu.memref_slice %arg3[%add3A, %dma_start3A_20, %dma_start3A_21] : memref<32x40x128xi32, #tpu.memory_space<hbm>> -> memref<1x40x128xi32, #tpu.memory_space<hbm>>
      %dma_start3A_23 = tpu.memref_squeeze %dma_start3A_22 : memref<1x40x128xi32, #tpu.memory_space<hbm>> -> memref<40x128xi32, #tpu.memory_space<hbm>>
      tpu.enqueue_dma source(%dma_start3A_23 : memref<40x128xi32, #tpu.memory_space<hbm>>) target(%arg5 : memref<40x128xi32, #tpu.memory_space<vmem>>) target_semaphore(%run_scoped3A : memref<!tpu.dma_semaphore, #tpu.memory_space<semaphore_mem>>)
      %dma_wait3A = arith.constant 0 : i32
      %dma_wait3A_24 = arith.constant 0 : i32
      %dma_wait3A_25 = tpu.memref_slice %arg3[%add3A, %dma_wait3A, %dma_wait3A_24] : memref<32x40x128xi32, #tpu.memory_space<hbm>> -> memref<1x40x128xi32, #tpu.memory_space<hbm>>
      %dma_wait3A_26 = tpu.memref_squeeze %dma_wait3A_25 : memref<1x40x128xi32, #tpu.memory_space<hbm>> -> memref<40x128xi32, #tpu.memory_space<hbm>>
      %dma_wait3A_27 = arith.constant 0 : i32
      %dma_wait3A_28 = arith.constant 0 : i32
      %dma_wait3A_29 = tpu.memref_slice %arg3[%add3A, %dma_wait3A_27, %dma_wait3A_28] : memref<32x40x128xi32, #tpu.memory_space<hbm>> -> memref<1x40x128xi32, #tpu.memory_space<hbm>>
      %dma_wait3A_30 = tpu.memref_squeeze %dma_wait3A_29 : memref<1x40x128xi32, #tpu.memory_space<hbm>> -> memref<40x128xi32, #tpu.memory_space<hbm>>
      tpu.wait_dma2 semaphore(%run_scoped3A : memref<!tpu.dma_semaphore, #tpu.memory_space<semaphore_mem>>) src(%dma_wait3A_30 : memref<40x128xi32, #tpu.memory_space<hbm>>) dst(%arg5 : memref<40x128xi32, #tpu.memory_space<vmem>>)
      tpu.yield
    }) : () -> ()
    %gt3A = arith.constant 0 : i32
    %gt3A_6 = arith.cmpi sgt, %max3A_5, %gt3A : i32
    %convert_element_type3A = arith.extui %gt3A_6 : i1 to i32
    %cond3A = arith.constant 0 : i32
    %cond3A_7 = arith.cmpi ne, %convert_element_type3A, %cond3A : i32
    scf.if %cond3A_7 {
      %dma_start3A = arith.constant 0 : i32
      %dma_start3A_17 = arith.constant 0 : i32
      %dma_start3A_18 = arith.constant 0 : i32
      %dma_start3A_19 = arith.constant 0 : i32
      %dma_start3A_20 = arith.constant 0 : i32
      %dma_start3A_21 = tpu.memref_slice %arg6[%dma_start3A_17, %dma_start3A_19, %dma_start3A_20] : memref<2x128x128xf32, #tpu.memory_space<vmem>> -> memref<1x128x128xf32, #tpu.memory_space<vmem>>
      %dma_start3A_22 = tpu.memref_squeeze %dma_start3A_21 : memref<1x128x128xf32, #tpu.memory_space<vmem>> -> memref<128x128xf32, #tpu.memory_space<vmem>>
      %dma_start3A_23 = arith.constant 0 : i32
      %dma_start3A_24 = tpu.memref_slice %arg5[%dma_start3A, %dma_start3A_23] : memref<40x128xi32, #tpu.memory_space<vmem>> -> memref<1x128xi32, #tpu.memory_space<vmem>>
      %dma_start3A_25 = tpu.memref_squeeze %dma_start3A_24 : memref<1x128xi32, #tpu.memory_space<vmem>> -> memref<128xi32, #tpu.memory_space<vmem>>
      %dma_start3A_26 = arith.constant 0 : i32
      %dma_start3A_27 = arith.constant 0 : i32
      %dma_start3A_28 = tpu.memref_slice %arg2[%dma_start3A_26, %dma_start3A_27] : memref<10000x128xf32, #tpu.memory_space<hbm>> -> memref<10000x128xf32, #tpu.memory_space<hbm>>
      %dma_start3A_29 = tpu.memref_slice %arg7[%dma_start3A_18] : memref<2x!tpu.dma_semaphore, #tpu.memory_space<semaphore_mem>> -> memref<1x!tpu.dma_semaphore, #tpu.memory_space<semaphore_mem>>
      %dma_start3A_30 = tpu.memref_squeeze %dma_start3A_29 : memref<1x!tpu.dma_semaphore, #tpu.memory_space<semaphore_mem>> -> memref<!tpu.dma_semaphore, #tpu.memory_space<semaphore_mem>>
      tpu.enqueue_indirect_dma source(%dma_start3A_28 : memref<10000x128xf32, #tpu.memory_space<hbm>>) target(%dma_start3A_22 : memref<128x128xf32, #tpu.memory_space<vmem>>) offsets(%dma_start3A_25 : memref<128xi32, #tpu.memory_space<vmem>>) semaphore(%dma_start3A_30 : memref<!tpu.dma_semaphore, #tpu.memory_space<semaphore_mem>>)
    } else {
    }
    %while3A = arith.constant 0 : i32
    %while3A_8 = arith.constant 0 : i32
    %while3A_9 = arith.subi %max3A_5, %while3A_8 : i32
    %while3A_10 = arith.addi %while3A_8, %while3A_9 : i32
    %while3A_11 = arith.constant 1 : i32
    %while3A_12 = arith.divsi %while3A_9, %while3A_11 : i32
    %while3A_13 = arith.muli %while3A_12, %while3A_11 : i32
    %while3A_14 = arith.addi %while3A_8, %while3A_13 : i32
    %while3A_15 = arith.constant 1 : i32
    scf.for %while3A_17 = %while3A_8 to %while3A_14 step %while3A_15  : i32 {
      %rem3A = arith.constant 2 : i32
      %rem3A_18 = arith.remsi %while3A_17, %rem3A : i32
      %add3A_19 = arith.constant 1 : i32
      %add3A_20 = arith.addi %while3A_17, %add3A_19 : i32
      %rem3A_21 = arith.constant 2 : i32
      %rem3A_22 = arith.remsi %add3A_20, %rem3A_21 : i32
      %add3A_23 = arith.constant 1 : i32
      %add3A_24 = arith.addi %while3A_17, %add3A_23 : i32
      %lt3A = arith.cmpi slt, %add3A_24, %max3A_5 : i32
      %convert_element_type3A_25 = arith.extui %lt3A : i1 to i32
      %cond3A_26 = arith.constant 0 : i32
      %cond3A_27 = arith.cmpi ne, %convert_element_type3A_25, %cond3A_26 : i32
      scf.if %cond3A_27 {
        %add3A_44 = arith.constant 1 : i32
        %add3A_45 = arith.addi %while3A_17, %add3A_44 : i32
        %dma_start3A = arith.constant 0 : i32
        %dma_start3A_46 = arith.constant 0 : i32
        %dma_start3A_47 = tpu.memref_slice %arg6[%rem3A_22, %dma_start3A, %dma_start3A_46] : memref<2x128x128xf32, #tpu.memory_space<vmem>> -> memref<1x128x128xf32, #tpu.memory_space<vmem>>
        %dma_start3A_48 = tpu.memref_squeeze %dma_start3A_47 : memref<1x128x128xf32, #tpu.memory_space<vmem>> -> memref<128x128xf32, #tpu.memory_space<vmem>>
        %dma_start3A_49 = arith.constant 0 : i32
        %dma_start3A_50 = tpu.memref_slice %arg5[%add3A_45, %dma_start3A_49] : memref<40x128xi32, #tpu.memory_space<vmem>> -> memref<1x128xi32, #tpu.memory_space<vmem>>
        %dma_start3A_51 = tpu.memref_squeeze %dma_start3A_50 : memref<1x128xi32, #tpu.memory_space<vmem>> -> memref<128xi32, #tpu.memory_space<vmem>>
        %dma_start3A_52 = arith.constant 0 : i32
        %dma_start3A_53 = arith.constant 0 : i32
        %dma_start3A_54 = tpu.memref_slice %arg2[%dma_start3A_52, %dma_start3A_53] : memref<10000x128xf32, #tpu.memory_space<hbm>> -> memref<10000x128xf32, #tpu.memory_space<hbm>>
        %dma_start3A_55 = tpu.memref_slice %arg7[%rem3A_22] : memref<2x!tpu.dma_semaphore, #tpu.memory_space<semaphore_mem>> -> memref<1x!tpu.dma_semaphore, #tpu.memory_space<semaphore_mem>>
        %dma_start3A_56 = tpu.memref_squeeze %dma_start3A_55 : memref<1x!tpu.dma_semaphore, #tpu.memory_space<semaphore_mem>> -> memref<!tpu.dma_semaphore, #tpu.memory_space<semaphore_mem>>
        tpu.enqueue_indirect_dma source(%dma_start3A_54 : memref<10000x128xf32, #tpu.memory_space<hbm>>) target(%dma_start3A_48 : memref<128x128xf32, #tpu.memory_space<vmem>>) offsets(%dma_start3A_51 : memref<128xi32, #tpu.memory_space<vmem>>) semaphore(%dma_start3A_56 : memref<!tpu.dma_semaphore, #tpu.memory_space<semaphore_mem>>)
      } else {
      }
      %dma_wait3A = arith.constant 0 : i32
      %dma_wait3A_28 = arith.constant 0 : i32
      %dma_wait3A_29 = tpu.memref_slice %arg6[%rem3A_18, %dma_wait3A, %dma_wait3A_28] : memref<2x128x128xf32, #tpu.memory_space<vmem>> -> memref<1x128x128xf32, #tpu.memory_space<vmem>>
      %dma_wait3A_30 = tpu.memref_squeeze %dma_wait3A_29 : memref<1x128x128xf32, #tpu.memory_space<vmem>> -> memref<128x128xf32, #tpu.memory_space<vmem>>
      %dma_wait3A_31 = arith.constant 0 : i32
      %dma_wait3A_32 = tpu.memref_slice %arg5[%while3A_17, %dma_wait3A_31] : memref<40x128xi32, #tpu.memory_space<vmem>> -> memref<1x128xi32, #tpu.memory_space<vmem>>
      %dma_wait3A_33 = tpu.memref_squeeze %dma_wait3A_32 : memref<1x128xi32, #tpu.memory_space<vmem>> -> memref<128xi32, #tpu.memory_space<vmem>>
      %dma_wait3A_34 = arith.constant 0 : i32
      %dma_wait3A_35 = arith.constant 0 : i32
      %dma_wait3A_36 = tpu.memref_slice %arg2[%dma_wait3A_34, %dma_wait3A_35] : memref<10000x128xf32, #tpu.memory_space<hbm>> -> memref<10000x128xf32, #tpu.memory_space<hbm>>
      %dma_wait3A_37 = tpu.memref_slice %arg7[%rem3A_18] : memref<2x!tpu.dma_semaphore, #tpu.memory_space<semaphore_mem>> -> memref<1x!tpu.dma_semaphore, #tpu.memory_space<semaphore_mem>>
      %dma_wait3A_38 = tpu.memref_squeeze %dma_wait3A_37 : memref<1x!tpu.dma_semaphore, #tpu.memory_space<semaphore_mem>> -> memref<!tpu.dma_semaphore, #tpu.memory_space<semaphore_mem>>
      tpu.wait_indirect_dma semaphore(%dma_wait3A_38 : memref<!tpu.dma_semaphore, #tpu.memory_space<semaphore_mem>>) src(%dma_wait3A_36 : memref<10000x128xf32, #tpu.memory_space<hbm>>) dst(%dma_wait3A_30 : memref<128x128xf32, #tpu.memory_space<vmem>>)
      %mul3A_39 = arith.constant 40 : i32
      %mul3A_40 = arith.muli %add3A, %mul3A_39 : i32
      %add3A_41 = arith.addi %mul3A_40, %while3A_17 : i32
      %mul3A_42 = arith.constant 128 : i32
      %mul3A_43 = arith.muli %add3A_41, %mul3A_42 : i32
      "tpu.region"() ({
        %run_scoped3A = tpu.sem_alloc : memref<!tpu.dma_semaphore, #tpu.memory_space<semaphore_mem>>
        %dma_start3A = arith.constant 0 : i32
        %dma_start3A_44 = arith.constant 0 : i32
        %dma_start3A_45 = tpu.memref_slice %arg6[%rem3A_18, %dma_start3A, %dma_start3A_44] : memref<2x128x128xf32, #tpu.memory_space<vmem>> -> memref<1x128x128xf32, #tpu.memory_space<vmem>>
        %dma_start3A_46 = tpu.memref_squeeze %dma_start3A_45 : memref<1x128x128xf32, #tpu.memory_space<vmem>> -> memref<128x128xf32, #tpu.memory_space<vmem>>
        %dma_start3A_47 = arith.constant 0 : i32
        %dma_start3A_48 = tpu.memref_slice %arg4[%mul3A_43, %dma_start3A_47] : memref<160000x128xf32, #tpu.memory_space<hbm>> -> memref<128x128xf32, #tpu.memory_space<hbm>>
        %dma_start3A_49 = arith.constant 0 : i32
        %dma_start3A_50 = tpu.memref_slice %arg4[%mul3A_43, %dma_start3A_49] : memref<160000x128xf32, #tpu.memory_space<hbm>> -> memref<128x128xf32, #tpu.memory_space<hbm>>
        %dma_start3A_51 = arith.constant 0 : i32
        %dma_start3A_52 = arith.constant 0 : i32
        %dma_start3A_53 = tpu.memref_slice %arg6[%rem3A_18, %dma_start3A_51, %dma_start3A_52] : memref<2x128x128xf32, #tpu.memory_space<vmem>> -> memref<1x128x128xf32, #tpu.memory_space<vmem>>
        %dma_start3A_54 = tpu.memref_squeeze %dma_start3A_53 : memref<1x128x128xf32, #tpu.memory_space<vmem>> -> memref<128x128xf32, #tpu.memory_space<vmem>>
        tpu.enqueue_dma source(%dma_start3A_54 : memref<128x128xf32, #tpu.memory_space<vmem>>) target(%dma_start3A_50 : memref<128x128xf32, #tpu.memory_space<hbm>>) target_semaphore(%run_scoped3A : memref<!tpu.dma_semaphore, #tpu.memory_space<semaphore_mem>>)
        %dma_wait3A_55 = arith.constant 0 : i32
        %dma_wait3A_56 = arith.constant 0 : i32
        %dma_wait3A_57 = tpu.memref_slice %arg6[%rem3A_18, %dma_wait3A_55, %dma_wait3A_56] : memref<2x128x128xf32, #tpu.memory_space<vmem>> -> memref<1x128x128xf32, #tpu.memory_space<vmem>>
        %dma_wait3A_58 = tpu.memref_squeeze %dma_wait3A_57 : memref<1x128x128xf32, #tpu.memory_space<vmem>> -> memref<128x128xf32, #tpu.memory_space<vmem>>
        %dma_wait3A_59 = arith.constant 0 : i32
        %dma_wait3A_60 = tpu.memref_slice %arg4[%mul3A_43, %dma_wait3A_59] : memref<160000x128xf32, #tpu.memory_space<hbm>> -> memref<128x128xf32, #tpu.memory_space<hbm>>
        %dma_wait3A_61 = arith.constant 0 : i32
        %dma_wait3A_62 = tpu.memref_slice %arg4[%mul3A_43, %dma_wait3A_61] : memref<160000x128xf32, #tpu.memory_space<hbm>> -> memref<128x128xf32, #tpu.memory_space<hbm>>
        %dma_wait3A_63 = arith.constant 0 : i32
        %dma_wait3A_64 = arith.constant 0 : i32
        %dma_wait3A_65 = tpu.memref_slice %arg6[%rem3A_18, %dma_wait3A_63, %dma_wait3A_64] : memref<2x128x128xf32, #tpu.memory_space<vmem>> -> memref<1x128x128xf32, #tpu.memory_space<vmem>>
        %dma_wait3A_66 = tpu.memref_squeeze %dma_wait3A_65 : memref<1x128x128xf32, #tpu.memory_space<vmem>> -> memref<128x128xf32, #tpu.memory_space<vmem>>
        tpu.wait_dma2 semaphore(%run_scoped3A : memref<!tpu.dma_semaphore, #tpu.memory_space<semaphore_mem>>) src(%dma_wait3A_66 : memref<128x128xf32, #tpu.memory_space<vmem>>) dst(%dma_wait3A_62 : memref<128x128xf32, #tpu.memory_space<hbm>>)
        tpu.yield
      }) : () -> ()
    }
    %while3A_16 = arith.constant 1 : i32
    scf.for %while3A_17 = %while3A_14 to %while3A_10 step %while3A_16  : i32 {
      %rem3A = arith.constant 2 : i32
      %rem3A_18 = arith.remsi %while3A_17, %rem3A : i32
      %add3A_19 = arith.constant 1 : i32
      %add3A_20 = arith.addi %while3A_17, %add3A_19 : i32
      %rem3A_21 = arith.constant 2 : i32
      %rem3A_22 = arith.remsi %add3A_20, %rem3A_21 : i32
      %add3A_23 = arith.constant 1 : i32
      %add3A_24 = arith.addi %while3A_17, %add3A_23 : i32
      %lt3A = arith.cmpi slt, %add3A_24, %max3A_5 : i32
      %convert_element_type3A_25 = arith.extui %lt3A : i1 to i32
      %cond3A_26 = arith.constant 0 : i32
      %cond3A_27 = arith.cmpi ne, %convert_element_type3A_25, %cond3A_26 : i32
      scf.if %cond3A_27 {
        %add3A_44 = arith.constant 1 : i32
        %add3A_45 = arith.addi %while3A_17, %add3A_44 : i32
        %dma_start3A = arith.constant 0 : i32
        %dma_start3A_46 = arith.constant 0 : i32
        %dma_start3A_47 = tpu.memref_slice %arg6[%rem3A_22, %dma_start3A, %dma_start3A_46] : memref<2x128x128xf32, #tpu.memory_space<vmem>> -> memref<1x128x128xf32, #tpu.memory_space<vmem>>
        %dma_start3A_48 = tpu.memref_squeeze %dma_start3A_47 : memref<1x128x128xf32, #tpu.memory_space<vmem>> -> memref<128x128xf32, #tpu.memory_space<vmem>>
        %dma_start3A_49 = arith.constant 0 : i32
        %dma_start3A_50 = tpu.memref_slice %arg5[%add3A_45, %dma_start3A_49] : memref<40x128xi32, #tpu.memory_space<vmem>> -> memref<1x128xi32, #tpu.memory_space<vmem>>
        %dma_start3A_51 = tpu.memref_squeeze %dma_start3A_50 : memref<1x128xi32, #tpu.memory_space<vmem>> -> memref<128xi32, #tpu.memory_space<vmem>>
        %dma_start3A_52 = arith.constant 0 : i32
        %dma_start3A_53 = arith.constant 0 : i32
        %dma_start3A_54 = tpu.memref_slice %arg2[%dma_start3A_52, %dma_start3A_53] : memref<10000x128xf32, #tpu.memory_space<hbm>> -> memref<10000x128xf32, #tpu.memory_space<hbm>>
        %dma_start3A_55 = tpu.memref_slice %arg7[%rem3A_22] : memref<2x!tpu.dma_semaphore, #tpu.memory_space<semaphore_mem>> -> memref<1x!tpu.dma_semaphore, #tpu.memory_space<semaphore_mem>>
        %dma_start3A_56 = tpu.memref_squeeze %dma_start3A_55 : memref<1x!tpu.dma_semaphore, #tpu.memory_space<semaphore_mem>> -> memref<!tpu.dma_semaphore, #tpu.memory_space<semaphore_mem>>
        tpu.enqueue_indirect_dma source(%dma_start3A_54 : memref<10000x128xf32, #tpu.memory_space<hbm>>) target(%dma_start3A_48 : memref<128x128xf32, #tpu.memory_space<vmem>>) offsets(%dma_start3A_51 : memref<128xi32, #tpu.memory_space<vmem>>) semaphore(%dma_start3A_56 : memref<!tpu.dma_semaphore, #tpu.memory_space<semaphore_mem>>)
      } else {
      }
      %dma_wait3A = arith.constant 0 : i32
      %dma_wait3A_28 = arith.constant 0 : i32
      %dma_wait3A_29 = tpu.memref_slice %arg6[%rem3A_18, %dma_wait3A, %dma_wait3A_28] : memref<2x128x128xf32, #tpu.memory_space<vmem>> -> memref<1x128x128xf32, #tpu.memory_space<vmem>>
      %dma_wait3A_30 = tpu.memref_squeeze %dma_wait3A_29 : memref<1x128x128xf32, #tpu.memory_space<vmem>> -> memref<128x128xf32, #tpu.memory_space<vmem>>
      %dma_wait3A_31 = arith.constant 0 : i32
      %dma_wait3A_32 = tpu.memref_slice %arg5[%while3A_17, %dma_wait3A_31] : memref<40x128xi32, #tpu.memory_space<vmem>> -> memref<1x128xi32, #tpu.memory_space<vmem>>
      %dma_wait3A_33 = tpu.memref_squeeze %dma_wait3A_32 : memref<1x128xi32, #tpu.memory_space<vmem>> -> memref<128xi32, #tpu.memory_space<vmem>>
      %dma_wait3A_34 = arith.constant 0 : i32
      %dma_wait3A_35 = arith.constant 0 : i32
      %dma_wait3A_36 = tpu.memref_slice %arg2[%dma_wait3A_34, %dma_wait3A_35] : memref<10000x128xf32, #tpu.memory_space<hbm>> -> memref<10000x128xf32, #tpu.memory_space<hbm>>
      %dma_wait3A_37 = tpu.memref_slice %arg7[%rem3A_18] : memref<2x!tpu.dma_semaphore, #tpu.memory_space<semaphore_mem>> -> memref<1x!tpu.dma_semaphore, #tpu.memory_space<semaphore_mem>>
      %dma_wait3A_38 = tpu.memref_squeeze %dma_wait3A_37 : memref<1x!tpu.dma_semaphore, #tpu.memory_space<semaphore_mem>> -> memref<!tpu.dma_semaphore, #tpu.memory_space<semaphore_mem>>
      tpu.wait_indirect_dma semaphore(%dma_wait3A_38 : memref<!tpu.dma_semaphore, #tpu.memory_space<semaphore_mem>>) src(%dma_wait3A_36 : memref<10000x128xf32, #tpu.memory_space<hbm>>) dst(%dma_wait3A_30 : memref<128x128xf32, #tpu.memory_space<vmem>>)
      %mul3A_39 = arith.constant 40 : i32
      %mul3A_40 = arith.muli %add3A, %mul3A_39 : i32
      %add3A_41 = arith.addi %mul3A_40, %while3A_17 : i32
      %mul3A_42 = arith.constant 128 : i32
      %mul3A_43 = arith.muli %add3A_41, %mul3A_42 : i32
      "tpu.region"() ({
        %run_scoped3A = tpu.sem_alloc : memref<!tpu.dma_semaphore, #tpu.memory_space<semaphore_mem>>
        %dma_start3A = arith.constant 0 : i32
        %dma_start3A_44 = arith.constant 0 : i32
        %dma_start3A_45 = tpu.memref_slice %arg6[%rem3A_18, %dma_start3A, %dma_start3A_44] : memref<2x128x128xf32, #tpu.memory_space<vmem>> -> memref<1x128x128xf32, #tpu.memory_space<vmem>>
        %dma_start3A_46 = tpu.memref_squeeze %dma_start3A_45 : memref<1x128x128xf32, #tpu.memory_space<vmem>> -> memref<128x128xf32, #tpu.memory_space<vmem>>
        %dma_start3A_47 = arith.constant 0 : i32
        %dma_start3A_48 = tpu.memref_slice %arg4[%mul3A_43, %dma_start3A_47] : memref<160000x128xf32, #tpu.memory_space<hbm>> -> memref<128x128xf32, #tpu.memory_space<hbm>>
        %dma_start3A_49 = arith.constant 0 : i32
        %dma_start3A_50 = tpu.memref_slice %arg4[%mul3A_43, %dma_start3A_49] : memref<160000x128xf32, #tpu.memory_space<hbm>> -> memref<128x128xf32, #tpu.memory_space<hbm>>
        %dma_start3A_51 = arith.constant 0 : i32
        %dma_start3A_52 = arith.constant 0 : i32
        %dma_start3A_53 = tpu.memref_slice %arg6[%rem3A_18, %dma_start3A_51, %dma_start3A_52] : memref<2x128x128xf32, #tpu.memory_space<vmem>> -> memref<1x128x128xf32, #tpu.memory_space<vmem>>
        %dma_start3A_54 = tpu.memref_squeeze %dma_start3A_53 : memref<1x128x128xf32, #tpu.memory_space<vmem>> -> memref<128x128xf32, #tpu.memory_space<vmem>>
        tpu.enqueue_dma source(%dma_start3A_54 : memref<128x128xf32, #tpu.memory_space<vmem>>) target(%dma_start3A_50 : memref<128x128xf32, #tpu.memory_space<hbm>>) target_semaphore(%run_scoped3A : memref<!tpu.dma_semaphore, #tpu.memory_space<semaphore_mem>>)
        %dma_wait3A_55 = arith.constant 0 : i32
        %dma_wait3A_56 = arith.constant 0 : i32
        %dma_wait3A_57 = tpu.memref_slice %arg6[%rem3A_18, %dma_wait3A_55, %dma_wait3A_56] : memref<2x128x128xf32, #tpu.memory_space<vmem>> -> memref<1x128x128xf32, #tpu.memory_space<vmem>>
        %dma_wait3A_58 = tpu.memref_squeeze %dma_wait3A_57 : memref<1x128x128xf32, #tpu.memory_space<vmem>> -> memref<128x128xf32, #tpu.memory_space<vmem>>
        %dma_wait3A_59 = arith.constant 0 : i32
        %dma_wait3A_60 = tpu.memref_slice %arg4[%mul3A_43, %dma_wait3A_59] : memref<160000x128xf32, #tpu.memory_space<hbm>> -> memref<128x128xf32, #tpu.memory_space<hbm>>
        %dma_wait3A_61 = arith.constant 0 : i32
        %dma_wait3A_62 = tpu.memref_slice %arg4[%mul3A_43, %dma_wait3A_61] : memref<160000x128xf32, #tpu.memory_space<hbm>> -> memref<128x128xf32, #tpu.memory_space<hbm>>
        %dma_wait3A_63 = arith.constant 0 : i32
        %dma_wait3A_64 = arith.constant 0 : i32
        %dma_wait3A_65 = tpu.memref_slice %arg6[%rem3A_18, %dma_wait3A_63, %dma_wait3A_64] : memref<2x128x128xf32, #tpu.memory_space<vmem>> -> memref<1x128x128xf32, #tpu.memory_space<vmem>>
        %dma_wait3A_66 = tpu.memref_squeeze %dma_wait3A_65 : memref<1x128x128xf32, #tpu.memory_space<vmem>> -> memref<128x128xf32, #tpu.memory_space<vmem>>
        tpu.wait_dma2 semaphore(%run_scoped3A : memref<!tpu.dma_semaphore, #tpu.memory_space<semaphore_mem>>) src(%dma_wait3A_66 : memref<128x128xf32, #tpu.memory_space<vmem>>) dst(%dma_wait3A_62 : memref<128x128xf32, #tpu.memory_space<hbm>>)
        tpu.yield
      }) : () -> ()
    }
    return
  }
}

#map = affine_map<(d0, d1) -> (0, 0)>
#map1 = affine_map<(d0, d1) -> (0, 0, 0)>
module attributes {stable_mosaic.version = 14 : i64} {
  func.func @k(%arg0: i32, %arg1: i32, %arg2: memref<10000x128xf32, #tpu.memory_space<hbm>>, %arg3: memref<32x40x128xi32, #tpu.memory_space<hbm>>, %arg4: memref<160000x128xf32, #tpu.memory_space<hbm>>, %arg5: memref<40x128xi32, #tpu.memory_space<vmem>>, %arg6: memref<2x128x128xf32, #tpu.memory_space<vmem>>, %arg7: memref<2x!tpu.dma_semaphore, #tpu.memory_space<semaphore_mem>>) attributes {dimension_semantics = [#tpu.dimension_semantics<core_parallel>, #tpu.dimension_semantics<subcore_parallel>], iteration_bounds = array<i64: 2, 16>, scalar_prefetch = 0 : i64, scratch_operands = 3 : i64, tpu.core_type = #tpu.core_type<sc_vector_subcore>, window_params = [{transform_indices = #map}, {transform_indices = #map1}, {transform_indices = #map}]} {
    %mul3A = arith.constant 2 : i32
    %mul3A_0 = arith.muli %arg1, %mul3A : i32
    %add3A = arith.addi %mul3A_0, %arg0 : i32
    %mul3A_1 = arith.constant 40 : i32
    %mul3A_2 = arith.muli %add3A, %mul3A_1 : i32
    %sub3A = arith.constant 1250 : i32
    %sub3A_3 = arith.subi %sub3A, %mul3A_2 : i32
    %min3A = arith.constant 40 : i32
    %min3A_4 = arith.minsi %min3A, %sub3A_3 : i32
    %max3A = arith.constant 0 : i32
    %max3A_5 = arith.maxsi %max3A, %min3A_4 : i32
    "tpu.region"() ({
      %run_scoped3A = tpu.sem_alloc : memref<!tpu.dma_semaphore, #tpu.memory_space<semaphore_mem>>
      %dma_start3A = arith.constant 0 : i32
      %dma_start3A_17 = arith.constant 0 : i32
      %dma_start3A_18 = tpu.memref_slice %arg3[%add3A, %dma_start3A, %dma_start3A_17] : memref<32x40x128xi32, #tpu.memory_space<hbm>> -> memref<1x40x128xi32, #tpu.memory_space<hbm>>
      %dma_start3A_19 = tpu.memref_squeeze %dma_start3A_18 : memref<1x40x128xi32, #tpu.memory_space<hbm>> -> memref<40x128xi32, #tpu.memory_space<hbm>>
      %dma_start3A_20 = arith.constant 0 : i32
      %dma_start3A_21 = arith.constant 0 : i32
      %dma_start3A_22 = tpu.memref_slice %arg3[%add3A, %dma_start3A_20, %dma_start3A_21] : memref<32x40x128xi32, #tpu.memory_space<hbm>> -> memref<1x40x128xi32, #tpu.memory_space<hbm>>
      %dma_start3A_23 = tpu.memref_squeeze %dma_start3A_22 : memref<1x40x128xi32, #tpu.memory_space<hbm>> -> memref<40x128xi32, #tpu.memory_space<hbm>>
      tpu.enqueue_dma source(%dma_start3A_23 : memref<40x128xi32, #tpu.memory_space<hbm>>) target(%arg5 : memref<40x128xi32, #tpu.memory_space<vmem>>) target_semaphore(%run_scoped3A : memref<!tpu.dma_semaphore, #tpu.memory_space<semaphore_mem>>)
      %dma_wait3A = arith.constant 0 : i32
      %dma_wait3A_24 = arith.constant 0 : i32
      %dma_wait3A_25 = tpu.memref_slice %arg3[%add3A, %dma_wait3A, %dma_wait3A_24] : memref<32x40x128xi32, #tpu.memory_space<hbm>> -> memref<1x40x128xi32, #tpu.memory_space<hbm>>
      %dma_wait3A_26 = tpu.memref_squeeze %dma_wait3A_25 : memref<1x40x128xi32, #tpu.memory_space<hbm>> -> memref<40x128xi32, #tpu.memory_space<hbm>>
      %dma_wait3A_27 = arith.constant 0 : i32
      %dma_wait3A_28 = arith.constant 0 : i32
      %dma_wait3A_29 = tpu.memref_slice %arg3[%add3A, %dma_wait3A_27, %dma_wait3A_28] : memref<32x40x128xi32, #tpu.memory_space<hbm>> -> memref<1x40x128xi32, #tpu.memory_space<hbm>>
      %dma_wait3A_30 = tpu.memref_squeeze %dma_wait3A_29 : memref<1x40x128xi32, #tpu.memory_space<hbm>> -> memref<40x128xi32, #tpu.memory_space<hbm>>
      tpu.wait_dma2 semaphore(%run_scoped3A : memref<!tpu.dma_semaphore, #tpu.memory_space<semaphore_mem>>) src(%dma_wait3A_30 : memref<40x128xi32, #tpu.memory_space<hbm>>) dst(%arg5 : memref<40x128xi32, #tpu.memory_space<vmem>>)
      tpu.yield
    }) : () -> ()
    %gt3A = arith.constant 0 : i32
    %gt3A_6 = arith.cmpi sgt, %max3A_5, %gt3A : i32
    %convert_element_type3A = arith.extui %gt3A_6 : i1 to i32
    %cond3A = arith.constant 0 : i32
    %cond3A_7 = arith.cmpi ne, %convert_element_type3A, %cond3A : i32
    scf.if %cond3A_7 {
      %dma_start3A = arith.constant 0 : i32
      %dma_start3A_17 = arith.constant 0 : i32
      %dma_start3A_18 = arith.constant 0 : i32
      %dma_start3A_19 = arith.constant 0 : i32
      %dma_start3A_20 = arith.constant 0 : i32
      %dma_start3A_21 = tpu.memref_slice %arg6[%dma_start3A_17, %dma_start3A_19, %dma_start3A_20] : memref<2x128x128xf32, #tpu.memory_space<vmem>> -> memref<1x128x128xf32, #tpu.memory_space<vmem>>
      %dma_start3A_22 = tpu.memref_squeeze %dma_start3A_21 : memref<1x128x128xf32, #tpu.memory_space<vmem>> -> memref<128x128xf32, #tpu.memory_space<vmem>>
      %dma_start3A_23 = arith.constant 0 : i32
      %dma_start3A_24 = tpu.memref_slice %arg5[%dma_start3A, %dma_start3A_23] : memref<40x128xi32, #tpu.memory_space<vmem>> -> memref<1x128xi32, #tpu.memory_space<vmem>>
      %dma_start3A_25 = tpu.memref_squeeze %dma_start3A_24 : memref<1x128xi32, #tpu.memory_space<vmem>> -> memref<128xi32, #tpu.memory_space<vmem>>
      %dma_start3A_26 = arith.constant 0 : i32
      %dma_start3A_27 = arith.constant 0 : i32
      %dma_start3A_28 = tpu.memref_slice %arg2[%dma_start3A_26, %dma_start3A_27] : memref<10000x128xf32, #tpu.memory_space<hbm>> -> memref<10000x128xf32, #tpu.memory_space<hbm>>
      %dma_start3A_29 = tpu.memref_slice %arg7[%dma_start3A_18] : memref<2x!tpu.dma_semaphore, #tpu.memory_space<semaphore_mem>> -> memref<1x!tpu.dma_semaphore, #tpu.memory_space<semaphore_mem>>
      %dma_start3A_30 = tpu.memref_squeeze %dma_start3A_29 : memref<1x!tpu.dma_semaphore, #tpu.memory_space<semaphore_mem>> -> memref<!tpu.dma_semaphore, #tpu.memory_space<semaphore_mem>>
      tpu.enqueue_indirect_dma source(%dma_start3A_28 : memref<10000x128xf32, #tpu.memory_space<hbm>>) target(%dma_start3A_22 : memref<128x128xf32, #tpu.memory_space<vmem>>) offsets(%dma_start3A_25 : memref<128xi32, #tpu.memory_space<vmem>>) semaphore(%dma_start3A_30 : memref<!tpu.dma_semaphore, #tpu.memory_space<semaphore_mem>>)
    } else {
    }
    %while3A = arith.constant 0 : i32
    %while3A_8 = arith.constant 0 : i32
    %while3A_9 = arith.subi %max3A_5, %while3A_8 : i32
    %while3A_10 = arith.addi %while3A_8, %while3A_9 : i32
    %while3A_11 = arith.constant 1 : i32
    %while3A_12 = arith.divsi %while3A_9, %while3A_11 : i32
    %while3A_13 = arith.muli %while3A_12, %while3A_11 : i32
    %while3A_14 = arith.addi %while3A_8, %while3A_13 : i32
    %while3A_15 = arith.constant 1 : i32
    scf.for %while3A_17 = %while3A_8 to %while3A_14 step %while3A_15  : i32 {
      %rem3A = arith.constant 2 : i32
      %rem3A_18 = arith.remsi %while3A_17, %rem3A : i32
      %add3A_19 = arith.constant 1 : i32
      %add3A_20 = arith.addi %while3A_17, %add3A_19 : i32
      %rem3A_21 = arith.constant 2 : i32
      %rem3A_22 = arith.remsi %add3A_20, %rem3A_21 : i32
      %add3A_23 = arith.constant 1 : i32
      %add3A_24 = arith.addi %while3A_17, %add3A_23 : i32
      %lt3A = arith.cmpi slt, %add3A_24, %max3A_5 : i32
      %convert_element_type3A_25 = arith.extui %lt3A : i1 to i32
      %cond3A_26 = arith.constant 0 : i32
      %cond3A_27 = arith.cmpi ne, %convert_element_type3A_25, %cond3A_26 : i32
      scf.if %cond3A_27 {
        %add3A_44 = arith.constant 1 : i32
        %add3A_45 = arith.addi %while3A_17, %add3A_44 : i32
        %dma_start3A = arith.constant 0 : i32
        %dma_start3A_46 = arith.constant 0 : i32
        %dma_start3A_47 = tpu.memref_slice %arg6[%rem3A_22, %dma_start3A, %dma_start3A_46] : memref<2x128x128xf32, #tpu.memory_space<vmem>> -> memref<1x128x128xf32, #tpu.memory_space<vmem>>
        %dma_start3A_48 = tpu.memref_squeeze %dma_start3A_47 : memref<1x128x128xf32, #tpu.memory_space<vmem>> -> memref<128x128xf32, #tpu.memory_space<vmem>>
        %dma_start3A_49 = arith.constant 0 : i32
        %dma_start3A_50 = tpu.memref_slice %arg5[%add3A_45, %dma_start3A_49] : memref<40x128xi32, #tpu.memory_space<vmem>> -> memref<1x128xi32, #tpu.memory_space<vmem>>
        %dma_start3A_51 = tpu.memref_squeeze %dma_start3A_50 : memref<1x128xi32, #tpu.memory_space<vmem>> -> memref<128xi32, #tpu.memory_space<vmem>>
        %dma_start3A_52 = arith.constant 0 : i32
        %dma_start3A_53 = arith.constant 0 : i32
        %dma_start3A_54 = tpu.memref_slice %arg2[%dma_start3A_52, %dma_start3A_53] : memref<10000x128xf32, #tpu.memory_space<hbm>> -> memref<10000x128xf32, #tpu.memory_space<hbm>>
        %dma_start3A_55 = tpu.memref_slice %arg7[%rem3A_22] : memref<2x!tpu.dma_semaphore, #tpu.memory_space<semaphore_mem>> -> memref<1x!tpu.dma_semaphore, #tpu.memory_space<semaphore_mem>>
        %dma_start3A_56 = tpu.memref_squeeze %dma_start3A_55 : memref<1x!tpu.dma_semaphore, #tpu.memory_space<semaphore_mem>> -> memref<!tpu.dma_semaphore, #tpu.memory_space<semaphore_mem>>
        tpu.enqueue_indirect_dma source(%dma_start3A_54 : memref<10000x128xf32, #tpu.memory_space<hbm>>) target(%dma_start3A_48 : memref<128x128xf32, #tpu.memory_space<vmem>>) offsets(%dma_start3A_51 : memref<128xi32, #tpu.memory_space<vmem>>) semaphore(%dma_start3A_56 : memref<!tpu.dma_semaphore, #tpu.memory_space<semaphore_mem>>)
      } else {
      }
      %dma_wait3A = arith.constant 0 : i32
      %dma_wait3A_28 = arith.constant 0 : i32
      %dma_wait3A_29 = tpu.memref_slice %arg6[%rem3A_18, %dma_wait3A, %dma_wait3A_28] : memref<2x128x128xf32, #tpu.memory_space<vmem>> -> memref<1x128x128xf32, #tpu.memory_space<vmem>>
      %dma_wait3A_30 = tpu.memref_squeeze %dma_wait3A_29 : memref<1x128x128xf32, #tpu.memory_space<vmem>> -> memref<128x128xf32, #tpu.memory_space<vmem>>
      %dma_wait3A_31 = arith.constant 0 : i32
      %dma_wait3A_32 = tpu.memref_slice %arg5[%while3A_17, %dma_wait3A_31] : memref<40x128xi32, #tpu.memory_space<vmem>> -> memref<1x128xi32, #tpu.memory_space<vmem>>
      %dma_wait3A_33 = tpu.memref_squeeze %dma_wait3A_32 : memref<1x128xi32, #tpu.memory_space<vmem>> -> memref<128xi32, #tpu.memory_space<vmem>>
      %dma_wait3A_34 = arith.constant 0 : i32
      %dma_wait3A_35 = arith.constant 0 : i32
      %dma_wait3A_36 = tpu.memref_slice %arg2[%dma_wait3A_34, %dma_wait3A_35] : memref<10000x128xf32, #tpu.memory_space<hbm>> -> memref<10000x128xf32, #tpu.memory_space<hbm>>
      %dma_wait3A_37 = tpu.memref_slice %arg7[%rem3A_18] : memref<2x!tpu.dma_semaphore, #tpu.memory_space<semaphore_mem>> -> memref<1x!tpu.dma_semaphore, #tpu.memory_space<semaphore_mem>>
      %dma_wait3A_38 = tpu.memref_squeeze %dma_wait3A_37 : memref<1x!tpu.dma_semaphore, #tpu.memory_space<semaphore_mem>> -> memref<!tpu.dma_semaphore, #tpu.memory_space<semaphore_mem>>
      tpu.wait_indirect_dma semaphore(%dma_wait3A_38 : memref<!tpu.dma_semaphore, #tpu.memory_space<semaphore_mem>>) src(%dma_wait3A_36 : memref<10000x128xf32, #tpu.memory_space<hbm>>) dst(%dma_wait3A_30 : memref<128x128xf32, #tpu.memory_space<vmem>>)
      %mul3A_39 = arith.constant 40 : i32
      %mul3A_40 = arith.muli %add3A, %mul3A_39 : i32
      %add3A_41 = arith.addi %mul3A_40, %while3A_17 : i32
      %mul3A_42 = arith.constant 128 : i32
      %mul3A_43 = arith.muli %add3A_41, %mul3A_42 : i32
      "tpu.region"() ({
        %run_scoped3A = tpu.sem_alloc : memref<!tpu.dma_semaphore, #tpu.memory_space<semaphore_mem>>
        %dma_start3A = arith.constant 0 : i32
        %dma_start3A_44 = arith.constant 0 : i32
        %dma_start3A_45 = tpu.memref_slice %arg6[%rem3A_18, %dma_start3A, %dma_start3A_44] : memref<2x128x128xf32, #tpu.memory_space<vmem>> -> memref<1x128x128xf32, #tpu.memory_space<vmem>>
        %dma_start3A_46 = tpu.memref_squeeze %dma_start3A_45 : memref<1x128x128xf32, #tpu.memory_space<vmem>> -> memref<128x128xf32, #tpu.memory_space<vmem>>
        %dma_start3A_47 = arith.constant 0 : i32
        %dma_start3A_48 = tpu.memref_slice %arg4[%mul3A_43, %dma_start3A_47] : memref<160000x128xf32, #tpu.memory_space<hbm>> -> memref<128x128xf32, #tpu.memory_space<hbm>>
        %dma_start3A_49 = arith.constant 0 : i32
        %dma_start3A_50 = tpu.memref_slice %arg4[%mul3A_43, %dma_start3A_49] : memref<160000x128xf32, #tpu.memory_space<hbm>> -> memref<128x128xf32, #tpu.memory_space<hbm>>
        %dma_start3A_51 = arith.constant 0 : i32
        %dma_start3A_52 = arith.constant 0 : i32
        %dma_start3A_53 = tpu.memref_slice %arg6[%rem3A_18, %dma_start3A_51, %dma_start3A_52] : memref<2x128x128xf32, #tpu.memory_space<vmem>> -> memref<1x128x128xf32, #tpu.memory_space<vmem>>
        %dma_start3A_54 = tpu.memref_squeeze %dma_start3A_53 : memref<1x128x128xf32, #tpu.memory_space<vmem>> -> memref<128x128xf32, #tpu.memory_space<vmem>>
        tpu.enqueue_dma source(%dma_start3A_54 : memref<128x128xf32, #tpu.memory_space<vmem>>) target(%dma_start3A_50 : memref<128x128xf32, #tpu.memory_space<hbm>>) target_semaphore(%run_scoped3A : memref<!tpu.dma_semaphore, #tpu.memory_space<semaphore_mem>>)
        %dma_wait3A_55 = arith.constant 0 : i32
        %dma_wait3A_56 = arith.constant 0 : i32
        %dma_wait3A_57 = tpu.memref_slice %arg6[%rem3A_18, %dma_wait3A_55, %dma_wait3A_56] : memref<2x128x128xf32, #tpu.memory_space<vmem>> -> memref<1x128x128xf32, #tpu.memory_space<vmem>>
        %dma_wait3A_58 = tpu.memref_squeeze %dma_wait3A_57 : memref<1x128x128xf32, #tpu.memory_space<vmem>> -> memref<128x128xf32, #tpu.memory_space<vmem>>
        %dma_wait3A_59 = arith.constant 0 : i32
        %dma_wait3A_60 = tpu.memref_slice %arg4[%mul3A_43, %dma_wait3A_59] : memref<160000x128xf32, #tpu.memory_space<hbm>> -> memref<128x128xf32, #tpu.memory_space<hbm>>
        %dma_wait3A_61 = arith.constant 0 : i32
        %dma_wait3A_62 = tpu.memref_slice %arg4[%mul3A_43, %dma_wait3A_61] : memref<160000x128xf32, #tpu.memory_space<hbm>> -> memref<128x128xf32, #tpu.memory_space<hbm>>
        %dma_wait3A_63 = arith.constant 0 : i32
        %dma_wait3A_64 = arith.constant 0 : i32
        %dma_wait3A_65 = tpu.memref_slice %arg6[%rem3A_18, %dma_wait3A_63, %dma_wait3A_64] : memref<2x128x128xf32, #tpu.memory_space<vmem>> -> memref<1x128x128xf32, #tpu.memory_space<vmem>>
        %dma_wait3A_66 = tpu.memref_squeeze %dma_wait3A_65 : memref<1x128x128xf32, #tpu.memory_space<vmem>> -> memref<128x128xf32, #tpu.memory_space<vmem>>
        tpu.wait_dma2 semaphore(%run_scoped3A : memref<!tpu.dma_semaphore, #tpu.memory_space<semaphore_mem>>) src(%dma_wait3A_66 : memref<128x128xf32, #tpu.memory_space<vmem>>) dst(%dma_wait3A_62 : memref<128x128xf32, #tpu.memory_space<hbm>>)
        tpu.yield
      }) : () -> ()
    }
    %while3A_16 = arith.constant 1 : i32
    scf.for %while3A_17 = %while3A_14 to %while3A_10 step %while3A_16  : i32 {
      %rem3A = arith.constant 2 : i32
      %rem3A_18 = arith.remsi %while3A_17, %rem3A : i32
      %add3A_19 = arith.constant 1 : i32
      %add3A_20 = arith.addi %while3A_17, %add3A_19 : i32
      %rem3A_21 = arith.constant 2 : i32
      %rem3A_22 = arith.remsi %add3A_20, %rem3A_21 : i32
      %add3A_23 = arith.constant 1 : i32
      %add3A_24 = arith.addi %while3A_17, %add3A_23 : i32
      %lt3A = arith.cmpi slt, %add3A_24, %max3A_5 : i32
      %convert_element_type3A_25 = arith.extui %lt3A : i1 to i32
      %cond3A_26 = arith.constant 0 : i32
      %cond3A_27 = arith.cmpi ne, %convert_element_type3A_25, %cond3A_26 : i32
      scf.if %cond3A_27 {
        %add3A_44 = arith.constant 1 : i32
        %add3A_45 = arith.addi %while3A_17, %add3A_44 : i32
        %dma_start3A = arith.constant 0 : i32
        %dma_start3A_46 = arith.constant 0 : i32
        %dma_start3A_47 = tpu.memref_slice %arg6[%rem3A_22, %dma_start3A, %dma_start3A_46] : memref<2x128x128xf32, #tpu.memory_space<vmem>> -> memref<1x128x128xf32, #tpu.memory_space<vmem>>
        %dma_start3A_48 = tpu.memref_squeeze %dma_start3A_47 : memref<1x128x128xf32, #tpu.memory_space<vmem>> -> memref<128x128xf32, #tpu.memory_space<vmem>>
        %dma_start3A_49 = arith.constant 0 : i32
        %dma_start3A_50 = tpu.memref_slice %arg5[%add3A_45, %dma_start3A_49] : memref<40x128xi32, #tpu.memory_space<vmem>> -> memref<1x128xi32, #tpu.memory_space<vmem>>
        %dma_start3A_51 = tpu.memref_squeeze %dma_start3A_50 : memref<1x128xi32, #tpu.memory_space<vmem>> -> memref<128xi32, #tpu.memory_space<vmem>>
        %dma_start3A_52 = arith.constant 0 : i32
        %dma_start3A_53 = arith.constant 0 : i32
        %dma_start3A_54 = tpu.memref_slice %arg2[%dma_start3A_52, %dma_start3A_53] : memref<10000x128xf32, #tpu.memory_space<hbm>> -> memref<10000x128xf32, #tpu.memory_space<hbm>>
        %dma_start3A_55 = tpu.memref_slice %arg7[%rem3A_22] : memref<2x!tpu.dma_semaphore, #tpu.memory_space<semaphore_mem>> -> memref<1x!tpu.dma_semaphore, #tpu.memory_space<semaphore_mem>>
        %dma_start3A_56 = tpu.memref_squeeze %dma_start3A_55 : memref<1x!tpu.dma_semaphore, #tpu.memory_space<semaphore_mem>> -> memref<!tpu.dma_semaphore, #tpu.memory_space<semaphore_mem>>
        tpu.enqueue_indirect_dma source(%dma_start3A_54 : memref<10000x128xf32, #tpu.memory_space<hbm>>) target(%dma_start3A_48 : memref<128x128xf32, #tpu.memory_space<vmem>>) offsets(%dma_start3A_51 : memref<128xi32, #tpu.memory_space<vmem>>) semaphore(%dma_start3A_56 : memref<!tpu.dma_semaphore, #tpu.memory_space<semaphore_mem>>)
      } else {
      }
      %dma_wait3A = arith.constant 0 : i32
      %dma_wait3A_28 = arith.constant 0 : i32
      %dma_wait3A_29 = tpu.memref_slice %arg6[%rem3A_18, %dma_wait3A, %dma_wait3A_28] : memref<2x128x128xf32, #tpu.memory_space<vmem>> -> memref<1x128x128xf32, #tpu.memory_space<vmem>>
      %dma_wait3A_30 = tpu.memref_squeeze %dma_wait3A_29 : memref<1x128x128xf32, #tpu.memory_space<vmem>> -> memref<128x128xf32, #tpu.memory_space<vmem>>
      %dma_wait3A_31 = arith.constant 0 : i32
      %dma_wait3A_32 = tpu.memref_slice %arg5[%while3A_17, %dma_wait3A_31] : memref<40x128xi32, #tpu.memory_space<vmem>> -> memref<1x128xi32, #tpu.memory_space<vmem>>
      %dma_wait3A_33 = tpu.memref_squeeze %dma_wait3A_32 : memref<1x128xi32, #tpu.memory_space<vmem>> -> memref<128xi32, #tpu.memory_space<vmem>>
      %dma_wait3A_34 = arith.constant 0 : i32
      %dma_wait3A_35 = arith.constant 0 : i32
      %dma_wait3A_36 = tpu.memref_slice %arg2[%dma_wait3A_34, %dma_wait3A_35] : memref<10000x128xf32, #tpu.memory_space<hbm>> -> memref<10000x128xf32, #tpu.memory_space<hbm>>
      %dma_wait3A_37 = tpu.memref_slice %arg7[%rem3A_18] : memref<2x!tpu.dma_semaphore, #tpu.memory_space<semaphore_mem>> -> memref<1x!tpu.dma_semaphore, #tpu.memory_space<semaphore_mem>>
      %dma_wait3A_38 = tpu.memref_squeeze %dma_wait3A_37 : memref<1x!tpu.dma_semaphore, #tpu.memory_space<semaphore_mem>> -> memref<!tpu.dma_semaphore, #tpu.memory_space<semaphore_mem>>
      tpu.wait_indirect_dma semaphore(%dma_wait3A_38 : memref<!tpu.dma_semaphore, #tpu.memory_space<semaphore_mem>>) src(%dma_wait3A_36 : memref<10000x128xf32, #tpu.memory_space<hbm>>) dst(%dma_wait3A_30 : memref<128x128xf32, #tpu.memory_space<vmem>>)
      %mul3A_39 = arith.constant 40 : i32
      %mul3A_40 = arith.muli %add3A, %mul3A_39 : i32
      %add3A_41 = arith.addi %mul3A_40, %while3A_17 : i32
      %mul3A_42 = arith.constant 128 : i32
      %mul3A_43 = arith.muli %add3A_41, %mul3A_42 : i32
      "tpu.region"() ({
        %run_scoped3A = tpu.sem_alloc : memref<!tpu.dma_semaphore, #tpu.memory_space<semaphore_mem>>
        %dma_start3A = arith.constant 0 : i32
        %dma_start3A_44 = arith.constant 0 : i32
        %dma_start3A_45 = tpu.memref_slice %arg6[%rem3A_18, %dma_start3A, %dma_start3A_44] : memref<2x128x128xf32, #tpu.memory_space<vmem>> -> memref<1x128x128xf32, #tpu.memory_space<vmem>>
        %dma_start3A_46 = tpu.memref_squeeze %dma_start3A_45 : memref<1x128x128xf32, #tpu.memory_space<vmem>> -> memref<128x128xf32, #tpu.memory_space<vmem>>
        %dma_start3A_47 = arith.constant 0 : i32
        %dma_start3A_48 = tpu.memref_slice %arg4[%mul3A_43, %dma_start3A_47] : memref<160000x128xf32, #tpu.memory_space<hbm>> -> memref<128x128xf32, #tpu.memory_space<hbm>>
        %dma_start3A_49 = arith.constant 0 : i32
        %dma_start3A_50 = tpu.memref_slice %arg4[%mul3A_43, %dma_start3A_49] : memref<160000x128xf32, #tpu.memory_space<hbm>> -> memref<128x128xf32, #tpu.memory_space<hbm>>
        %dma_start3A_51 = arith.constant 0 : i32
        %dma_start3A_52 = arith.constant 0 : i32
        %dma_start3A_53 = tpu.memref_slice %arg6[%rem3A_18, %dma_start3A_51, %dma_start3A_52] : memref<2x128x128xf32, #tpu.memory_space<vmem>> -> memref<1x128x128xf32, #tpu.memory_space<vmem>>
        %dma_start3A_54 = tpu.memref_squeeze %dma_start3A_53 : memref<1x128x128xf32, #tpu.memory_space<vmem>> -> memref<128x128xf32, #tpu.memory_space<vmem>>
        tpu.enqueue_dma source(%dma_start3A_54 : memref<128x128xf32, #tpu.memory_space<vmem>>) target(%dma_start3A_50 : memref<128x128xf32, #tpu.memory_space<hbm>>) target_semaphore(%run_scoped3A : memref<!tpu.dma_semaphore, #tpu.memory_space<semaphore_mem>>)
        %dma_wait3A_55 = arith.constant 0 : i32
        %dma_wait3A_56 = arith.constant 0 : i32
        %dma_wait3A_57 = tpu.memref_slice %arg6[%rem3A_18, %dma_wait3A_55, %dma_wait3A_56] : memref<2x128x128xf32, #tpu.memory_space<vmem>> -> memref<1x128x128xf32, #tpu.memory_space<vmem>>
        %dma_wait3A_58 = tpu.memref_squeeze %dma_wait3A_57 : memref<1x128x128xf32, #tpu.memory_space<vmem>> -> memref<128x128xf32, #tpu.memory_space<vmem>>
        %dma_wait3A_59 = arith.constant 0 : i32
        %dma_wait3A_60 = tpu.memref_slice %arg4[%mul3A_43, %dma_wait3A_59] : memref<160000x128xf32, #tpu.memory_space<hbm>> -> memref<128x128xf32, #tpu.memory_space<hbm>>
        %dma_wait3A_61 = arith.constant 0 : i32
        %dma_wait3A_62 = tpu.memref_slice %arg4[%mul3A_43, %dma_wait3A_61] : memref<160000x128xf32, #tpu.memory_space<hbm>> -> memref<128x128xf32, #tpu.memory_space<hbm>>
        %dma_wait3A_63 = arith.constant 0 : i32
        %dma_wait3A_64 = arith.constant 0 : i32
        %dma_wait3A_65 = tpu.memref_slice %arg6[%rem3A_18, %dma_wait3A_63, %dma_wait3A_64] : memref<2x128x128xf32, #tpu.memory_space<vmem>> -> memref<1x128x128xf32, #tpu.memory_space<vmem>>
        %dma_wait3A_66 = tpu.memref_squeeze %dma_wait3A_65 : memref<1x128x128xf32, #tpu.memory_space<vmem>> -> memref<128x128xf32, #tpu.memory_space<vmem>>
        tpu.wait_dma2 semaphore(%run_scoped3A : memref<!tpu.dma_semaphore, #tpu.memory_space<semaphore_mem>>) src(%dma_wait3A_66 : memref<128x128xf32, #tpu.memory_space<vmem>>) dst(%dma_wait3A_62 : memref<128x128xf32, #tpu.memory_space<hbm>>)
        tpu.yield
      }) : () -> ()
    }
    return
  }
}

#map = affine_map<(d0, d1) -> (0, 0)>
#map1 = affine_map<(d0, d1) -> (0, 0, 0)>
module attributes {stable_mosaic.version = 14 : i64} {
  func.func @k(%arg0: i32, %arg1: i32, %arg2: memref<160000x128xf32, #tpu.memory_space<hbm>>, %arg3: memref<32x40x128xi32, #tpu.memory_space<hbm>>, %arg4: memref<10000x128xf32, #tpu.memory_space<hbm>>, %arg5: memref<2x10000x128xf32, #tpu.memory_space<hbm>>, %arg6: memref<40x128xi32, #tpu.memory_space<vmem>>, %arg7: memref<2x128x128xf32, #tpu.memory_space<vmem>>, %arg8: memref<10000x128xf32, #tpu.memory_space<vmem_shared>>, %arg9: memref<2x!tpu.dma_semaphore, #tpu.memory_space<semaphore_mem>>) attributes {dimension_semantics = [#tpu.dimension_semantics<core_parallel>, #tpu.dimension_semantics<subcore_parallel>], iteration_bounds = array<i64: 2, 16>, scalar_prefetch = 0 : i64, scratch_operands = 4 : i64, tpu.core_type = #tpu.core_type<sc_vector_subcore>, window_params = [{transform_indices = #map}, {transform_indices = #map1}, {transform_indices = #map}, {transform_indices = #map1}]} {
    %mul3A = arith.constant 2 : i32
    %mul3A_0 = arith.muli %arg1, %mul3A : i32
    %add3A = arith.addi %mul3A_0, %arg0 : i32
    %mul3A_1 = arith.constant 40 : i32
    %mul3A_2 = arith.muli %add3A, %mul3A_1 : i32
    %sub3A = arith.constant 1250 : i32
    %sub3A_3 = arith.subi %sub3A, %mul3A_2 : i32
    %min3A = arith.constant 40 : i32
    %min3A_4 = arith.minsi %min3A, %sub3A_3 : i32
    %max3A = arith.constant 0 : i32
    %max3A_5 = arith.maxsi %max3A, %min3A_4 : i32
    %eq3A = arith.constant 0 : i32
    %eq3A_6 = arith.cmpi eq, %arg1, %eq3A : i32
    %convert_element_type3A = arith.extui %eq3A_6 : i1 to i32
    %cond3A = arith.constant 0 : i32
    %cond3A_7 = arith.cmpi ne, %convert_element_type3A, %cond3A : i32
    scf.if %cond3A_7 {
      "tpu.region"() ({
        %run_scoped3A = tpu.sem_alloc : memref<!tpu.dma_semaphore, #tpu.memory_space<semaphore_mem>>
        tpu.enqueue_dma source(%arg4 : memref<10000x128xf32, #tpu.memory_space<hbm>>) target(%arg8 : memref<10000x128xf32, #tpu.memory_space<vmem_shared>>) target_semaphore(%run_scoped3A : memref<!tpu.dma_semaphore, #tpu.memory_space<semaphore_mem>>)
        tpu.wait_dma2 semaphore(%run_scoped3A : memref<!tpu.dma_semaphore, #tpu.memory_space<semaphore_mem>>) src(%arg4 : memref<10000x128xf32, #tpu.memory_space<hbm>>) dst(%arg8 : memref<10000x128xf32, #tpu.memory_space<vmem_shared>>)
        tpu.yield
      }) : () -> ()
    } else {
    }
    %barrier3A = arith.constant 0 : index
    tpu.barrier barrier_id(%barrier3A)
    "tpu.region"() ({
      %run_scoped3A = tpu.sem_alloc : memref<!tpu.dma_semaphore, #tpu.memory_space<semaphore_mem>>
      %dma_start3A = arith.constant 0 : i32
      %dma_start3A_26 = arith.constant 0 : i32
      %dma_start3A_27 = tpu.memref_slice %arg3[%add3A, %dma_start3A, %dma_start3A_26] : memref<32x40x128xi32, #tpu.memory_space<hbm>> -> memref<1x40x128xi32, #tpu.memory_space<hbm>>
      %dma_start3A_28 = tpu.memref_squeeze %dma_start3A_27 : memref<1x40x128xi32, #tpu.memory_space<hbm>> -> memref<40x128xi32, #tpu.memory_space<hbm>>
      %dma_start3A_29 = arith.constant 0 : i32
      %dma_start3A_30 = arith.constant 0 : i32
      %dma_start3A_31 = tpu.memref_slice %arg3[%add3A, %dma_start3A_29, %dma_start3A_30] : memref<32x40x128xi32, #tpu.memory_space<hbm>> -> memref<1x40x128xi32, #tpu.memory_space<hbm>>
      %dma_start3A_32 = tpu.memref_squeeze %dma_start3A_31 : memref<1x40x128xi32, #tpu.memory_space<hbm>> -> memref<40x128xi32, #tpu.memory_space<hbm>>
      tpu.enqueue_dma source(%dma_start3A_32 : memref<40x128xi32, #tpu.memory_space<hbm>>) target(%arg6 : memref<40x128xi32, #tpu.memory_space<vmem>>) target_semaphore(%run_scoped3A : memref<!tpu.dma_semaphore, #tpu.memory_space<semaphore_mem>>)
      %dma_wait3A = arith.constant 0 : i32
      %dma_wait3A_33 = arith.constant 0 : i32
      %dma_wait3A_34 = tpu.memref_slice %arg3[%add3A, %dma_wait3A, %dma_wait3A_33] : memref<32x40x128xi32, #tpu.memory_space<hbm>> -> memref<1x40x128xi32, #tpu.memory_space<hbm>>
      %dma_wait3A_35 = tpu.memref_squeeze %dma_wait3A_34 : memref<1x40x128xi32, #tpu.memory_space<hbm>> -> memref<40x128xi32, #tpu.memory_space<hbm>>
      %dma_wait3A_36 = arith.constant 0 : i32
      %dma_wait3A_37 = arith.constant 0 : i32
      %dma_wait3A_38 = tpu.memref_slice %arg3[%add3A, %dma_wait3A_36, %dma_wait3A_37] : memref<32x40x128xi32, #tpu.memory_space<hbm>> -> memref<1x40x128xi32, #tpu.memory_space<hbm>>
      %dma_wait3A_39 = tpu.memref_squeeze %dma_wait3A_38 : memref<1x40x128xi32, #tpu.memory_space<hbm>> -> memref<40x128xi32, #tpu.memory_space<hbm>>
      tpu.wait_dma2 semaphore(%run_scoped3A : memref<!tpu.dma_semaphore, #tpu.memory_space<semaphore_mem>>) src(%dma_wait3A_39 : memref<40x128xi32, #tpu.memory_space<hbm>>) dst(%arg6 : memref<40x128xi32, #tpu.memory_space<vmem>>)
      tpu.yield
    }) : () -> ()
    %gt3A = arith.constant 0 : i32
    %gt3A_8 = arith.cmpi sgt, %max3A_5, %gt3A : i32
    %convert_element_type3A_9 = arith.extui %gt3A_8 : i1 to i32
    %cond3A_10 = arith.constant 0 : i32
    %cond3A_11 = arith.cmpi ne, %convert_element_type3A_9, %cond3A_10 : i32
    scf.if %cond3A_11 {
      %mul3A_26 = arith.constant 40 : i32
      %mul3A_27 = arith.muli %add3A, %mul3A_26 : i32
      %mul3A_28 = arith.constant 128 : i32
      %mul3A_29 = arith.muli %mul3A_27, %mul3A_28 : i32
      %dma_start3A = arith.constant 0 : i32
      %dma_start3A_30 = arith.constant 0 : i32
      %dma_start3A_31 = arith.constant 0 : i32
      %dma_start3A_32 = arith.constant 0 : i32
      %dma_start3A_33 = tpu.memref_slice %arg7[%dma_start3A, %dma_start3A_31, %dma_start3A_32] : memref<2x128x128xf32, #tpu.memory_space<vmem>> -> memref<1x128x128xf32, #tpu.memory_space<vmem>>
      %dma_start3A_34 = tpu.memref_squeeze %dma_start3A_33 : memref<1x128x128xf32, #tpu.memory_space<vmem>> -> memref<128x128xf32, #tpu.memory_space<vmem>>
      %dma_start3A_35 = arith.constant 0 : i32
      %dma_start3A_36 = tpu.memref_slice %arg2[%mul3A_29, %dma_start3A_35] : memref<160000x128xf32, #tpu.memory_space<hbm>> -> memref<128x128xf32, #tpu.memory_space<hbm>>
      %dma_start3A_37 = tpu.memref_slice %arg9[%dma_start3A_30] : memref<2x!tpu.dma_semaphore, #tpu.memory_space<semaphore_mem>> -> memref<1x!tpu.dma_semaphore, #tpu.memory_space<semaphore_mem>>
      %dma_start3A_38 = tpu.memref_squeeze %dma_start3A_37 : memref<1x!tpu.dma_semaphore, #tpu.memory_space<semaphore_mem>> -> memref<!tpu.dma_semaphore, #tpu.memory_space<semaphore_mem>>
      %dma_start3A_39 = arith.constant 0 : i32
      %dma_start3A_40 = arith.constant 0 : i32
      %dma_start3A_41 = tpu.memref_slice %arg7[%dma_start3A, %dma_start3A_39, %dma_start3A_40] : memref<2x128x128xf32, #tpu.memory_space<vmem>> -> memref<1x128x128xf32, #tpu.memory_space<vmem>>
      %dma_start3A_42 = tpu.memref_squeeze %dma_start3A_41 : memref<1x128x128xf32, #tpu.memory_space<vmem>> -> memref<128x128xf32, #tpu.memory_space<vmem>>
      %dma_start3A_43 = arith.constant 0 : i32
      %dma_start3A_44 = tpu.memref_slice %arg2[%mul3A_29, %dma_start3A_43] : memref<160000x128xf32, #tpu.memory_space<hbm>> -> memref<128x128xf32, #tpu.memory_space<hbm>>
      tpu.enqueue_dma source(%dma_start3A_44 : memref<128x128xf32, #tpu.memory_space<hbm>>) target(%dma_start3A_42 : memref<128x128xf32, #tpu.memory_space<vmem>>) target_semaphore(%dma_start3A_38 : memref<!tpu.dma_semaphore, #tpu.memory_space<semaphore_mem>>)
    } else {
    }
    %while3A = arith.constant 0 : i32
    %while3A_12 = arith.constant 0 : i32
    %while3A_13 = arith.subi %max3A_5, %while3A_12 : i32
    %while3A_14 = arith.addi %while3A_12, %while3A_13 : i32
    %while3A_15 = arith.constant 1 : i32
    %while3A_16 = arith.divsi %while3A_13, %while3A_15 : i32
    %while3A_17 = arith.muli %while3A_16, %while3A_15 : i32
    %while3A_18 = arith.addi %while3A_12, %while3A_17 : i32
    %while3A_19 = arith.constant 1 : i32
    scf.for %while3A_26 = %while3A_12 to %while3A_18 step %while3A_19  : i32 {
      %rem3A = arith.constant 2 : i32
      %rem3A_27 = arith.remsi %while3A_26, %rem3A : i32
      %add3A_28 = arith.constant 1 : i32
      %add3A_29 = arith.addi %while3A_26, %add3A_28 : i32
      %rem3A_30 = arith.constant 2 : i32
      %rem3A_31 = arith.remsi %add3A_29, %rem3A_30 : i32
      %add3A_32 = arith.constant 1 : i32
      %add3A_33 = arith.addi %while3A_26, %add3A_32 : i32
      %lt3A_34 = arith.cmpi slt, %add3A_33, %max3A_5 : i32
      %convert_element_type3A_35 = arith.extui %lt3A_34 : i1 to i32
      %cond3A_36 = arith.constant 0 : i32
      %cond3A_37 = arith.cmpi ne, %convert_element_type3A_35, %cond3A_36 : i32
      scf.if %cond3A_37 {
        %mul3A_56 = arith.constant 40 : i32
        %mul3A_57 = arith.muli %add3A, %mul3A_56 : i32
        %add3A_58 = arith.addi %mul3A_57, %while3A_26 : i32
        %add3A_59 = arith.constant 1 : i32
        %add3A_60 = arith.addi %add3A_58, %add3A_59 : i32
        %mul3A_61 = arith.constant 128 : i32
        %mul3A_62 = arith.muli %add3A_60, %mul3A_61 : i32
        %dma_start3A = arith.constant 0 : i32
        %dma_start3A_63 = arith.constant 0 : i32
        %dma_start3A_64 = tpu.memref_slice %arg7[%rem3A_31, %dma_start3A, %dma_start3A_63] : memref<2x128x128xf32, #tpu.memory_space<vmem>> -> memref<1x128x128xf32, #tpu.memory_space<vmem>>
        %dma_start3A_65 = tpu.memref_squeeze %dma_start3A_64 : memref<1x128x128xf32, #tpu.memory_space<vmem>> -> memref<128x128xf32, #tpu.memory_space<vmem>>
        %dma_start3A_66 = arith.constant 0 : i32
        %dma_start3A_67 = tpu.memref_slice %arg2[%mul3A_62, %dma_start3A_66] : memref<160000x128xf32, #tpu.memory_space<hbm>> -> memref<128x128xf32, #tpu.memory_space<hbm>>
        %dma_start3A_68 = tpu.memref_slice %arg9[%rem3A_31] : memref<2x!tpu.dma_semaphore, #tpu.memory_space<semaphore_mem>> -> memref<1x!tpu.dma_semaphore, #tpu.memory_space<semaphore_mem>>
        %dma_start3A_69 = tpu.memref_squeeze %dma_start3A_68 : memref<1x!tpu.dma_semaphore, #tpu.memory_space<semaphore_mem>> -> memref<!tpu.dma_semaphore, #tpu.memory_space<semaphore_mem>>
        %dma_start3A_70 = arith.constant 0 : i32
        %dma_start3A_71 = arith.constant 0 : i32
        %dma_start3A_72 = tpu.memref_slice %arg7[%rem3A_31, %dma_start3A_70, %dma_start3A_71] : memref<2x128x128xf32, #tpu.memory_space<vmem>> -> memref<1x128x128xf32, #tpu.memory_space<vmem>>
        %dma_start3A_73 = tpu.memref_squeeze %dma_start3A_72 : memref<1x128x128xf32, #tpu.memory_space<vmem>> -> memref<128x128xf32, #tpu.memory_space<vmem>>
        %dma_start3A_74 = arith.constant 0 : i32
        %dma_start3A_75 = tpu.memref_slice %arg2[%mul3A_62, %dma_start3A_74] : memref<160000x128xf32, #tpu.memory_space<hbm>> -> memref<128x128xf32, #tpu.memory_space<hbm>>
        tpu.enqueue_dma source(%dma_start3A_75 : memref<128x128xf32, #tpu.memory_space<hbm>>) target(%dma_start3A_73 : memref<128x128xf32, #tpu.memory_space<vmem>>) target_semaphore(%dma_start3A_69 : memref<!tpu.dma_semaphore, #tpu.memory_space<semaphore_mem>>)
      } else {
      }
      %mul3A_38 = arith.constant 40 : i32
      %mul3A_39 = arith.muli %add3A, %mul3A_38 : i32
      %add3A_40 = arith.addi %mul3A_39, %while3A_26 : i32
      %mul3A_41 = arith.constant 128 : i32
      %mul3A_42 = arith.muli %add3A_40, %mul3A_41 : i32
      %dma_wait3A = arith.constant 0 : i32
      %dma_wait3A_43 = arith.constant 0 : i32
      %dma_wait3A_44 = tpu.memref_slice %arg7[%rem3A_27, %dma_wait3A, %dma_wait3A_43] : memref<2x128x128xf32, #tpu.memory_space<vmem>> -> memref<1x128x128xf32, #tpu.memory_space<vmem>>
      %dma_wait3A_45 = tpu.memref_squeeze %dma_wait3A_44 : memref<1x128x128xf32, #tpu.memory_space<vmem>> -> memref<128x128xf32, #tpu.memory_space<vmem>>
      %dma_wait3A_46 = arith.constant 0 : i32
      %dma_wait3A_47 = tpu.memref_slice %arg2[%mul3A_42, %dma_wait3A_46] : memref<160000x128xf32, #tpu.memory_space<hbm>> -> memref<128x128xf32, #tpu.memory_space<hbm>>
      %dma_wait3A_48 = tpu.memref_slice %arg9[%rem3A_27] : memref<2x!tpu.dma_semaphore, #tpu.memory_space<semaphore_mem>> -> memref<1x!tpu.dma_semaphore, #tpu.memory_space<semaphore_mem>>
      %dma_wait3A_49 = tpu.memref_squeeze %dma_wait3A_48 : memref<1x!tpu.dma_semaphore, #tpu.memory_space<semaphore_mem>> -> memref<!tpu.dma_semaphore, #tpu.memory_space<semaphore_mem>>
      %dma_wait3A_50 = arith.constant 0 : i32
      %dma_wait3A_51 = arith.constant 0 : i32
      %dma_wait3A_52 = tpu.memref_slice %arg7[%rem3A_27, %dma_wait3A_50, %dma_wait3A_51] : memref<2x128x128xf32, #tpu.memory_space<vmem>> -> memref<1x128x128xf32, #tpu.memory_space<vmem>>
      %dma_wait3A_53 = tpu.memref_squeeze %dma_wait3A_52 : memref<1x128x128xf32, #tpu.memory_space<vmem>> -> memref<128x128xf32, #tpu.memory_space<vmem>>
      %dma_wait3A_54 = arith.constant 0 : i32
      %dma_wait3A_55 = tpu.memref_slice %arg2[%mul3A_42, %dma_wait3A_54] : memref<160000x128xf32, #tpu.memory_space<hbm>> -> memref<128x128xf32, #tpu.memory_space<hbm>>
      tpu.wait_dma2 semaphore(%dma_wait3A_49 : memref<!tpu.dma_semaphore, #tpu.memory_space<semaphore_mem>>) src(%dma_wait3A_55 : memref<128x128xf32, #tpu.memory_space<hbm>>) dst(%dma_wait3A_53 : memref<128x128xf32, #tpu.memory_space<vmem>>)
      "tpu.region"() ({
        %run_scoped3A = tpu.sem_alloc : memref<!tpu.dma_semaphore, #tpu.memory_space<semaphore_mem>>
        %dma_start3A = arith.constant 0 : i32
        %dma_start3A_56 = arith.constant 0 : i32
        %dma_start3A_57 = tpu.memref_slice %arg7[%rem3A_27, %dma_start3A, %dma_start3A_56] : memref<2x128x128xf32, #tpu.memory_space<vmem>> -> memref<1x128x128xf32, #tpu.memory_space<vmem>>
        %dma_start3A_58 = tpu.memref_squeeze %dma_start3A_57 : memref<1x128x128xf32, #tpu.memory_space<vmem>> -> memref<128x128xf32, #tpu.memory_space<vmem>>
        %dma_start3A_59 = arith.constant 0 : i32
        %dma_start3A_60 = tpu.memref_slice %arg6[%while3A_26, %dma_start3A_59] : memref<40x128xi32, #tpu.memory_space<vmem>> -> memref<1x128xi32, #tpu.memory_space<vmem>>
        %dma_start3A_61 = tpu.memref_squeeze %dma_start3A_60 : memref<1x128xi32, #tpu.memory_space<vmem>> -> memref<128xi32, #tpu.memory_space<vmem>>
        %dma_start3A_62 = arith.constant 0 : i32
        %dma_start3A_63 = arith.constant 0 : i32
        %dma_start3A_64 = tpu.memref_slice %arg8[%dma_start3A_62, %dma_start3A_63] : memref<10000x128xf32, #tpu.memory_space<vmem_shared>> -> memref<10000x128xf32, #tpu.memory_space<vmem_shared>>
        tpu.enqueue_indirect_dma source(%dma_start3A_58 : memref<128x128xf32, #tpu.memory_space<vmem>>) target(%dma_start3A_64 : memref<10000x128xf32, #tpu.memory_space<vmem_shared>>) offsets(%dma_start3A_61 : memref<128xi32, #tpu.memory_space<vmem>>) semaphore(%run_scoped3A : memref<!tpu.dma_semaphore, #tpu.memory_space<semaphore_mem>>) {add = true}
        %dma_wait3A_65 = arith.constant 0 : i32
        %dma_wait3A_66 = arith.constant 0 : i32
        %dma_wait3A_67 = tpu.memref_slice %arg7[%rem3A_27, %dma_wait3A_65, %dma_wait3A_66] : memref<2x128x128xf32, #tpu.memory_space<vmem>> -> memref<1x128x128xf32, #tpu.memory_space<vmem>>
        %dma_wait3A_68 = tpu.memref_squeeze %dma_wait3A_67 : memref<1x128x128xf32, #tpu.memory_space<vmem>> -> memref<128x128xf32, #tpu.memory_space<vmem>>
        %dma_wait3A_69 = arith.constant 0 : i32
        %dma_wait3A_70 = tpu.memref_slice %arg6[%while3A_26, %dma_wait3A_69] : memref<40x128xi32, #tpu.memory_space<vmem>> -> memref<1x128xi32, #tpu.memory_space<vmem>>
        %dma_wait3A_71 = tpu.memref_squeeze %dma_wait3A_70 : memref<1x128xi32, #tpu.memory_space<vmem>> -> memref<128xi32, #tpu.memory_space<vmem>>
        %dma_wait3A_72 = arith.constant 0 : i32
        %dma_wait3A_73 = arith.constant 0 : i32
        %dma_wait3A_74 = tpu.memref_slice %arg8[%dma_wait3A_72, %dma_wait3A_73] : memref<10000x128xf32, #tpu.memory_space<vmem_shared>> -> memref<10000x128xf32, #tpu.memory_space<vmem_shared>>
        tpu.wait_indirect_dma semaphore(%run_scoped3A : memref<!tpu.dma_semaphore, #tpu.memory_space<semaphore_mem>>) src(%dma_wait3A_68 : memref<128x128xf32, #tpu.memory_space<vmem>>) dst(%dma_wait3A_74 : memref<10000x128xf32, #tpu.memory_space<vmem_shared>>)
        tpu.yield
      }) : () -> ()
    }
    %while3A_20 = arith.constant 1 : i32
    scf.for %while3A_26 = %while3A_18 to %while3A_14 step %while3A_20  : i32 {
      %rem3A = arith.constant 2 : i32
      %rem3A_27 = arith.remsi %while3A_26, %rem3A : i32
      %add3A_28 = arith.constant 1 : i32
      %add3A_29 = arith.addi %while3A_26, %add3A_28 : i32
      %rem3A_30 = arith.constant 2 : i32
      %rem3A_31 = arith.remsi %add3A_29, %rem3A_30 : i32
      %add3A_32 = arith.constant 1 : i32
      %add3A_33 = arith.addi %while3A_26, %add3A_32 : i32
      %lt3A_34 = arith.cmpi slt, %add3A_33, %max3A_5 : i32
      %convert_element_type3A_35 = arith.extui %lt3A_34 : i1 to i32
      %cond3A_36 = arith.constant 0 : i32
      %cond3A_37 = arith.cmpi ne, %convert_element_type3A_35, %cond3A_36 : i32
      scf.if %cond3A_37 {
        %mul3A_56 = arith.constant 40 : i32
        %mul3A_57 = arith.muli %add3A, %mul3A_56 : i32
        %add3A_58 = arith.addi %mul3A_57, %while3A_26 : i32
        %add3A_59 = arith.constant 1 : i32
        %add3A_60 = arith.addi %add3A_58, %add3A_59 : i32
        %mul3A_61 = arith.constant 128 : i32
        %mul3A_62 = arith.muli %add3A_60, %mul3A_61 : i32
        %dma_start3A = arith.constant 0 : i32
        %dma_start3A_63 = arith.constant 0 : i32
        %dma_start3A_64 = tpu.memref_slice %arg7[%rem3A_31, %dma_start3A, %dma_start3A_63] : memref<2x128x128xf32, #tpu.memory_space<vmem>> -> memref<1x128x128xf32, #tpu.memory_space<vmem>>
        %dma_start3A_65 = tpu.memref_squeeze %dma_start3A_64 : memref<1x128x128xf32, #tpu.memory_space<vmem>> -> memref<128x128xf32, #tpu.memory_space<vmem>>
        %dma_start3A_66 = arith.constant 0 : i32
        %dma_start3A_67 = tpu.memref_slice %arg2[%mul3A_62, %dma_start3A_66] : memref<160000x128xf32, #tpu.memory_space<hbm>> -> memref<128x128xf32, #tpu.memory_space<hbm>>
        %dma_start3A_68 = tpu.memref_slice %arg9[%rem3A_31] : memref<2x!tpu.dma_semaphore, #tpu.memory_space<semaphore_mem>> -> memref<1x!tpu.dma_semaphore, #tpu.memory_space<semaphore_mem>>
        %dma_start3A_69 = tpu.memref_squeeze %dma_start3A_68 : memref<1x!tpu.dma_semaphore, #tpu.memory_space<semaphore_mem>> -> memref<!tpu.dma_semaphore, #tpu.memory_space<semaphore_mem>>
        %dma_start3A_70 = arith.constant 0 : i32
        %dma_start3A_71 = arith.constant 0 : i32
        %dma_start3A_72 = tpu.memref_slice %arg7[%rem3A_31, %dma_start3A_70, %dma_start3A_71] : memref<2x128x128xf32, #tpu.memory_space<vmem>> -> memref<1x128x128xf32, #tpu.memory_space<vmem>>
        %dma_start3A_73 = tpu.memref_squeeze %dma_start3A_72 : memref<1x128x128xf32, #tpu.memory_space<vmem>> -> memref<128x128xf32, #tpu.memory_space<vmem>>
        %dma_start3A_74 = arith.constant 0 : i32
        %dma_start3A_75 = tpu.memref_slice %arg2[%mul3A_62, %dma_start3A_74] : memref<160000x128xf32, #tpu.memory_space<hbm>> -> memref<128x128xf32, #tpu.memory_space<hbm>>
        tpu.enqueue_dma source(%dma_start3A_75 : memref<128x128xf32, #tpu.memory_space<hbm>>) target(%dma_start3A_73 : memref<128x128xf32, #tpu.memory_space<vmem>>) target_semaphore(%dma_start3A_69 : memref<!tpu.dma_semaphore, #tpu.memory_space<semaphore_mem>>)
      } else {
      }
      %mul3A_38 = arith.constant 40 : i32
      %mul3A_39 = arith.muli %add3A, %mul3A_38 : i32
      %add3A_40 = arith.addi %mul3A_39, %while3A_26 : i32
      %mul3A_41 = arith.constant 128 : i32
      %mul3A_42 = arith.muli %add3A_40, %mul3A_41 : i32
      %dma_wait3A = arith.constant 0 : i32
      %dma_wait3A_43 = arith.constant 0 : i32
      %dma_wait3A_44 = tpu.memref_slice %arg7[%rem3A_27, %dma_wait3A, %dma_wait3A_43] : memref<2x128x128xf32, #tpu.memory_space<vmem>> -> memref<1x128x128xf32, #tpu.memory_space<vmem>>
      %dma_wait3A_45 = tpu.memref_squeeze %dma_wait3A_44 : memref<1x128x128xf32, #tpu.memory_space<vmem>> -> memref<128x128xf32, #tpu.memory_space<vmem>>
      %dma_wait3A_46 = arith.constant 0 : i32
      %dma_wait3A_47 = tpu.memref_slice %arg2[%mul3A_42, %dma_wait3A_46] : memref<160000x128xf32, #tpu.memory_space<hbm>> -> memref<128x128xf32, #tpu.memory_space<hbm>>
      %dma_wait3A_48 = tpu.memref_slice %arg9[%rem3A_27] : memref<2x!tpu.dma_semaphore, #tpu.memory_space<semaphore_mem>> -> memref<1x!tpu.dma_semaphore, #tpu.memory_space<semaphore_mem>>
      %dma_wait3A_49 = tpu.memref_squeeze %dma_wait3A_48 : memref<1x!tpu.dma_semaphore, #tpu.memory_space<semaphore_mem>> -> memref<!tpu.dma_semaphore, #tpu.memory_space<semaphore_mem>>
      %dma_wait3A_50 = arith.constant 0 : i32
      %dma_wait3A_51 = arith.constant 0 : i32
      %dma_wait3A_52 = tpu.memref_slice %arg7[%rem3A_27, %dma_wait3A_50, %dma_wait3A_51] : memref<2x128x128xf32, #tpu.memory_space<vmem>> -> memref<1x128x128xf32, #tpu.memory_space<vmem>>
      %dma_wait3A_53 = tpu.memref_squeeze %dma_wait3A_52 : memref<1x128x128xf32, #tpu.memory_space<vmem>> -> memref<128x128xf32, #tpu.memory_space<vmem>>
      %dma_wait3A_54 = arith.constant 0 : i32
      %dma_wait3A_55 = tpu.memref_slice %arg2[%mul3A_42, %dma_wait3A_54] : memref<160000x128xf32, #tpu.memory_space<hbm>> -> memref<128x128xf32, #tpu.memory_space<hbm>>
      tpu.wait_dma2 semaphore(%dma_wait3A_49 : memref<!tpu.dma_semaphore, #tpu.memory_space<semaphore_mem>>) src(%dma_wait3A_55 : memref<128x128xf32, #tpu.memory_space<hbm>>) dst(%dma_wait3A_53 : memref<128x128xf32, #tpu.memory_space<vmem>>)
      "tpu.region"() ({
        %run_scoped3A = tpu.sem_alloc : memref<!tpu.dma_semaphore, #tpu.memory_space<semaphore_mem>>
        %dma_start3A = arith.constant 0 : i32
        %dma_start3A_56 = arith.constant 0 : i32
        %dma_start3A_57 = tpu.memref_slice %arg7[%rem3A_27, %dma_start3A, %dma_start3A_56] : memref<2x128x128xf32, #tpu.memory_space<vmem>> -> memref<1x128x128xf32, #tpu.memory_space<vmem>>
        %dma_start3A_58 = tpu.memref_squeeze %dma_start3A_57 : memref<1x128x128xf32, #tpu.memory_space<vmem>> -> memref<128x128xf32, #tpu.memory_space<vmem>>
        %dma_start3A_59 = arith.constant 0 : i32
        %dma_start3A_60 = tpu.memref_slice %arg6[%while3A_26, %dma_start3A_59] : memref<40x128xi32, #tpu.memory_space<vmem>> -> memref<1x128xi32, #tpu.memory_space<vmem>>
        %dma_start3A_61 = tpu.memref_squeeze %dma_start3A_60 : memref<1x128xi32, #tpu.memory_space<vmem>> -> memref<128xi32, #tpu.memory_space<vmem>>
        %dma_start3A_62 = arith.constant 0 : i32
        %dma_start3A_63 = arith.constant 0 : i32
        %dma_start3A_64 = tpu.memref_slice %arg8[%dma_start3A_62, %dma_start3A_63] : memref<10000x128xf32, #tpu.memory_space<vmem_shared>> -> memref<10000x128xf32, #tpu.memory_space<vmem_shared>>
        tpu.enqueue_indirect_dma source(%dma_start3A_58 : memref<128x128xf32, #tpu.memory_space<vmem>>) target(%dma_start3A_64 : memref<10000x128xf32, #tpu.memory_space<vmem_shared>>) offsets(%dma_start3A_61 : memref<128xi32, #tpu.memory_space<vmem>>) semaphore(%run_scoped3A : memref<!tpu.dma_semaphore, #tpu.memory_space<semaphore_mem>>) {add = true}
        %dma_wait3A_65 = arith.constant 0 : i32
        %dma_wait3A_66 = arith.constant 0 : i32
        %dma_wait3A_67 = tpu.memref_slice %arg7[%rem3A_27, %dma_wait3A_65, %dma_wait3A_66] : memref<2x128x128xf32, #tpu.memory_space<vmem>> -> memref<1x128x128xf32, #tpu.memory_space<vmem>>
        %dma_wait3A_68 = tpu.memref_squeeze %dma_wait3A_67 : memref<1x128x128xf32, #tpu.memory_space<vmem>> -> memref<128x128xf32, #tpu.memory_space<vmem>>
        %dma_wait3A_69 = arith.constant 0 : i32
        %dma_wait3A_70 = tpu.memref_slice %arg6[%while3A_26, %dma_wait3A_69] : memref<40x128xi32, #tpu.memory_space<vmem>> -> memref<1x128xi32, #tpu.memory_space<vmem>>
        %dma_wait3A_71 = tpu.memref_squeeze %dma_wait3A_70 : memref<1x128xi32, #tpu.memory_space<vmem>> -> memref<128xi32, #tpu.memory_space<vmem>>
        %dma_wait3A_72 = arith.constant 0 : i32
        %dma_wait3A_73 = arith.constant 0 : i32
        %dma_wait3A_74 = tpu.memref_slice %arg8[%dma_wait3A_72, %dma_wait3A_73] : memref<10000x128xf32, #tpu.memory_space<vmem_shared>> -> memref<10000x128xf32, #tpu.memory_space<vmem_shared>>
        tpu.wait_indirect_dma semaphore(%run_scoped3A : memref<!tpu.dma_semaphore, #tpu.memory_space<semaphore_mem>>) src(%dma_wait3A_68 : memref<128x128xf32, #tpu.memory_space<vmem>>) dst(%dma_wait3A_74 : memref<10000x128xf32, #tpu.memory_space<vmem_shared>>)
        tpu.yield
      }) : () -> ()
    }
    %barrier3A_21 = arith.constant 0 : index
    tpu.barrier barrier_id(%barrier3A_21)
    %lt3A = arith.constant 10 : i32
    %lt3A_22 = arith.cmpi slt, %arg1, %lt3A : i32
    %convert_element_type3A_23 = arith.extui %lt3A_22 : i1 to i32
    %cond3A_24 = arith.constant 0 : i32
    %cond3A_25 = arith.cmpi ne, %convert_element_type3A_23, %cond3A_24 : i32
    scf.if %cond3A_25 {
      %mul3A_26 = arith.constant 1000 : i32
      %mul3A_27 = arith.muli %arg1, %mul3A_26 : i32
      %mul3A_28 = arith.constant 1000 : i32
      %mul3A_29 = arith.muli %arg1, %mul3A_28 : i32
      "tpu.region"() ({
        %run_scoped3A = tpu.sem_alloc : memref<!tpu.dma_semaphore, #tpu.memory_space<semaphore_mem>>
        %dma_start3A = arith.constant 0 : i32
        %dma_start3A_30 = arith.constant 0 : i32
        %dma_start3A_31 = tpu.memref_slice %arg5[%arg0, %dma_start3A, %dma_start3A_30] : memref<2x10000x128xf32, #tpu.memory_space<hbm>> -> memref<1x10000x128xf32, #tpu.memory_space<hbm>>
        %dma_start3A_32 = tpu.memref_squeeze %dma_start3A_31 : memref<1x10000x128xf32, #tpu.memory_space<hbm>> -> memref<10000x128xf32, #tpu.memory_space<hbm>>
        %dma_start3A_33 = arith.constant 0 : i32
        %dma_start3A_34 = tpu.memref_slice %dma_start3A_32[%mul3A_29, %dma_start3A_33] : memref<10000x128xf32, #tpu.memory_space<hbm>> -> memref<1000x128xf32, #tpu.memory_space<hbm>>
        %dma_start3A_35 = arith.constant 0 : i32
        %dma_start3A_36 = tpu.memref_slice %arg8[%mul3A_27, %dma_start3A_35] : memref<10000x128xf32, #tpu.memory_space<vmem_shared>> -> memref<1000x128xf32, #tpu.memory_space<vmem_shared>>
        tpu.enqueue_dma source(%dma_start3A_36 : memref<1000x128xf32, #tpu.memory_space<vmem_shared>>) target(%dma_start3A_34 : memref<1000x128xf32, #tpu.memory_space<hbm>>) target_semaphore(%run_scoped3A : memref<!tpu.dma_semaphore, #tpu.memory_space<semaphore_mem>>)
        %dma_wait3A = arith.constant 0 : i32
        %dma_wait3A_37 = arith.constant 0 : i32
        %dma_wait3A_38 = tpu.memref_slice %arg5[%arg0, %dma_wait3A, %dma_wait3A_37] : memref<2x10000x128xf32, #tpu.memory_space<hbm>> -> memref<1x10000x128xf32, #tpu.memory_space<hbm>>
        %dma_wait3A_39 = tpu.memref_squeeze %dma_wait3A_38 : memref<1x10000x128xf32, #tpu.memory_space<hbm>> -> memref<10000x128xf32, #tpu.memory_space<hbm>>
        %dma_wait3A_40 = arith.constant 0 : i32
        %dma_wait3A_41 = tpu.memref_slice %dma_wait3A_39[%mul3A_29, %dma_wait3A_40] : memref<10000x128xf32, #tpu.memory_space<hbm>> -> memref<1000x128xf32, #tpu.memory_space<hbm>>
        %dma_wait3A_42 = arith.constant 0 : i32
        %dma_wait3A_43 = tpu.memref_slice %arg8[%mul3A_27, %dma_wait3A_42] : memref<10000x128xf32, #tpu.memory_space<vmem_shared>> -> memref<1000x128xf32, #tpu.memory_space<vmem_shared>>
        tpu.wait_dma2 semaphore(%run_scoped3A : memref<!tpu.dma_semaphore, #tpu.memory_space<semaphore_mem>>) src(%dma_wait3A_43 : memref<1000x128xf32, #tpu.memory_space<vmem_shared>>) dst(%dma_wait3A_41 : memref<1000x128xf32, #tpu.memory_space<hbm>>)
        tpu.yield
      }) : () -> ()
    } else {
    }
    return
  }
}

#map = affine_map<(d0, d1) -> (0, 0)>
#map1 = affine_map<(d0, d1) -> (0, 0, 0)>
module attributes {stable_mosaic.version = 14 : i64} {
  func.func @k(%arg0: i32, %arg1: i32, %arg2: memref<160000x128xf32, #tpu.memory_space<hbm>>, %arg3: memref<32x40x128xi32, #tpu.memory_space<hbm>>, %arg4: memref<10000x128xf32, #tpu.memory_space<hbm>>, %arg5: memref<2x10000x128xf32, #tpu.memory_space<hbm>>, %arg6: memref<40x128xi32, #tpu.memory_space<vmem>>, %arg7: memref<2x128x128xf32, #tpu.memory_space<vmem>>, %arg8: memref<10000x128xf32, #tpu.memory_space<vmem_shared>>, %arg9: memref<2x!tpu.dma_semaphore, #tpu.memory_space<semaphore_mem>>) attributes {dimension_semantics = [#tpu.dimension_semantics<core_parallel>, #tpu.dimension_semantics<subcore_parallel>], iteration_bounds = array<i64: 2, 16>, scalar_prefetch = 0 : i64, scratch_operands = 4 : i64, tpu.core_type = #tpu.core_type<sc_vector_subcore>, window_params = [{transform_indices = #map}, {transform_indices = #map1}, {transform_indices = #map}, {transform_indices = #map1}]} {
    %mul3A = arith.constant 2 : i32
    %mul3A_0 = arith.muli %arg1, %mul3A : i32
    %add3A = arith.addi %mul3A_0, %arg0 : i32
    %mul3A_1 = arith.constant 40 : i32
    %mul3A_2 = arith.muli %add3A, %mul3A_1 : i32
    %sub3A = arith.constant 1250 : i32
    %sub3A_3 = arith.subi %sub3A, %mul3A_2 : i32
    %min3A = arith.constant 40 : i32
    %min3A_4 = arith.minsi %min3A, %sub3A_3 : i32
    %max3A = arith.constant 0 : i32
    %max3A_5 = arith.maxsi %max3A, %min3A_4 : i32
    %eq3A = arith.constant 0 : i32
    %eq3A_6 = arith.cmpi eq, %arg1, %eq3A : i32
    %convert_element_type3A = arith.extui %eq3A_6 : i1 to i32
    %cond3A = arith.constant 0 : i32
    %cond3A_7 = arith.cmpi ne, %convert_element_type3A, %cond3A : i32
    scf.if %cond3A_7 {
      "tpu.region"() ({
        %run_scoped3A = tpu.sem_alloc : memref<!tpu.dma_semaphore, #tpu.memory_space<semaphore_mem>>
        tpu.enqueue_dma source(%arg4 : memref<10000x128xf32, #tpu.memory_space<hbm>>) target(%arg8 : memref<10000x128xf32, #tpu.memory_space<vmem_shared>>) target_semaphore(%run_scoped3A : memref<!tpu.dma_semaphore, #tpu.memory_space<semaphore_mem>>)
        tpu.wait_dma2 semaphore(%run_scoped3A : memref<!tpu.dma_semaphore, #tpu.memory_space<semaphore_mem>>) src(%arg4 : memref<10000x128xf32, #tpu.memory_space<hbm>>) dst(%arg8 : memref<10000x128xf32, #tpu.memory_space<vmem_shared>>)
        tpu.yield
      }) : () -> ()
    } else {
    }
    %barrier3A = arith.constant 0 : index
    tpu.barrier barrier_id(%barrier3A)
    "tpu.region"() ({
      %run_scoped3A = tpu.sem_alloc : memref<!tpu.dma_semaphore, #tpu.memory_space<semaphore_mem>>
      %dma_start3A = arith.constant 0 : i32
      %dma_start3A_26 = arith.constant 0 : i32
      %dma_start3A_27 = tpu.memref_slice %arg3[%add3A, %dma_start3A, %dma_start3A_26] : memref<32x40x128xi32, #tpu.memory_space<hbm>> -> memref<1x40x128xi32, #tpu.memory_space<hbm>>
      %dma_start3A_28 = tpu.memref_squeeze %dma_start3A_27 : memref<1x40x128xi32, #tpu.memory_space<hbm>> -> memref<40x128xi32, #tpu.memory_space<hbm>>
      %dma_start3A_29 = arith.constant 0 : i32
      %dma_start3A_30 = arith.constant 0 : i32
      %dma_start3A_31 = tpu.memref_slice %arg3[%add3A, %dma_start3A_29, %dma_start3A_30] : memref<32x40x128xi32, #tpu.memory_space<hbm>> -> memref<1x40x128xi32, #tpu.memory_space<hbm>>
      %dma_start3A_32 = tpu.memref_squeeze %dma_start3A_31 : memref<1x40x128xi32, #tpu.memory_space<hbm>> -> memref<40x128xi32, #tpu.memory_space<hbm>>
      tpu.enqueue_dma source(%dma_start3A_32 : memref<40x128xi32, #tpu.memory_space<hbm>>) target(%arg6 : memref<40x128xi32, #tpu.memory_space<vmem>>) target_semaphore(%run_scoped3A : memref<!tpu.dma_semaphore, #tpu.memory_space<semaphore_mem>>)
      %dma_wait3A = arith.constant 0 : i32
      %dma_wait3A_33 = arith.constant 0 : i32
      %dma_wait3A_34 = tpu.memref_slice %arg3[%add3A, %dma_wait3A, %dma_wait3A_33] : memref<32x40x128xi32, #tpu.memory_space<hbm>> -> memref<1x40x128xi32, #tpu.memory_space<hbm>>
      %dma_wait3A_35 = tpu.memref_squeeze %dma_wait3A_34 : memref<1x40x128xi32, #tpu.memory_space<hbm>> -> memref<40x128xi32, #tpu.memory_space<hbm>>
      %dma_wait3A_36 = arith.constant 0 : i32
      %dma_wait3A_37 = arith.constant 0 : i32
      %dma_wait3A_38 = tpu.memref_slice %arg3[%add3A, %dma_wait3A_36, %dma_wait3A_37] : memref<32x40x128xi32, #tpu.memory_space<hbm>> -> memref<1x40x128xi32, #tpu.memory_space<hbm>>
      %dma_wait3A_39 = tpu.memref_squeeze %dma_wait3A_38 : memref<1x40x128xi32, #tpu.memory_space<hbm>> -> memref<40x128xi32, #tpu.memory_space<hbm>>
      tpu.wait_dma2 semaphore(%run_scoped3A : memref<!tpu.dma_semaphore, #tpu.memory_space<semaphore_mem>>) src(%dma_wait3A_39 : memref<40x128xi32, #tpu.memory_space<hbm>>) dst(%arg6 : memref<40x128xi32, #tpu.memory_space<vmem>>)
      tpu.yield
    }) : () -> ()
    %gt3A = arith.constant 0 : i32
    %gt3A_8 = arith.cmpi sgt, %max3A_5, %gt3A : i32
    %convert_element_type3A_9 = arith.extui %gt3A_8 : i1 to i32
    %cond3A_10 = arith.constant 0 : i32
    %cond3A_11 = arith.cmpi ne, %convert_element_type3A_9, %cond3A_10 : i32
    scf.if %cond3A_11 {
      %mul3A_26 = arith.constant 40 : i32
      %mul3A_27 = arith.muli %add3A, %mul3A_26 : i32
      %mul3A_28 = arith.constant 128 : i32
      %mul3A_29 = arith.muli %mul3A_27, %mul3A_28 : i32
      %dma_start3A = arith.constant 0 : i32
      %dma_start3A_30 = arith.constant 0 : i32
      %dma_start3A_31 = arith.constant 0 : i32
      %dma_start3A_32 = arith.constant 0 : i32
      %dma_start3A_33 = tpu.memref_slice %arg7[%dma_start3A, %dma_start3A_31, %dma_start3A_32] : memref<2x128x128xf32, #tpu.memory_space<vmem>> -> memref<1x128x128xf32, #tpu.memory_space<vmem>>
      %dma_start3A_34 = tpu.memref_squeeze %dma_start3A_33 : memref<1x128x128xf32, #tpu.memory_space<vmem>> -> memref<128x128xf32, #tpu.memory_space<vmem>>
      %dma_start3A_35 = arith.constant 0 : i32
      %dma_start3A_36 = tpu.memref_slice %arg2[%mul3A_29, %dma_start3A_35] : memref<160000x128xf32, #tpu.memory_space<hbm>> -> memref<128x128xf32, #tpu.memory_space<hbm>>
      %dma_start3A_37 = tpu.memref_slice %arg9[%dma_start3A_30] : memref<2x!tpu.dma_semaphore, #tpu.memory_space<semaphore_mem>> -> memref<1x!tpu.dma_semaphore, #tpu.memory_space<semaphore_mem>>
      %dma_start3A_38 = tpu.memref_squeeze %dma_start3A_37 : memref<1x!tpu.dma_semaphore, #tpu.memory_space<semaphore_mem>> -> memref<!tpu.dma_semaphore, #tpu.memory_space<semaphore_mem>>
      %dma_start3A_39 = arith.constant 0 : i32
      %dma_start3A_40 = arith.constant 0 : i32
      %dma_start3A_41 = tpu.memref_slice %arg7[%dma_start3A, %dma_start3A_39, %dma_start3A_40] : memref<2x128x128xf32, #tpu.memory_space<vmem>> -> memref<1x128x128xf32, #tpu.memory_space<vmem>>
      %dma_start3A_42 = tpu.memref_squeeze %dma_start3A_41 : memref<1x128x128xf32, #tpu.memory_space<vmem>> -> memref<128x128xf32, #tpu.memory_space<vmem>>
      %dma_start3A_43 = arith.constant 0 : i32
      %dma_start3A_44 = tpu.memref_slice %arg2[%mul3A_29, %dma_start3A_43] : memref<160000x128xf32, #tpu.memory_space<hbm>> -> memref<128x128xf32, #tpu.memory_space<hbm>>
      tpu.enqueue_dma source(%dma_start3A_44 : memref<128x128xf32, #tpu.memory_space<hbm>>) target(%dma_start3A_42 : memref<128x128xf32, #tpu.memory_space<vmem>>) target_semaphore(%dma_start3A_38 : memref<!tpu.dma_semaphore, #tpu.memory_space<semaphore_mem>>)
    } else {
    }
    %while3A = arith.constant 0 : i32
    %while3A_12 = arith.constant 0 : i32
    %while3A_13 = arith.subi %max3A_5, %while3A_12 : i32
    %while3A_14 = arith.addi %while3A_12, %while3A_13 : i32
    %while3A_15 = arith.constant 1 : i32
    %while3A_16 = arith.divsi %while3A_13, %while3A_15 : i32
    %while3A_17 = arith.muli %while3A_16, %while3A_15 : i32
    %while3A_18 = arith.addi %while3A_12, %while3A_17 : i32
    %while3A_19 = arith.constant 1 : i32
    scf.for %while3A_26 = %while3A_12 to %while3A_18 step %while3A_19  : i32 {
      %rem3A = arith.constant 2 : i32
      %rem3A_27 = arith.remsi %while3A_26, %rem3A : i32
      %add3A_28 = arith.constant 1 : i32
      %add3A_29 = arith.addi %while3A_26, %add3A_28 : i32
      %rem3A_30 = arith.constant 2 : i32
      %rem3A_31 = arith.remsi %add3A_29, %rem3A_30 : i32
      %add3A_32 = arith.constant 1 : i32
      %add3A_33 = arith.addi %while3A_26, %add3A_32 : i32
      %lt3A_34 = arith.cmpi slt, %add3A_33, %max3A_5 : i32
      %convert_element_type3A_35 = arith.extui %lt3A_34 : i1 to i32
      %cond3A_36 = arith.constant 0 : i32
      %cond3A_37 = arith.cmpi ne, %convert_element_type3A_35, %cond3A_36 : i32
      scf.if %cond3A_37 {
        %mul3A_56 = arith.constant 40 : i32
        %mul3A_57 = arith.muli %add3A, %mul3A_56 : i32
        %add3A_58 = arith.addi %mul3A_57, %while3A_26 : i32
        %add3A_59 = arith.constant 1 : i32
        %add3A_60 = arith.addi %add3A_58, %add3A_59 : i32
        %mul3A_61 = arith.constant 128 : i32
        %mul3A_62 = arith.muli %add3A_60, %mul3A_61 : i32
        %dma_start3A = arith.constant 0 : i32
        %dma_start3A_63 = arith.constant 0 : i32
        %dma_start3A_64 = tpu.memref_slice %arg7[%rem3A_31, %dma_start3A, %dma_start3A_63] : memref<2x128x128xf32, #tpu.memory_space<vmem>> -> memref<1x128x128xf32, #tpu.memory_space<vmem>>
        %dma_start3A_65 = tpu.memref_squeeze %dma_start3A_64 : memref<1x128x128xf32, #tpu.memory_space<vmem>> -> memref<128x128xf32, #tpu.memory_space<vmem>>
        %dma_start3A_66 = arith.constant 0 : i32
        %dma_start3A_67 = tpu.memref_slice %arg2[%mul3A_62, %dma_start3A_66] : memref<160000x128xf32, #tpu.memory_space<hbm>> -> memref<128x128xf32, #tpu.memory_space<hbm>>
        %dma_start3A_68 = tpu.memref_slice %arg9[%rem3A_31] : memref<2x!tpu.dma_semaphore, #tpu.memory_space<semaphore_mem>> -> memref<1x!tpu.dma_semaphore, #tpu.memory_space<semaphore_mem>>
        %dma_start3A_69 = tpu.memref_squeeze %dma_start3A_68 : memref<1x!tpu.dma_semaphore, #tpu.memory_space<semaphore_mem>> -> memref<!tpu.dma_semaphore, #tpu.memory_space<semaphore_mem>>
        %dma_start3A_70 = arith.constant 0 : i32
        %dma_start3A_71 = arith.constant 0 : i32
        %dma_start3A_72 = tpu.memref_slice %arg7[%rem3A_31, %dma_start3A_70, %dma_start3A_71] : memref<2x128x128xf32, #tpu.memory_space<vmem>> -> memref<1x128x128xf32, #tpu.memory_space<vmem>>
        %dma_start3A_73 = tpu.memref_squeeze %dma_start3A_72 : memref<1x128x128xf32, #tpu.memory_space<vmem>> -> memref<128x128xf32, #tpu.memory_space<vmem>>
        %dma_start3A_74 = arith.constant 0 : i32
        %dma_start3A_75 = tpu.memref_slice %arg2[%mul3A_62, %dma_start3A_74] : memref<160000x128xf32, #tpu.memory_space<hbm>> -> memref<128x128xf32, #tpu.memory_space<hbm>>
        tpu.enqueue_dma source(%dma_start3A_75 : memref<128x128xf32, #tpu.memory_space<hbm>>) target(%dma_start3A_73 : memref<128x128xf32, #tpu.memory_space<vmem>>) target_semaphore(%dma_start3A_69 : memref<!tpu.dma_semaphore, #tpu.memory_space<semaphore_mem>>)
      } else {
      }
      %mul3A_38 = arith.constant 40 : i32
      %mul3A_39 = arith.muli %add3A, %mul3A_38 : i32
      %add3A_40 = arith.addi %mul3A_39, %while3A_26 : i32
      %mul3A_41 = arith.constant 128 : i32
      %mul3A_42 = arith.muli %add3A_40, %mul3A_41 : i32
      %dma_wait3A = arith.constant 0 : i32
      %dma_wait3A_43 = arith.constant 0 : i32
      %dma_wait3A_44 = tpu.memref_slice %arg7[%rem3A_27, %dma_wait3A, %dma_wait3A_43] : memref<2x128x128xf32, #tpu.memory_space<vmem>> -> memref<1x128x128xf32, #tpu.memory_space<vmem>>
      %dma_wait3A_45 = tpu.memref_squeeze %dma_wait3A_44 : memref<1x128x128xf32, #tpu.memory_space<vmem>> -> memref<128x128xf32, #tpu.memory_space<vmem>>
      %dma_wait3A_46 = arith.constant 0 : i32
      %dma_wait3A_47 = tpu.memref_slice %arg2[%mul3A_42, %dma_wait3A_46] : memref<160000x128xf32, #tpu.memory_space<hbm>> -> memref<128x128xf32, #tpu.memory_space<hbm>>
      %dma_wait3A_48 = tpu.memref_slice %arg9[%rem3A_27] : memref<2x!tpu.dma_semaphore, #tpu.memory_space<semaphore_mem>> -> memref<1x!tpu.dma_semaphore, #tpu.memory_space<semaphore_mem>>
      %dma_wait3A_49 = tpu.memref_squeeze %dma_wait3A_48 : memref<1x!tpu.dma_semaphore, #tpu.memory_space<semaphore_mem>> -> memref<!tpu.dma_semaphore, #tpu.memory_space<semaphore_mem>>
      %dma_wait3A_50 = arith.constant 0 : i32
      %dma_wait3A_51 = arith.constant 0 : i32
      %dma_wait3A_52 = tpu.memref_slice %arg7[%rem3A_27, %dma_wait3A_50, %dma_wait3A_51] : memref<2x128x128xf32, #tpu.memory_space<vmem>> -> memref<1x128x128xf32, #tpu.memory_space<vmem>>
      %dma_wait3A_53 = tpu.memref_squeeze %dma_wait3A_52 : memref<1x128x128xf32, #tpu.memory_space<vmem>> -> memref<128x128xf32, #tpu.memory_space<vmem>>
      %dma_wait3A_54 = arith.constant 0 : i32
      %dma_wait3A_55 = tpu.memref_slice %arg2[%mul3A_42, %dma_wait3A_54] : memref<160000x128xf32, #tpu.memory_space<hbm>> -> memref<128x128xf32, #tpu.memory_space<hbm>>
      tpu.wait_dma2 semaphore(%dma_wait3A_49 : memref<!tpu.dma_semaphore, #tpu.memory_space<semaphore_mem>>) src(%dma_wait3A_55 : memref<128x128xf32, #tpu.memory_space<hbm>>) dst(%dma_wait3A_53 : memref<128x128xf32, #tpu.memory_space<vmem>>)
      "tpu.region"() ({
        %run_scoped3A = tpu.sem_alloc : memref<!tpu.dma_semaphore, #tpu.memory_space<semaphore_mem>>
        %dma_start3A = arith.constant 0 : i32
        %dma_start3A_56 = arith.constant 0 : i32
        %dma_start3A_57 = tpu.memref_slice %arg7[%rem3A_27, %dma_start3A, %dma_start3A_56] : memref<2x128x128xf32, #tpu.memory_space<vmem>> -> memref<1x128x128xf32, #tpu.memory_space<vmem>>
        %dma_start3A_58 = tpu.memref_squeeze %dma_start3A_57 : memref<1x128x128xf32, #tpu.memory_space<vmem>> -> memref<128x128xf32, #tpu.memory_space<vmem>>
        %dma_start3A_59 = arith.constant 0 : i32
        %dma_start3A_60 = tpu.memref_slice %arg6[%while3A_26, %dma_start3A_59] : memref<40x128xi32, #tpu.memory_space<vmem>> -> memref<1x128xi32, #tpu.memory_space<vmem>>
        %dma_start3A_61 = tpu.memref_squeeze %dma_start3A_60 : memref<1x128xi32, #tpu.memory_space<vmem>> -> memref<128xi32, #tpu.memory_space<vmem>>
        %dma_start3A_62 = arith.constant 0 : i32
        %dma_start3A_63 = arith.constant 0 : i32
        %dma_start3A_64 = tpu.memref_slice %arg8[%dma_start3A_62, %dma_start3A_63] : memref<10000x128xf32, #tpu.memory_space<vmem_shared>> -> memref<10000x128xf32, #tpu.memory_space<vmem_shared>>
        tpu.enqueue_indirect_dma source(%dma_start3A_58 : memref<128x128xf32, #tpu.memory_space<vmem>>) target(%dma_start3A_64 : memref<10000x128xf32, #tpu.memory_space<vmem_shared>>) offsets(%dma_start3A_61 : memref<128xi32, #tpu.memory_space<vmem>>) semaphore(%run_scoped3A : memref<!tpu.dma_semaphore, #tpu.memory_space<semaphore_mem>>) {add = true}
        %dma_wait3A_65 = arith.constant 0 : i32
        %dma_wait3A_66 = arith.constant 0 : i32
        %dma_wait3A_67 = tpu.memref_slice %arg7[%rem3A_27, %dma_wait3A_65, %dma_wait3A_66] : memref<2x128x128xf32, #tpu.memory_space<vmem>> -> memref<1x128x128xf32, #tpu.memory_space<vmem>>
        %dma_wait3A_68 = tpu.memref_squeeze %dma_wait3A_67 : memref<1x128x128xf32, #tpu.memory_space<vmem>> -> memref<128x128xf32, #tpu.memory_space<vmem>>
        %dma_wait3A_69 = arith.constant 0 : i32
        %dma_wait3A_70 = tpu.memref_slice %arg6[%while3A_26, %dma_wait3A_69] : memref<40x128xi32, #tpu.memory_space<vmem>> -> memref<1x128xi32, #tpu.memory_space<vmem>>
        %dma_wait3A_71 = tpu.memref_squeeze %dma_wait3A_70 : memref<1x128xi32, #tpu.memory_space<vmem>> -> memref<128xi32, #tpu.memory_space<vmem>>
        %dma_wait3A_72 = arith.constant 0 : i32
        %dma_wait3A_73 = arith.constant 0 : i32
        %dma_wait3A_74 = tpu.memref_slice %arg8[%dma_wait3A_72, %dma_wait3A_73] : memref<10000x128xf32, #tpu.memory_space<vmem_shared>> -> memref<10000x128xf32, #tpu.memory_space<vmem_shared>>
        tpu.wait_indirect_dma semaphore(%run_scoped3A : memref<!tpu.dma_semaphore, #tpu.memory_space<semaphore_mem>>) src(%dma_wait3A_68 : memref<128x128xf32, #tpu.memory_space<vmem>>) dst(%dma_wait3A_74 : memref<10000x128xf32, #tpu.memory_space<vmem_shared>>)
        tpu.yield
      }) : () -> ()
    }
    %while3A_20 = arith.constant 1 : i32
    scf.for %while3A_26 = %while3A_18 to %while3A_14 step %while3A_20  : i32 {
      %rem3A = arith.constant 2 : i32
      %rem3A_27 = arith.remsi %while3A_26, %rem3A : i32
      %add3A_28 = arith.constant 1 : i32
      %add3A_29 = arith.addi %while3A_26, %add3A_28 : i32
      %rem3A_30 = arith.constant 2 : i32
      %rem3A_31 = arith.remsi %add3A_29, %rem3A_30 : i32
      %add3A_32 = arith.constant 1 : i32
      %add3A_33 = arith.addi %while3A_26, %add3A_32 : i32
      %lt3A_34 = arith.cmpi slt, %add3A_33, %max3A_5 : i32
      %convert_element_type3A_35 = arith.extui %lt3A_34 : i1 to i32
      %cond3A_36 = arith.constant 0 : i32
      %cond3A_37 = arith.cmpi ne, %convert_element_type3A_35, %cond3A_36 : i32
      scf.if %cond3A_37 {
        %mul3A_56 = arith.constant 40 : i32
        %mul3A_57 = arith.muli %add3A, %mul3A_56 : i32
        %add3A_58 = arith.addi %mul3A_57, %while3A_26 : i32
        %add3A_59 = arith.constant 1 : i32
        %add3A_60 = arith.addi %add3A_58, %add3A_59 : i32
        %mul3A_61 = arith.constant 128 : i32
        %mul3A_62 = arith.muli %add3A_60, %mul3A_61 : i32
        %dma_start3A = arith.constant 0 : i32
        %dma_start3A_63 = arith.constant 0 : i32
        %dma_start3A_64 = tpu.memref_slice %arg7[%rem3A_31, %dma_start3A, %dma_start3A_63] : memref<2x128x128xf32, #tpu.memory_space<vmem>> -> memref<1x128x128xf32, #tpu.memory_space<vmem>>
        %dma_start3A_65 = tpu.memref_squeeze %dma_start3A_64 : memref<1x128x128xf32, #tpu.memory_space<vmem>> -> memref<128x128xf32, #tpu.memory_space<vmem>>
        %dma_start3A_66 = arith.constant 0 : i32
        %dma_start3A_67 = tpu.memref_slice %arg2[%mul3A_62, %dma_start3A_66] : memref<160000x128xf32, #tpu.memory_space<hbm>> -> memref<128x128xf32, #tpu.memory_space<hbm>>
        %dma_start3A_68 = tpu.memref_slice %arg9[%rem3A_31] : memref<2x!tpu.dma_semaphore, #tpu.memory_space<semaphore_mem>> -> memref<1x!tpu.dma_semaphore, #tpu.memory_space<semaphore_mem>>
        %dma_start3A_69 = tpu.memref_squeeze %dma_start3A_68 : memref<1x!tpu.dma_semaphore, #tpu.memory_space<semaphore_mem>> -> memref<!tpu.dma_semaphore, #tpu.memory_space<semaphore_mem>>
        %dma_start3A_70 = arith.constant 0 : i32
        %dma_start3A_71 = arith.constant 0 : i32
        %dma_start3A_72 = tpu.memref_slice %arg7[%rem3A_31, %dma_start3A_70, %dma_start3A_71] : memref<2x128x128xf32, #tpu.memory_space<vmem>> -> memref<1x128x128xf32, #tpu.memory_space<vmem>>
        %dma_start3A_73 = tpu.memref_squeeze %dma_start3A_72 : memref<1x128x128xf32, #tpu.memory_space<vmem>> -> memref<128x128xf32, #tpu.memory_space<vmem>>
        %dma_start3A_74 = arith.constant 0 : i32
        %dma_start3A_75 = tpu.memref_slice %arg2[%mul3A_62, %dma_start3A_74] : memref<160000x128xf32, #tpu.memory_space<hbm>> -> memref<128x128xf32, #tpu.memory_space<hbm>>
        tpu.enqueue_dma source(%dma_start3A_75 : memref<128x128xf32, #tpu.memory_space<hbm>>) target(%dma_start3A_73 : memref<128x128xf32, #tpu.memory_space<vmem>>) target_semaphore(%dma_start3A_69 : memref<!tpu.dma_semaphore, #tpu.memory_space<semaphore_mem>>)
      } else {
      }
      %mul3A_38 = arith.constant 40 : i32
      %mul3A_39 = arith.muli %add3A, %mul3A_38 : i32
      %add3A_40 = arith.addi %mul3A_39, %while3A_26 : i32
      %mul3A_41 = arith.constant 128 : i32
      %mul3A_42 = arith.muli %add3A_40, %mul3A_41 : i32
      %dma_wait3A = arith.constant 0 : i32
      %dma_wait3A_43 = arith.constant 0 : i32
      %dma_wait3A_44 = tpu.memref_slice %arg7[%rem3A_27, %dma_wait3A, %dma_wait3A_43] : memref<2x128x128xf32, #tpu.memory_space<vmem>> -> memref<1x128x128xf32, #tpu.memory_space<vmem>>
      %dma_wait3A_45 = tpu.memref_squeeze %dma_wait3A_44 : memref<1x128x128xf32, #tpu.memory_space<vmem>> -> memref<128x128xf32, #tpu.memory_space<vmem>>
      %dma_wait3A_46 = arith.constant 0 : i32
      %dma_wait3A_47 = tpu.memref_slice %arg2[%mul3A_42, %dma_wait3A_46] : memref<160000x128xf32, #tpu.memory_space<hbm>> -> memref<128x128xf32, #tpu.memory_space<hbm>>
      %dma_wait3A_48 = tpu.memref_slice %arg9[%rem3A_27] : memref<2x!tpu.dma_semaphore, #tpu.memory_space<semaphore_mem>> -> memref<1x!tpu.dma_semaphore, #tpu.memory_space<semaphore_mem>>
      %dma_wait3A_49 = tpu.memref_squeeze %dma_wait3A_48 : memref<1x!tpu.dma_semaphore, #tpu.memory_space<semaphore_mem>> -> memref<!tpu.dma_semaphore, #tpu.memory_space<semaphore_mem>>
      %dma_wait3A_50 = arith.constant 0 : i32
      %dma_wait3A_51 = arith.constant 0 : i32
      %dma_wait3A_52 = tpu.memref_slice %arg7[%rem3A_27, %dma_wait3A_50, %dma_wait3A_51] : memref<2x128x128xf32, #tpu.memory_space<vmem>> -> memref<1x128x128xf32, #tpu.memory_space<vmem>>
      %dma_wait3A_53 = tpu.memref_squeeze %dma_wait3A_52 : memref<1x128x128xf32, #tpu.memory_space<vmem>> -> memref<128x128xf32, #tpu.memory_space<vmem>>
      %dma_wait3A_54 = arith.constant 0 : i32
      %dma_wait3A_55 = tpu.memref_slice %arg2[%mul3A_42, %dma_wait3A_54] : memref<160000x128xf32, #tpu.memory_space<hbm>> -> memref<128x128xf32, #tpu.memory_space<hbm>>
      tpu.wait_dma2 semaphore(%dma_wait3A_49 : memref<!tpu.dma_semaphore, #tpu.memory_space<semaphore_mem>>) src(%dma_wait3A_55 : memref<128x128xf32, #tpu.memory_space<hbm>>) dst(%dma_wait3A_53 : memref<128x128xf32, #tpu.memory_space<vmem>>)
      "tpu.region"() ({
        %run_scoped3A = tpu.sem_alloc : memref<!tpu.dma_semaphore, #tpu.memory_space<semaphore_mem>>
        %dma_start3A = arith.constant 0 : i32
        %dma_start3A_56 = arith.constant 0 : i32
        %dma_start3A_57 = tpu.memref_slice %arg7[%rem3A_27, %dma_start3A, %dma_start3A_56] : memref<2x128x128xf32, #tpu.memory_space<vmem>> -> memref<1x128x128xf32, #tpu.memory_space<vmem>>
        %dma_start3A_58 = tpu.memref_squeeze %dma_start3A_57 : memref<1x128x128xf32, #tpu.memory_space<vmem>> -> memref<128x128xf32, #tpu.memory_space<vmem>>
        %dma_start3A_59 = arith.constant 0 : i32
        %dma_start3A_60 = tpu.memref_slice %arg6[%while3A_26, %dma_start3A_59] : memref<40x128xi32, #tpu.memory_space<vmem>> -> memref<1x128xi32, #tpu.memory_space<vmem>>
        %dma_start3A_61 = tpu.memref_squeeze %dma_start3A_60 : memref<1x128xi32, #tpu.memory_space<vmem>> -> memref<128xi32, #tpu.memory_space<vmem>>
        %dma_start3A_62 = arith.constant 0 : i32
        %dma_start3A_63 = arith.constant 0 : i32
        %dma_start3A_64 = tpu.memref_slice %arg8[%dma_start3A_62, %dma_start3A_63] : memref<10000x128xf32, #tpu.memory_space<vmem_shared>> -> memref<10000x128xf32, #tpu.memory_space<vmem_shared>>
        tpu.enqueue_indirect_dma source(%dma_start3A_58 : memref<128x128xf32, #tpu.memory_space<vmem>>) target(%dma_start3A_64 : memref<10000x128xf32, #tpu.memory_space<vmem_shared>>) offsets(%dma_start3A_61 : memref<128xi32, #tpu.memory_space<vmem>>) semaphore(%run_scoped3A : memref<!tpu.dma_semaphore, #tpu.memory_space<semaphore_mem>>) {add = true}
        %dma_wait3A_65 = arith.constant 0 : i32
        %dma_wait3A_66 = arith.constant 0 : i32
        %dma_wait3A_67 = tpu.memref_slice %arg7[%rem3A_27, %dma_wait3A_65, %dma_wait3A_66] : memref<2x128x128xf32, #tpu.memory_space<vmem>> -> memref<1x128x128xf32, #tpu.memory_space<vmem>>
        %dma_wait3A_68 = tpu.memref_squeeze %dma_wait3A_67 : memref<1x128x128xf32, #tpu.memory_space<vmem>> -> memref<128x128xf32, #tpu.memory_space<vmem>>
        %dma_wait3A_69 = arith.constant 0 : i32
        %dma_wait3A_70 = tpu.memref_slice %arg6[%while3A_26, %dma_wait3A_69] : memref<40x128xi32, #tpu.memory_space<vmem>> -> memref<1x128xi32, #tpu.memory_space<vmem>>
        %dma_wait3A_71 = tpu.memref_squeeze %dma_wait3A_70 : memref<1x128xi32, #tpu.memory_space<vmem>> -> memref<128xi32, #tpu.memory_space<vmem>>
        %dma_wait3A_72 = arith.constant 0 : i32
        %dma_wait3A_73 = arith.constant 0 : i32
        %dma_wait3A_74 = tpu.memref_slice %arg8[%dma_wait3A_72, %dma_wait3A_73] : memref<10000x128xf32, #tpu.memory_space<vmem_shared>> -> memref<10000x128xf32, #tpu.memory_space<vmem_shared>>
        tpu.wait_indirect_dma semaphore(%run_scoped3A : memref<!tpu.dma_semaphore, #tpu.memory_space<semaphore_mem>>) src(%dma_wait3A_68 : memref<128x128xf32, #tpu.memory_space<vmem>>) dst(%dma_wait3A_74 : memref<10000x128xf32, #tpu.memory_space<vmem_shared>>)
        tpu.yield
      }) : () -> ()
    }
    %barrier3A_21 = arith.constant 0 : index
    tpu.barrier barrier_id(%barrier3A_21)
    %lt3A = arith.constant 10 : i32
    %lt3A_22 = arith.cmpi slt, %arg1, %lt3A : i32
    %convert_element_type3A_23 = arith.extui %lt3A_22 : i1 to i32
    %cond3A_24 = arith.constant 0 : i32
    %cond3A_25 = arith.cmpi ne, %convert_element_type3A_23, %cond3A_24 : i32
    scf.if %cond3A_25 {
      %mul3A_26 = arith.constant 1000 : i32
      %mul3A_27 = arith.muli %arg1, %mul3A_26 : i32
      %mul3A_28 = arith.constant 1000 : i32
      %mul3A_29 = arith.muli %arg1, %mul3A_28 : i32
      "tpu.region"() ({
        %run_scoped3A = tpu.sem_alloc : memref<!tpu.dma_semaphore, #tpu.memory_space<semaphore_mem>>
        %dma_start3A = arith.constant 0 : i32
        %dma_start3A_30 = arith.constant 0 : i32
        %dma_start3A_31 = tpu.memref_slice %arg5[%arg0, %dma_start3A, %dma_start3A_30] : memref<2x10000x128xf32, #tpu.memory_space<hbm>> -> memref<1x10000x128xf32, #tpu.memory_space<hbm>>
        %dma_start3A_32 = tpu.memref_squeeze %dma_start3A_31 : memref<1x10000x128xf32, #tpu.memory_space<hbm>> -> memref<10000x128xf32, #tpu.memory_space<hbm>>
        %dma_start3A_33 = arith.constant 0 : i32
        %dma_start3A_34 = tpu.memref_slice %dma_start3A_32[%mul3A_29, %dma_start3A_33] : memref<10000x128xf32, #tpu.memory_space<hbm>> -> memref<1000x128xf32, #tpu.memory_space<hbm>>
        %dma_start3A_35 = arith.constant 0 : i32
        %dma_start3A_36 = tpu.memref_slice %arg8[%mul3A_27, %dma_start3A_35] : memref<10000x128xf32, #tpu.memory_space<vmem_shared>> -> memref<1000x128xf32, #tpu.memory_space<vmem_shared>>
        tpu.enqueue_dma source(%dma_start3A_36 : memref<1000x128xf32, #tpu.memory_space<vmem_shared>>) target(%dma_start3A_34 : memref<1000x128xf32, #tpu.memory_space<hbm>>) target_semaphore(%run_scoped3A : memref<!tpu.dma_semaphore, #tpu.memory_space<semaphore_mem>>)
        %dma_wait3A = arith.constant 0 : i32
        %dma_wait3A_37 = arith.constant 0 : i32
        %dma_wait3A_38 = tpu.memref_slice %arg5[%arg0, %dma_wait3A, %dma_wait3A_37] : memref<2x10000x128xf32, #tpu.memory_space<hbm>> -> memref<1x10000x128xf32, #tpu.memory_space<hbm>>
        %dma_wait3A_39 = tpu.memref_squeeze %dma_wait3A_38 : memref<1x10000x128xf32, #tpu.memory_space<hbm>> -> memref<10000x128xf32, #tpu.memory_space<hbm>>
        %dma_wait3A_40 = arith.constant 0 : i32
        %dma_wait3A_41 = tpu.memref_slice %dma_wait3A_39[%mul3A_29, %dma_wait3A_40] : memref<10000x128xf32, #tpu.memory_space<hbm>> -> memref<1000x128xf32, #tpu.memory_space<hbm>>
        %dma_wait3A_42 = arith.constant 0 : i32
        %dma_wait3A_43 = tpu.memref_slice %arg8[%mul3A_27, %dma_wait3A_42] : memref<10000x128xf32, #tpu.memory_space<vmem_shared>> -> memref<1000x128xf32, #tpu.memory_space<vmem_shared>>
        tpu.wait_dma2 semaphore(%run_scoped3A : memref<!tpu.dma_semaphore, #tpu.memory_space<semaphore_mem>>) src(%dma_wait3A_43 : memref<1000x128xf32, #tpu.memory_space<vmem_shared>>) dst(%dma_wait3A_41 : memref<1000x128xf32, #tpu.memory_space<hbm>>)
        tpu.yield
      }) : () -> ()
    } else {
    }
    return
  }
}

#map = affine_map<(d0, d1) -> (0, 0)>
#map1 = affine_map<(d0, d1) -> (0, 0, 0)>
module attributes {stable_mosaic.version = 14 : i64} {
  func.func @k(%arg0: i32, %arg1: i32, %arg2: memref<10000x128xf32, #tpu.memory_space<hbm>>, %arg3: memref<32x40x128xi32, #tpu.memory_space<hbm>>, %arg4: memref<160000x128xf32, #tpu.memory_space<hbm>>, %arg5: memref<40x128xi32, #tpu.memory_space<vmem>>, %arg6: memref<2x128x128xf32, #tpu.memory_space<vmem>>, %arg7: memref<2x!tpu.dma_semaphore, #tpu.memory_space<semaphore_mem>>) attributes {dimension_semantics = [#tpu.dimension_semantics<core_parallel>, #tpu.dimension_semantics<subcore_parallel>], iteration_bounds = array<i64: 2, 16>, scalar_prefetch = 0 : i64, scratch_operands = 3 : i64, tpu.core_type = #tpu.core_type<sc_vector_subcore>, window_params = [{transform_indices = #map}, {transform_indices = #map1}, {transform_indices = #map}]} {
    %mul3A = arith.constant 2 : i32
    %mul3A_0 = arith.muli %arg1, %mul3A : i32
    %add3A = arith.addi %mul3A_0, %arg0 : i32
    %mul3A_1 = arith.constant 40 : i32
    %mul3A_2 = arith.muli %add3A, %mul3A_1 : i32
    %sub3A = arith.constant 1250 : i32
    %sub3A_3 = arith.subi %sub3A, %mul3A_2 : i32
    %min3A = arith.constant 40 : i32
    %min3A_4 = arith.minsi %min3A, %sub3A_3 : i32
    %max3A = arith.constant 0 : i32
    %max3A_5 = arith.maxsi %max3A, %min3A_4 : i32
    "tpu.region"() ({
      %run_scoped3A = tpu.sem_alloc : memref<!tpu.dma_semaphore, #tpu.memory_space<semaphore_mem>>
      %dma_start3A = arith.constant 0 : i32
      %dma_start3A_17 = arith.constant 0 : i32
      %dma_start3A_18 = tpu.memref_slice %arg3[%add3A, %dma_start3A, %dma_start3A_17] : memref<32x40x128xi32, #tpu.memory_space<hbm>> -> memref<1x40x128xi32, #tpu.memory_space<hbm>>
      %dma_start3A_19 = tpu.memref_squeeze %dma_start3A_18 : memref<1x40x128xi32, #tpu.memory_space<hbm>> -> memref<40x128xi32, #tpu.memory_space<hbm>>
      %dma_start3A_20 = arith.constant 0 : i32
      %dma_start3A_21 = arith.constant 0 : i32
      %dma_start3A_22 = tpu.memref_slice %arg3[%add3A, %dma_start3A_20, %dma_start3A_21] : memref<32x40x128xi32, #tpu.memory_space<hbm>> -> memref<1x40x128xi32, #tpu.memory_space<hbm>>
      %dma_start3A_23 = tpu.memref_squeeze %dma_start3A_22 : memref<1x40x128xi32, #tpu.memory_space<hbm>> -> memref<40x128xi32, #tpu.memory_space<hbm>>
      tpu.enqueue_dma source(%dma_start3A_23 : memref<40x128xi32, #tpu.memory_space<hbm>>) target(%arg5 : memref<40x128xi32, #tpu.memory_space<vmem>>) target_semaphore(%run_scoped3A : memref<!tpu.dma_semaphore, #tpu.memory_space<semaphore_mem>>)
      %dma_wait3A = arith.constant 0 : i32
      %dma_wait3A_24 = arith.constant 0 : i32
      %dma_wait3A_25 = tpu.memref_slice %arg3[%add3A, %dma_wait3A, %dma_wait3A_24] : memref<32x40x128xi32, #tpu.memory_space<hbm>> -> memref<1x40x128xi32, #tpu.memory_space<hbm>>
      %dma_wait3A_26 = tpu.memref_squeeze %dma_wait3A_25 : memref<1x40x128xi32, #tpu.memory_space<hbm>> -> memref<40x128xi32, #tpu.memory_space<hbm>>
      %dma_wait3A_27 = arith.constant 0 : i32
      %dma_wait3A_28 = arith.constant 0 : i32
      %dma_wait3A_29 = tpu.memref_slice %arg3[%add3A, %dma_wait3A_27, %dma_wait3A_28] : memref<32x40x128xi32, #tpu.memory_space<hbm>> -> memref<1x40x128xi32, #tpu.memory_space<hbm>>
      %dma_wait3A_30 = tpu.memref_squeeze %dma_wait3A_29 : memref<1x40x128xi32, #tpu.memory_space<hbm>> -> memref<40x128xi32, #tpu.memory_space<hbm>>
      tpu.wait_dma2 semaphore(%run_scoped3A : memref<!tpu.dma_semaphore, #tpu.memory_space<semaphore_mem>>) src(%dma_wait3A_30 : memref<40x128xi32, #tpu.memory_space<hbm>>) dst(%arg5 : memref<40x128xi32, #tpu.memory_space<vmem>>)
      tpu.yield
    }) : () -> ()
    %gt3A = arith.constant 0 : i32
    %gt3A_6 = arith.cmpi sgt, %max3A_5, %gt3A : i32
    %convert_element_type3A = arith.extui %gt3A_6 : i1 to i32
    %cond3A = arith.constant 0 : i32
    %cond3A_7 = arith.cmpi ne, %convert_element_type3A, %cond3A : i32
    scf.if %cond3A_7 {
      %dma_start3A = arith.constant 0 : i32
      %dma_start3A_17 = arith.constant 0 : i32
      %dma_start3A_18 = arith.constant 0 : i32
      %dma_start3A_19 = arith.constant 0 : i32
      %dma_start3A_20 = arith.constant 0 : i32
      %dma_start3A_21 = tpu.memref_slice %arg6[%dma_start3A_17, %dma_start3A_19, %dma_start3A_20] : memref<2x128x128xf32, #tpu.memory_space<vmem>> -> memref<1x128x128xf32, #tpu.memory_space<vmem>>
      %dma_start3A_22 = tpu.memref_squeeze %dma_start3A_21 : memref<1x128x128xf32, #tpu.memory_space<vmem>> -> memref<128x128xf32, #tpu.memory_space<vmem>>
      %dma_start3A_23 = arith.constant 0 : i32
      %dma_start3A_24 = tpu.memref_slice %arg5[%dma_start3A, %dma_start3A_23] : memref<40x128xi32, #tpu.memory_space<vmem>> -> memref<1x128xi32, #tpu.memory_space<vmem>>
      %dma_start3A_25 = tpu.memref_squeeze %dma_start3A_24 : memref<1x128xi32, #tpu.memory_space<vmem>> -> memref<128xi32, #tpu.memory_space<vmem>>
      %dma_start3A_26 = arith.constant 0 : i32
      %dma_start3A_27 = arith.constant 0 : i32
      %dma_start3A_28 = tpu.memref_slice %arg2[%dma_start3A_26, %dma_start3A_27] : memref<10000x128xf32, #tpu.memory_space<hbm>> -> memref<10000x128xf32, #tpu.memory_space<hbm>>
      %dma_start3A_29 = tpu.memref_slice %arg7[%dma_start3A_18] : memref<2x!tpu.dma_semaphore, #tpu.memory_space<semaphore_mem>> -> memref<1x!tpu.dma_semaphore, #tpu.memory_space<semaphore_mem>>
      %dma_start3A_30 = tpu.memref_squeeze %dma_start3A_29 : memref<1x!tpu.dma_semaphore, #tpu.memory_space<semaphore_mem>> -> memref<!tpu.dma_semaphore, #tpu.memory_space<semaphore_mem>>
      tpu.enqueue_indirect_dma source(%dma_start3A_28 : memref<10000x128xf32, #tpu.memory_space<hbm>>) target(%dma_start3A_22 : memref<128x128xf32, #tpu.memory_space<vmem>>) offsets(%dma_start3A_25 : memref<128xi32, #tpu.memory_space<vmem>>) semaphore(%dma_start3A_30 : memref<!tpu.dma_semaphore, #tpu.memory_space<semaphore_mem>>)
    } else {
    }
    %while3A = arith.constant 0 : i32
    %while3A_8 = arith.constant 0 : i32
    %while3A_9 = arith.subi %max3A_5, %while3A_8 : i32
    %while3A_10 = arith.addi %while3A_8, %while3A_9 : i32
    %while3A_11 = arith.constant 1 : i32
    %while3A_12 = arith.divsi %while3A_9, %while3A_11 : i32
    %while3A_13 = arith.muli %while3A_12, %while3A_11 : i32
    %while3A_14 = arith.addi %while3A_8, %while3A_13 : i32
    %while3A_15 = arith.constant 1 : i32
    scf.for %while3A_17 = %while3A_8 to %while3A_14 step %while3A_15  : i32 {
      %rem3A = arith.constant 2 : i32
      %rem3A_18 = arith.remsi %while3A_17, %rem3A : i32
      %add3A_19 = arith.constant 1 : i32
      %add3A_20 = arith.addi %while3A_17, %add3A_19 : i32
      %rem3A_21 = arith.constant 2 : i32
      %rem3A_22 = arith.remsi %add3A_20, %rem3A_21 : i32
      %add3A_23 = arith.constant 1 : i32
      %add3A_24 = arith.addi %while3A_17, %add3A_23 : i32
      %lt3A = arith.cmpi slt, %add3A_24, %max3A_5 : i32
      %convert_element_type3A_25 = arith.extui %lt3A : i1 to i32
      %cond3A_26 = arith.constant 0 : i32
      %cond3A_27 = arith.cmpi ne, %convert_element_type3A_25, %cond3A_26 : i32
      scf.if %cond3A_27 {
        %add3A_44 = arith.constant 1 : i32
        %add3A_45 = arith.addi %while3A_17, %add3A_44 : i32
        %dma_start3A = arith.constant 0 : i32
        %dma_start3A_46 = arith.constant 0 : i32
        %dma_start3A_47 = tpu.memref_slice %arg6[%rem3A_22, %dma_start3A, %dma_start3A_46] : memref<2x128x128xf32, #tpu.memory_space<vmem>> -> memref<1x128x128xf32, #tpu.memory_space<vmem>>
        %dma_start3A_48 = tpu.memref_squeeze %dma_start3A_47 : memref<1x128x128xf32, #tpu.memory_space<vmem>> -> memref<128x128xf32, #tpu.memory_space<vmem>>
        %dma_start3A_49 = arith.constant 0 : i32
        %dma_start3A_50 = tpu.memref_slice %arg5[%add3A_45, %dma_start3A_49] : memref<40x128xi32, #tpu.memory_space<vmem>> -> memref<1x128xi32, #tpu.memory_space<vmem>>
        %dma_start3A_51 = tpu.memref_squeeze %dma_start3A_50 : memref<1x128xi32, #tpu.memory_space<vmem>> -> memref<128xi32, #tpu.memory_space<vmem>>
        %dma_start3A_52 = arith.constant 0 : i32
        %dma_start3A_53 = arith.constant 0 : i32
        %dma_start3A_54 = tpu.memref_slice %arg2[%dma_start3A_52, %dma_start3A_53] : memref<10000x128xf32, #tpu.memory_space<hbm>> -> memref<10000x128xf32, #tpu.memory_space<hbm>>
        %dma_start3A_55 = tpu.memref_slice %arg7[%rem3A_22] : memref<2x!tpu.dma_semaphore, #tpu.memory_space<semaphore_mem>> -> memref<1x!tpu.dma_semaphore, #tpu.memory_space<semaphore_mem>>
        %dma_start3A_56 = tpu.memref_squeeze %dma_start3A_55 : memref<1x!tpu.dma_semaphore, #tpu.memory_space<semaphore_mem>> -> memref<!tpu.dma_semaphore, #tpu.memory_space<semaphore_mem>>
        tpu.enqueue_indirect_dma source(%dma_start3A_54 : memref<10000x128xf32, #tpu.memory_space<hbm>>) target(%dma_start3A_48 : memref<128x128xf32, #tpu.memory_space<vmem>>) offsets(%dma_start3A_51 : memref<128xi32, #tpu.memory_space<vmem>>) semaphore(%dma_start3A_56 : memref<!tpu.dma_semaphore, #tpu.memory_space<semaphore_mem>>)
      } else {
      }
      %dma_wait3A = arith.constant 0 : i32
      %dma_wait3A_28 = arith.constant 0 : i32
      %dma_wait3A_29 = tpu.memref_slice %arg6[%rem3A_18, %dma_wait3A, %dma_wait3A_28] : memref<2x128x128xf32, #tpu.memory_space<vmem>> -> memref<1x128x128xf32, #tpu.memory_space<vmem>>
      %dma_wait3A_30 = tpu.memref_squeeze %dma_wait3A_29 : memref<1x128x128xf32, #tpu.memory_space<vmem>> -> memref<128x128xf32, #tpu.memory_space<vmem>>
      %dma_wait3A_31 = arith.constant 0 : i32
      %dma_wait3A_32 = tpu.memref_slice %arg5[%while3A_17, %dma_wait3A_31] : memref<40x128xi32, #tpu.memory_space<vmem>> -> memref<1x128xi32, #tpu.memory_space<vmem>>
      %dma_wait3A_33 = tpu.memref_squeeze %dma_wait3A_32 : memref<1x128xi32, #tpu.memory_space<vmem>> -> memref<128xi32, #tpu.memory_space<vmem>>
      %dma_wait3A_34 = arith.constant 0 : i32
      %dma_wait3A_35 = arith.constant 0 : i32
      %dma_wait3A_36 = tpu.memref_slice %arg2[%dma_wait3A_34, %dma_wait3A_35] : memref<10000x128xf32, #tpu.memory_space<hbm>> -> memref<10000x128xf32, #tpu.memory_space<hbm>>
      %dma_wait3A_37 = tpu.memref_slice %arg7[%rem3A_18] : memref<2x!tpu.dma_semaphore, #tpu.memory_space<semaphore_mem>> -> memref<1x!tpu.dma_semaphore, #tpu.memory_space<semaphore_mem>>
      %dma_wait3A_38 = tpu.memref_squeeze %dma_wait3A_37 : memref<1x!tpu.dma_semaphore, #tpu.memory_space<semaphore_mem>> -> memref<!tpu.dma_semaphore, #tpu.memory_space<semaphore_mem>>
      tpu.wait_indirect_dma semaphore(%dma_wait3A_38 : memref<!tpu.dma_semaphore, #tpu.memory_space<semaphore_mem>>) src(%dma_wait3A_36 : memref<10000x128xf32, #tpu.memory_space<hbm>>) dst(%dma_wait3A_30 : memref<128x128xf32, #tpu.memory_space<vmem>>)
      %mul3A_39 = arith.constant 40 : i32
      %mul3A_40 = arith.muli %add3A, %mul3A_39 : i32
      %add3A_41 = arith.addi %mul3A_40, %while3A_17 : i32
      %mul3A_42 = arith.constant 128 : i32
      %mul3A_43 = arith.muli %add3A_41, %mul3A_42 : i32
      "tpu.region"() ({
        %run_scoped3A = tpu.sem_alloc : memref<!tpu.dma_semaphore, #tpu.memory_space<semaphore_mem>>
        %dma_start3A = arith.constant 0 : i32
        %dma_start3A_44 = arith.constant 0 : i32
        %dma_start3A_45 = tpu.memref_slice %arg6[%rem3A_18, %dma_start3A, %dma_start3A_44] : memref<2x128x128xf32, #tpu.memory_space<vmem>> -> memref<1x128x128xf32, #tpu.memory_space<vmem>>
        %dma_start3A_46 = tpu.memref_squeeze %dma_start3A_45 : memref<1x128x128xf32, #tpu.memory_space<vmem>> -> memref<128x128xf32, #tpu.memory_space<vmem>>
        %dma_start3A_47 = arith.constant 0 : i32
        %dma_start3A_48 = tpu.memref_slice %arg4[%mul3A_43, %dma_start3A_47] : memref<160000x128xf32, #tpu.memory_space<hbm>> -> memref<128x128xf32, #tpu.memory_space<hbm>>
        %dma_start3A_49 = arith.constant 0 : i32
        %dma_start3A_50 = tpu.memref_slice %arg4[%mul3A_43, %dma_start3A_49] : memref<160000x128xf32, #tpu.memory_space<hbm>> -> memref<128x128xf32, #tpu.memory_space<hbm>>
        %dma_start3A_51 = arith.constant 0 : i32
        %dma_start3A_52 = arith.constant 0 : i32
        %dma_start3A_53 = tpu.memref_slice %arg6[%rem3A_18, %dma_start3A_51, %dma_start3A_52] : memref<2x128x128xf32, #tpu.memory_space<vmem>> -> memref<1x128x128xf32, #tpu.memory_space<vmem>>
        %dma_start3A_54 = tpu.memref_squeeze %dma_start3A_53 : memref<1x128x128xf32, #tpu.memory_space<vmem>> -> memref<128x128xf32, #tpu.memory_space<vmem>>
        tpu.enqueue_dma source(%dma_start3A_54 : memref<128x128xf32, #tpu.memory_space<vmem>>) target(%dma_start3A_50 : memref<128x128xf32, #tpu.memory_space<hbm>>) target_semaphore(%run_scoped3A : memref<!tpu.dma_semaphore, #tpu.memory_space<semaphore_mem>>)
        %dma_wait3A_55 = arith.constant 0 : i32
        %dma_wait3A_56 = arith.constant 0 : i32
        %dma_wait3A_57 = tpu.memref_slice %arg6[%rem3A_18, %dma_wait3A_55, %dma_wait3A_56] : memref<2x128x128xf32, #tpu.memory_space<vmem>> -> memref<1x128x128xf32, #tpu.memory_space<vmem>>
        %dma_wait3A_58 = tpu.memref_squeeze %dma_wait3A_57 : memref<1x128x128xf32, #tpu.memory_space<vmem>> -> memref<128x128xf32, #tpu.memory_space<vmem>>
        %dma_wait3A_59 = arith.constant 0 : i32
        %dma_wait3A_60 = tpu.memref_slice %arg4[%mul3A_43, %dma_wait3A_59] : memref<160000x128xf32, #tpu.memory_space<hbm>> -> memref<128x128xf32, #tpu.memory_space<hbm>>
        %dma_wait3A_61 = arith.constant 0 : i32
        %dma_wait3A_62 = tpu.memref_slice %arg4[%mul3A_43, %dma_wait3A_61] : memref<160000x128xf32, #tpu.memory_space<hbm>> -> memref<128x128xf32, #tpu.memory_space<hbm>>
        %dma_wait3A_63 = arith.constant 0 : i32
        %dma_wait3A_64 = arith.constant 0 : i32
        %dma_wait3A_65 = tpu.memref_slice %arg6[%rem3A_18, %dma_wait3A_63, %dma_wait3A_64] : memref<2x128x128xf32, #tpu.memory_space<vmem>> -> memref<1x128x128xf32, #tpu.memory_space<vmem>>
        %dma_wait3A_66 = tpu.memref_squeeze %dma_wait3A_65 : memref<1x128x128xf32, #tpu.memory_space<vmem>> -> memref<128x128xf32, #tpu.memory_space<vmem>>
        tpu.wait_dma2 semaphore(%run_scoped3A : memref<!tpu.dma_semaphore, #tpu.memory_space<semaphore_mem>>) src(%dma_wait3A_66 : memref<128x128xf32, #tpu.memory_space<vmem>>) dst(%dma_wait3A_62 : memref<128x128xf32, #tpu.memory_space<hbm>>)
        tpu.yield
      }) : () -> ()
    }
    %while3A_16 = arith.constant 1 : i32
    scf.for %while3A_17 = %while3A_14 to %while3A_10 step %while3A_16  : i32 {
      %rem3A = arith.constant 2 : i32
      %rem3A_18 = arith.remsi %while3A_17, %rem3A : i32
      %add3A_19 = arith.constant 1 : i32
      %add3A_20 = arith.addi %while3A_17, %add3A_19 : i32
      %rem3A_21 = arith.constant 2 : i32
      %rem3A_22 = arith.remsi %add3A_20, %rem3A_21 : i32
      %add3A_23 = arith.constant 1 : i32
      %add3A_24 = arith.addi %while3A_17, %add3A_23 : i32
      %lt3A = arith.cmpi slt, %add3A_24, %max3A_5 : i32
      %convert_element_type3A_25 = arith.extui %lt3A : i1 to i32
      %cond3A_26 = arith.constant 0 : i32
      %cond3A_27 = arith.cmpi ne, %convert_element_type3A_25, %cond3A_26 : i32
      scf.if %cond3A_27 {
        %add3A_44 = arith.constant 1 : i32
        %add3A_45 = arith.addi %while3A_17, %add3A_44 : i32
        %dma_start3A = arith.constant 0 : i32
        %dma_start3A_46 = arith.constant 0 : i32
        %dma_start3A_47 = tpu.memref_slice %arg6[%rem3A_22, %dma_start3A, %dma_start3A_46] : memref<2x128x128xf32, #tpu.memory_space<vmem>> -> memref<1x128x128xf32, #tpu.memory_space<vmem>>
        %dma_start3A_48 = tpu.memref_squeeze %dma_start3A_47 : memref<1x128x128xf32, #tpu.memory_space<vmem>> -> memref<128x128xf32, #tpu.memory_space<vmem>>
        %dma_start3A_49 = arith.constant 0 : i32
        %dma_start3A_50 = tpu.memref_slice %arg5[%add3A_45, %dma_start3A_49] : memref<40x128xi32, #tpu.memory_space<vmem>> -> memref<1x128xi32, #tpu.memory_space<vmem>>
        %dma_start3A_51 = tpu.memref_squeeze %dma_start3A_50 : memref<1x128xi32, #tpu.memory_space<vmem>> -> memref<128xi32, #tpu.memory_space<vmem>>
        %dma_start3A_52 = arith.constant 0 : i32
        %dma_start3A_53 = arith.constant 0 : i32
        %dma_start3A_54 = tpu.memref_slice %arg2[%dma_start3A_52, %dma_start3A_53] : memref<10000x128xf32, #tpu.memory_space<hbm>> -> memref<10000x128xf32, #tpu.memory_space<hbm>>
        %dma_start3A_55 = tpu.memref_slice %arg7[%rem3A_22] : memref<2x!tpu.dma_semaphore, #tpu.memory_space<semaphore_mem>> -> memref<1x!tpu.dma_semaphore, #tpu.memory_space<semaphore_mem>>
        %dma_start3A_56 = tpu.memref_squeeze %dma_start3A_55 : memref<1x!tpu.dma_semaphore, #tpu.memory_space<semaphore_mem>> -> memref<!tpu.dma_semaphore, #tpu.memory_space<semaphore_mem>>
        tpu.enqueue_indirect_dma source(%dma_start3A_54 : memref<10000x128xf32, #tpu.memory_space<hbm>>) target(%dma_start3A_48 : memref<128x128xf32, #tpu.memory_space<vmem>>) offsets(%dma_start3A_51 : memref<128xi32, #tpu.memory_space<vmem>>) semaphore(%dma_start3A_56 : memref<!tpu.dma_semaphore, #tpu.memory_space<semaphore_mem>>)
      } else {
      }
      %dma_wait3A = arith.constant 0 : i32
      %dma_wait3A_28 = arith.constant 0 : i32
      %dma_wait3A_29 = tpu.memref_slice %arg6[%rem3A_18, %dma_wait3A, %dma_wait3A_28] : memref<2x128x128xf32, #tpu.memory_space<vmem>> -> memref<1x128x128xf32, #tpu.memory_space<vmem>>
      %dma_wait3A_30 = tpu.memref_squeeze %dma_wait3A_29 : memref<1x128x128xf32, #tpu.memory_space<vmem>> -> memref<128x128xf32, #tpu.memory_space<vmem>>
      %dma_wait3A_31 = arith.constant 0 : i32
      %dma_wait3A_32 = tpu.memref_slice %arg5[%while3A_17, %dma_wait3A_31] : memref<40x128xi32, #tpu.memory_space<vmem>> -> memref<1x128xi32, #tpu.memory_space<vmem>>
      %dma_wait3A_33 = tpu.memref_squeeze %dma_wait3A_32 : memref<1x128xi32, #tpu.memory_space<vmem>> -> memref<128xi32, #tpu.memory_space<vmem>>
      %dma_wait3A_34 = arith.constant 0 : i32
      %dma_wait3A_35 = arith.constant 0 : i32
      %dma_wait3A_36 = tpu.memref_slice %arg2[%dma_wait3A_34, %dma_wait3A_35] : memref<10000x128xf32, #tpu.memory_space<hbm>> -> memref<10000x128xf32, #tpu.memory_space<hbm>>
      %dma_wait3A_37 = tpu.memref_slice %arg7[%rem3A_18] : memref<2x!tpu.dma_semaphore, #tpu.memory_space<semaphore_mem>> -> memref<1x!tpu.dma_semaphore, #tpu.memory_space<semaphore_mem>>
      %dma_wait3A_38 = tpu.memref_squeeze %dma_wait3A_37 : memref<1x!tpu.dma_semaphore, #tpu.memory_space<semaphore_mem>> -> memref<!tpu.dma_semaphore, #tpu.memory_space<semaphore_mem>>
      tpu.wait_indirect_dma semaphore(%dma_wait3A_38 : memref<!tpu.dma_semaphore, #tpu.memory_space<semaphore_mem>>) src(%dma_wait3A_36 : memref<10000x128xf32, #tpu.memory_space<hbm>>) dst(%dma_wait3A_30 : memref<128x128xf32, #tpu.memory_space<vmem>>)
      %mul3A_39 = arith.constant 40 : i32
      %mul3A_40 = arith.muli %add3A, %mul3A_39 : i32
      %add3A_41 = arith.addi %mul3A_40, %while3A_17 : i32
      %mul3A_42 = arith.constant 128 : i32
      %mul3A_43 = arith.muli %add3A_41, %mul3A_42 : i32
      "tpu.region"() ({
        %run_scoped3A = tpu.sem_alloc : memref<!tpu.dma_semaphore, #tpu.memory_space<semaphore_mem>>
        %dma_start3A = arith.constant 0 : i32
        %dma_start3A_44 = arith.constant 0 : i32
        %dma_start3A_45 = tpu.memref_slice %arg6[%rem3A_18, %dma_start3A, %dma_start3A_44] : memref<2x128x128xf32, #tpu.memory_space<vmem>> -> memref<1x128x128xf32, #tpu.memory_space<vmem>>
        %dma_start3A_46 = tpu.memref_squeeze %dma_start3A_45 : memref<1x128x128xf32, #tpu.memory_space<vmem>> -> memref<128x128xf32, #tpu.memory_space<vmem>>
        %dma_start3A_47 = arith.constant 0 : i32
        %dma_start3A_48 = tpu.memref_slice %arg4[%mul3A_43, %dma_start3A_47] : memref<160000x128xf32, #tpu.memory_space<hbm>> -> memref<128x128xf32, #tpu.memory_space<hbm>>
        %dma_start3A_49 = arith.constant 0 : i32
        %dma_start3A_50 = tpu.memref_slice %arg4[%mul3A_43, %dma_start3A_49] : memref<160000x128xf32, #tpu.memory_space<hbm>> -> memref<128x128xf32, #tpu.memory_space<hbm>>
        %dma_start3A_51 = arith.constant 0 : i32
        %dma_start3A_52 = arith.constant 0 : i32
        %dma_start3A_53 = tpu.memref_slice %arg6[%rem3A_18, %dma_start3A_51, %dma_start3A_52] : memref<2x128x128xf32, #tpu.memory_space<vmem>> -> memref<1x128x128xf32, #tpu.memory_space<vmem>>
        %dma_start3A_54 = tpu.memref_squeeze %dma_start3A_53 : memref<1x128x128xf32, #tpu.memory_space<vmem>> -> memref<128x128xf32, #tpu.memory_space<vmem>>
        tpu.enqueue_dma source(%dma_start3A_54 : memref<128x128xf32, #tpu.memory_space<vmem>>) target(%dma_start3A_50 : memref<128x128xf32, #tpu.memory_space<hbm>>) target_semaphore(%run_scoped3A : memref<!tpu.dma_semaphore, #tpu.memory_space<semaphore_mem>>)
        %dma_wait3A_55 = arith.constant 0 : i32
        %dma_wait3A_56 = arith.constant 0 : i32
        %dma_wait3A_57 = tpu.memref_slice %arg6[%rem3A_18, %dma_wait3A_55, %dma_wait3A_56] : memref<2x128x128xf32, #tpu.memory_space<vmem>> -> memref<1x128x128xf32, #tpu.memory_space<vmem>>
        %dma_wait3A_58 = tpu.memref_squeeze %dma_wait3A_57 : memref<1x128x128xf32, #tpu.memory_space<vmem>> -> memref<128x128xf32, #tpu.memory_space<vmem>>
        %dma_wait3A_59 = arith.constant 0 : i32
        %dma_wait3A_60 = tpu.memref_slice %arg4[%mul3A_43, %dma_wait3A_59] : memref<160000x128xf32, #tpu.memory_space<hbm>> -> memref<128x128xf32, #tpu.memory_space<hbm>>
        %dma_wait3A_61 = arith.constant 0 : i32
        %dma_wait3A_62 = tpu.memref_slice %arg4[%mul3A_43, %dma_wait3A_61] : memref<160000x128xf32, #tpu.memory_space<hbm>> -> memref<128x128xf32, #tpu.memory_space<hbm>>
        %dma_wait3A_63 = arith.constant 0 : i32
        %dma_wait3A_64 = arith.constant 0 : i32
        %dma_wait3A_65 = tpu.memref_slice %arg6[%rem3A_18, %dma_wait3A_63, %dma_wait3A_64] : memref<2x128x128xf32, #tpu.memory_space<vmem>> -> memref<1x128x128xf32, #tpu.memory_space<vmem>>
        %dma_wait3A_66 = tpu.memref_squeeze %dma_wait3A_65 : memref<1x128x128xf32, #tpu.memory_space<vmem>> -> memref<128x128xf32, #tpu.memory_space<vmem>>
        tpu.wait_dma2 semaphore(%run_scoped3A : memref<!tpu.dma_semaphore, #tpu.memory_space<semaphore_mem>>) src(%dma_wait3A_66 : memref<128x128xf32, #tpu.memory_space<vmem>>) dst(%dma_wait3A_62 : memref<128x128xf32, #tpu.memory_space<hbm>>)
        tpu.yield
      }) : () -> ()
    }
    return
  }
}

module attributes {stable_mosaic.version = 14 : i64} {
  func.func @body(%arg0: i32, %arg1: memref<2000x128xf32, #tpu.memory_space<vmem>>, %arg2: memref<128x32xf32, #tpu.memory_space<vmem>>, %arg3: memref<1x32xf32, #tpu.memory_space<vmem>>, %arg4: memref<32x32xf32, #tpu.memory_space<vmem>>, %arg5: memref<1x32xf32, #tpu.memory_space<vmem>>, %arg6: memref<32x32xf32, #tpu.memory_space<vmem>>, %arg7: memref<1x32xf32, #tpu.memory_space<vmem>>, %arg8: memref<2000x128xf32, #tpu.memory_space<vmem>>) attributes {dimension_semantics = [#tpu.dimension_semantics<arbitrary>], iteration_bounds = array<i64: 5>, scalar_prefetch = 0 : i64, scratch_operands = 0 : i64, tpu.core_type = #tpu.core_type<tc>, window_params = [{transform_indices = @transform_0, window_bounds = array<i64: 2000, 128>}, {pipeline_mode = #tpu.pipeline_mode<synchronous>, transform_indices = @transform_1, window_bounds = array<i64: 128, 32>}, {pipeline_mode = #tpu.pipeline_mode<synchronous>, transform_indices = @transform_2, window_bounds = array<i64: 1, 32>}, {pipeline_mode = #tpu.pipeline_mode<synchronous>, transform_indices = @transform_3, window_bounds = array<i64: 32, 32>}, {pipeline_mode = #tpu.pipeline_mode<synchronous>, transform_indices = @transform_4, window_bounds = array<i64: 1, 32>}, {pipeline_mode = #tpu.pipeline_mode<synchronous>, transform_indices = @transform_5, window_bounds = array<i64: 32, 32>}, {pipeline_mode = #tpu.pipeline_mode<synchronous>, transform_indices = @transform_6, window_bounds = array<i64: 1, 32>}, {transform_indices = @transform_7, window_bounds = array<i64: 2000, 128>}]} {
    %get3A = arith.constant 0 : index
    %get3A_0 = arith.constant 0 : index
    %get3A_1 = vector.load %arg1[%get3A, %get3A_0] : memref<2000x128xf32, #tpu.memory_space<vmem>>, vector<2000x128xf32>
    %get3A_2 = arith.constant 0 : index
    %get3A_3 = arith.constant 0 : index
    %get3A_4 = vector.load %arg2[%get3A_2, %get3A_3] : memref<128x32xf32, #tpu.memory_space<vmem>>, vector<128x32xf32>
    %dot_general3A = arith.constant dense<0.000000e+00> : vector<2000x32xf32>
    %dot_general3A_5 = tpu.matmul %get3A_1, %get3A_4, %dot_general3A {dimension_numbers = #tpu.dot_dimension_numbers<[1], [0], [0], [1], [0, 0, 1, 1], [], []>, transpose_lhs_hint = false} : vector<2000x128xf32>, vector<128x32xf32>, vector<2000x32xf32> -> vector<2000x32xf32>
    %get3A_6 = arith.constant 0 : index
    %get3A_7 = arith.constant 0 : index
    %get3A_8 = vector.load %arg3[%get3A_6, %get3A_7] : memref<1x32xf32, #tpu.memory_space<vmem>>, vector<1x32xf32>
    %add3A = vector.broadcast %get3A_8 : vector<1x32xf32> to vector<2000x32xf32>
    %add3A_9 = arith.addf %dot_general3A_5, %add3A : vector<2000x32xf32>
    %max3A = arith.constant 0.000000e+00 : f32
    %max3A_10 = vector.broadcast %max3A : f32 to vector<2000x32xf32>
    %max3A_11 = arith.maximumf %add3A_9, %max3A_10 : vector<2000x32xf32>
    %get3A_12 = arith.constant 0 : index
    %get3A_13 = arith.constant 0 : index
    %get3A_14 = vector.load %arg4[%get3A_12, %get3A_13] : memref<32x32xf32, #tpu.memory_space<vmem>>, vector<32x32xf32>
    %dot_general3A_15 = arith.constant dense<0.000000e+00> : vector<2000x32xf32>
    %dot_general3A_16 = tpu.matmul %max3A_11, %get3A_14, %dot_general3A_15 {dimension_numbers = #tpu.dot_dimension_numbers<[1], [0], [0], [1], [0, 0, 1, 1], [], []>, transpose_lhs_hint = false} : vector<2000x32xf32>, vector<32x32xf32>, vector<2000x32xf32> -> vector<2000x32xf32>
    %get3A_17 = arith.constant 0 : index
    %get3A_18 = arith.constant 0 : index
    %get3A_19 = vector.load %arg5[%get3A_17, %get3A_18] : memref<1x32xf32, #tpu.memory_space<vmem>>, vector<1x32xf32>
    %add3A_20 = vector.broadcast %get3A_19 : vector<1x32xf32> to vector<2000x32xf32>
    %add3A_21 = arith.addf %dot_general3A_16, %add3A_20 : vector<2000x32xf32>
    %max3A_22 = arith.constant 0.000000e+00 : f32
    %max3A_23 = vector.broadcast %max3A_22 : f32 to vector<2000x32xf32>
    %max3A_24 = arith.maximumf %add3A_21, %max3A_23 : vector<2000x32xf32>
    %get3A_25 = arith.constant 0 : index
    %get3A_26 = arith.constant 0 : index
    %get3A_27 = vector.load %arg6[%get3A_25, %get3A_26] : memref<32x32xf32, #tpu.memory_space<vmem>>, vector<32x32xf32>
    %dot_general3A_28 = arith.constant dense<0.000000e+00> : vector<2000x32xf32>
    %dot_general3A_29 = tpu.matmul %max3A_24, %get3A_27, %dot_general3A_28 {dimension_numbers = #tpu.dot_dimension_numbers<[1], [0], [0], [1], [0, 0, 1, 1], [], []>, transpose_lhs_hint = false} : vector<2000x32xf32>, vector<32x32xf32>, vector<2000x32xf32> -> vector<2000x32xf32>
    %get3A_30 = arith.constant 0 : index
    %get3A_31 = arith.constant 0 : index
    %get3A_32 = vector.load %arg7[%get3A_30, %get3A_31] : memref<1x32xf32, #tpu.memory_space<vmem>>, vector<1x32xf32>
    %add3A_33 = vector.broadcast %get3A_32 : vector<1x32xf32> to vector<2000x32xf32>
    %add3A_34 = arith.addf %dot_general3A_29, %add3A_33 : vector<2000x32xf32>
    %max3A_35 = arith.constant 0.000000e+00 : f32
    %max3A_36 = vector.broadcast %max3A_35 : f32 to vector<2000x32xf32>
    %max3A_37 = arith.maximumf %add3A_34, %max3A_36 : vector<2000x32xf32>
    %broadcast_in_dim3A = arith.constant 0.000000e+00 : f32
    %broadcast_in_dim3A_38 = vector.broadcast %broadcast_in_dim3A : f32 to vector<2000x96xf32>
    %concatenate3A = tpu.concatenate %max3A_37, %broadcast_in_dim3A_38 in 1 : vector<2000x32xf32>, vector<2000x96xf32> -> vector<2000x128xf32>
    %swap3A = arith.constant 0 : index
    %swap3A_39 = arith.constant 0 : index
    %swap3A_40 = vector.load %arg8[%swap3A, %swap3A_39] : memref<2000x128xf32, #tpu.memory_space<vmem>>, vector<2000x128xf32>
    tpu.vector_store %arg8[%swap3A, %swap3A_39], %concatenate3A {strides = array<i32>} : memref<2000x128xf32, #tpu.memory_space<vmem>>, vector<2000x128xf32>,
    return
  }
  func.func @transform_0(%arg0: i32) -> (i32, i32) {
    %c0_i32 = arith.constant 0 : i32
    %c0_i32_0 = arith.constant 0 : i32
    return %arg0, %c0_i32 : i32, i32
  }
  func.func @transform_1(%arg0: i32) -> (i32, i32) {
    %c0_i32 = arith.constant 0 : i32
    %c0_i32_0 = arith.constant 0 : i32
    %c0_i32_1 = arith.constant 0 : i32
    return %c0_i32, %c0_i32_0 : i32, i32
  }
  func.func @transform_2(%arg0: i32) -> (i32, i32) {
    %c0_i32 = arith.constant 0 : i32
    %c0_i32_0 = arith.constant 0 : i32
    %c0_i32_1 = arith.constant 0 : i32
    return %c0_i32, %c0_i32_0 : i32, i32
  }
  func.func @transform_3(%arg0: i32) -> (i32, i32) {
    %c0_i32 = arith.constant 0 : i32
    %c0_i32_0 = arith.constant 0 : i32
    %c0_i32_1 = arith.constant 0 : i32
    return %c0_i32, %c0_i32_0 : i32, i32
  }
  func.func @transform_4(%arg0: i32) -> (i32, i32) {
    %c0_i32 = arith.constant 0 : i32
    %c0_i32_0 = arith.constant 0 : i32
    %c0_i32_1 = arith.constant 0 : i32
    return %c0_i32, %c0_i32_0 : i32, i32
  }
  func.func @transform_5(%arg0: i32) -> (i32, i32) {
    %c0_i32 = arith.constant 0 : i32
    %c0_i32_0 = arith.constant 0 : i32
    %c0_i32_1 = arith.constant 0 : i32
    return %c0_i32, %c0_i32_0 : i32, i32
  }
  func.func @transform_6(%arg0: i32) -> (i32, i32) {
    %c0_i32 = arith.constant 0 : i32
    %c0_i32_0 = arith.constant 0 : i32
    %c0_i32_1 = arith.constant 0 : i32
    return %c0_i32, %c0_i32_0 : i32, i32
  }
  func.func @transform_7(%arg0: i32) -> (i32, i32) {
    %c0_i32 = arith.constant 0 : i32
    %c0_i32_0 = arith.constant 0 : i32
    return %arg0, %c0_i32 : i32, i32
  }
}

module attributes {stable_mosaic.version = 14 : i64} {
  func.func @body(%arg0: i32, %arg1: memref<4000x1xf32, #tpu.memory_space<vmem>>, %arg2: memref<4000x128xf32, #tpu.memory_space<vmem>>, %arg3: memref<1x65xf32, #tpu.memory_space<vmem>>, %arg4: memref<1x65xf32, #tpu.memory_space<vmem>>, %arg5: memref<65x1024xbf16, #tpu.memory_space<vmem>>, %arg6: memref<1024x32xbf16, #tpu.memory_space<vmem>>, %arg7: memref<4000x128xf32, #tpu.memory_space<vmem>>) attributes {dimension_semantics = [#tpu.dimension_semantics<arbitrary>], iteration_bounds = array<i64: 40>, scalar_prefetch = 0 : i64, scratch_operands = 0 : i64, tpu.core_type = #tpu.core_type<tc>, window_params = [{transform_indices = @transform_0, window_bounds = array<i64: 4000, 1>}, {transform_indices = @transform_1, window_bounds = array<i64: 4000, 128>}, {pipeline_mode = #tpu.pipeline_mode<synchronous>, transform_indices = @transform_2, window_bounds = array<i64: 1, 65>}, {pipeline_mode = #tpu.pipeline_mode<synchronous>, transform_indices = @transform_3, window_bounds = array<i64: 1, 65>}, {pipeline_mode = #tpu.pipeline_mode<synchronous>, transform_indices = @transform_4, window_bounds = array<i64: 65, 1024>}, {pipeline_mode = #tpu.pipeline_mode<synchronous>, transform_indices = @transform_5, window_bounds = array<i64: 1024, 32>}, {transform_indices = @transform_6, window_bounds = array<i64: 4000, 128>}]} {
    %get3A = arith.constant 0 : index
    %get3A_0 = arith.constant 0 : index
    %get3A_1 = vector.load %arg1[%get3A, %get3A_0] : memref<4000x1xf32, #tpu.memory_space<vmem>>, vector<4000x1xf32>
    %get3A_2 = arith.constant 0 : index
    %get3A_3 = arith.constant 0 : index
    %get3A_4 = vector.load %arg3[%get3A_2, %get3A_3] : memref<1x65xf32, #tpu.memory_space<vmem>>, vector<1x65xf32>
    %mul3A = vector.broadcast %get3A_1 : vector<4000x1xf32> to vector<4000x65xf32>
    %mul3A_5 = vector.broadcast %get3A_4 : vector<1x65xf32> to vector<4000x65xf32>
    %mul3A_6 = arith.mulf %mul3A, %mul3A_5 : vector<4000x65xf32>
    %get3A_7 = arith.constant 0 : index
    %get3A_8 = arith.constant 0 : index
    %get3A_9 = vector.load %arg4[%get3A_7, %get3A_8] : memref<1x65xf32, #tpu.memory_space<vmem>>, vector<1x65xf32>
    %add3A = vector.broadcast %get3A_9 : vector<1x65xf32> to vector<4000x65xf32>
    %add3A_10 = arith.addf %mul3A_6, %add3A : vector<4000x65xf32>
    %max3A = arith.constant 0.000000e+00 : f32
    %max3A_11 = vector.broadcast %max3A : f32 to vector<4000x65xf32>
    %max3A_12 = arith.maximumf %add3A_10, %max3A_11 : vector<4000x65xf32>
    %convert_element_type3A = arith.truncf %max3A_12 : vector<4000x65xf32> to vector<4000x65xbf16>
    %get3A_13 = arith.constant 0 : index
    %get3A_14 = arith.constant 0 : index
    %get3A_15 = vector.load %arg5[%get3A_13, %get3A_14] : memref<65x1024xbf16, #tpu.memory_space<vmem>>, vector<65x1024xbf16>
    %dot_general3A = arith.constant dense<0.000000e+00> : vector<4000x1024xf32>
    %dot_general3A_16 = tpu.matmul %convert_element_type3A, %get3A_15, %dot_general3A {dimension_numbers = #tpu.dot_dimension_numbers<[1], [0], [0], [1], [0, 0, 1, 1], [], []>, transpose_lhs_hint = false} : vector<4000x65xbf16>, vector<65x1024xbf16>, vector<4000x1024xf32> -> vector<4000x1024xf32>
    %get3A_17 = arith.constant 0 : index
    %get3A_18 = arith.constant 0 : index
    %get3A_19 = vector.load %arg2[%get3A_17, %get3A_18] : memref<4000x128xf32, #tpu.memory_space<vmem>>, vector<4000x128xf32>
    %slice3A = vector.extract_strided_slice %get3A_19 {offsets = [0, 0], sizes = [4000, 32], strides = [1, 1]} : vector<4000x128xf32> to vector<4000x32xf32>
    %tile3A = tpu.concatenate %slice3A, %slice3A, %slice3A, %slice3A, %slice3A, %slice3A, %slice3A, %slice3A, %slice3A, %slice3A, %slice3A, %slice3A, %slice3A, %slice3A, %slice3A, %slice3A, %slice3A, %slice3A, %slice3A, %slice3A, %slice3A, %slice3A, %slice3A, %slice3A, %slice3A, %slice3A, %slice3A, %slice3A, %slice3A, %slice3A, %slice3A, %slice3A in 1 : vector<4000x32xf32>, vector<4000x32xf32>, vector<4000x32xf32>, vector<4000x32xf32>, vector<4000x32xf32>, vector<4000x32xf32>, vector<4000x32xf32>, vector<4000x32xf32>, vector<4000x32xf32>, vector<4000x32xf32>, vector<4000x32xf32>, vector<4000x32xf32>, vector<4000x32xf32>, vector<4000x32xf32>, vector<4000x32xf32>, vector<4000x32xf32>, vector<4000x32xf32>, vector<4000x32xf32>, vector<4000x32xf32>, vector<4000x32xf32>, vector<4000x32xf32>, vector<4000x32xf32>, vector<4000x32xf32>, vector<4000x32xf32>, vector<4000x32xf32>, vector<4000x32xf32>, vector<4000x32xf32>, vector<4000x32xf32>, vector<4000x32xf32>, vector<4000x32xf32>, vector<4000x32xf32>, vector<4000x32xf32> -> vector<4000x1024xf32>
    %mul3A_20 = arith.mulf %dot_general3A_16, %tile3A : vector<4000x1024xf32>
    %convert_element_type3A_21 = arith.truncf %mul3A_20 : vector<4000x1024xf32> to vector<4000x1024xbf16>
    %get3A_22 = arith.constant 0 : index
    %get3A_23 = arith.constant 0 : index
    %get3A_24 = vector.load %arg6[%get3A_22, %get3A_23] : memref<1024x32xbf16, #tpu.memory_space<vmem>>, vector<1024x32xbf16>
    %dot_general3A_25 = arith.constant dense<0.000000e+00> : vector<4000x32xf32>
    %dot_general3A_26 = tpu.matmul %convert_element_type3A_21, %get3A_24, %dot_general3A_25 {dimension_numbers = #tpu.dot_dimension_numbers<[1], [0], [0], [1], [0, 0, 1, 1], [], []>, transpose_lhs_hint = false} : vector<4000x1024xbf16>, vector<1024x32xbf16>, vector<4000x32xf32> -> vector<4000x32xf32>
    %swap3A = arith.constant 0 : index
    %swap3A_27 = arith.constant 0 : index
    %swap3A_28 = vector.load %arg7[%swap3A, %swap3A_27] : memref<4000x128xf32, #tpu.memory_space<vmem>>, vector<4000x32xf32>
    tpu.vector_store %arg7[%swap3A, %swap3A_27], %dot_general3A_26 {strides = array<i32>} : memref<4000x128xf32, #tpu.memory_space<vmem>>, vector<4000x32xf32>,
    %broadcast_in_dim3A = arith.constant 1.000000e+00 : f32
    %broadcast_in_dim3A_29 = vector.broadcast %broadcast_in_dim3A : f32 to vector<4000x32xf32>
    %swap3A_30 = arith.constant 0 : index
    %swap3A_31 = arith.constant 32 : index
    %swap3A_32 = vector.load %arg7[%swap3A_30, %swap3A_31] : memref<4000x128xf32, #tpu.memory_space<vmem>>, vector<4000x32xf32>
    tpu.vector_store %arg7[%swap3A_30, %swap3A_31], %broadcast_in_dim3A_29 {strides = array<i32>} : memref<4000x128xf32, #tpu.memory_space<vmem>>, vector<4000x32xf32>,
    return
  }
  func.func @transform_0(%arg0: i32) -> (i32, i32) {
    %c0_i32 = arith.constant 0 : i32
    %c0_i32_0 = arith.constant 0 : i32
    return %arg0, %c0_i32 : i32, i32
  }
  func.func @transform_1(%arg0: i32) -> (i32, i32) {
    %c0_i32 = arith.constant 0 : i32
    %c0_i32_0 = arith.constant 0 : i32
    return %arg0, %c0_i32 : i32, i32
  }
  func.func @transform_2(%arg0: i32) -> (i32, i32) {
    %c0_i32 = arith.constant 0 : i32
    %c0_i32_0 = arith.constant 0 : i32
    %c0_i32_1 = arith.constant 0 : i32
    return %c0_i32, %c0_i32_0 : i32, i32
  }
  func.func @transform_3(%arg0: i32) -> (i32, i32) {
    %c0_i32 = arith.constant 0 : i32
    %c0_i32_0 = arith.constant 0 : i32
    %c0_i32_1 = arith.constant 0 : i32
    return %c0_i32, %c0_i32_0 : i32, i32
  }
  func.func @transform_4(%arg0: i32) -> (i32, i32) {
    %c0_i32 = arith.constant 0 : i32
    %c0_i32_0 = arith.constant 0 : i32
    %c0_i32_1 = arith.constant 0 : i32
    return %c0_i32, %c0_i32_0 : i32, i32
  }
  func.func @transform_5(%arg0: i32) -> (i32, i32) {
    %c0_i32 = arith.constant 0 : i32
    %c0_i32_0 = arith.constant 0 : i32
    %c0_i32_1 = arith.constant 0 : i32
    return %c0_i32, %c0_i32_0 : i32, i32
  }
  func.func @transform_6(%arg0: i32) -> (i32, i32) {
    %c0_i32 = arith.constant 0 : i32
    %c0_i32_0 = arith.constant 0 : i32
    return %arg0, %c0_i32 : i32, i32
  }
}

module attributes {stable_mosaic.version = 14 : i64} {
  func.func @body(%arg0: i32, %arg1: memref<2000x128xf32, #tpu.memory_space<vmem>>, %arg2: memref<2000x128xf32, #tpu.memory_space<vmem>>, %arg3: memref<2000x128xf32, #tpu.memory_space<vmem>>, %arg4: memref<32x32xf32, #tpu.memory_space<vmem>>, %arg5: memref<1x32xf32, #tpu.memory_space<vmem>>, %arg6: memref<32x96xf32, #tpu.memory_space<vmem>>, %arg7: memref<1x96xf32, #tpu.memory_space<vmem>>, %arg8: memref<32x96xf32, #tpu.memory_space<vmem>>, %arg9: memref<1x96xf32, #tpu.memory_space<vmem>>, %arg10: memref<2000x128xf32, #tpu.memory_space<vmem>>) attributes {dimension_semantics = [#tpu.dimension_semantics<arbitrary>], iteration_bounds = array<i64: 5>, scalar_prefetch = 0 : i64, scratch_operands = 0 : i64, tpu.core_type = #tpu.core_type<tc>, window_params = [{transform_indices = @transform_0, window_bounds = array<i64: 2000, 128>}, {transform_indices = @transform_1, window_bounds = array<i64: 2000, 128>}, {transform_indices = @transform_2, window_bounds = array<i64: 2000, 128>}, {pipeline_mode = #tpu.pipeline_mode<synchronous>, transform_indices = @transform_3, window_bounds = array<i64: 32, 32>}, {pipeline_mode = #tpu.pipeline_mode<synchronous>, transform_indices = @transform_4, window_bounds = array<i64: 1, 32>}, {pipeline_mode = #tpu.pipeline_mode<synchronous>, transform_indices = @transform_5, window_bounds = array<i64: 32, 96>}, {pipeline_mode = #tpu.pipeline_mode<synchronous>, transform_indices = @transform_6, window_bounds = array<i64: 1, 96>}, {pipeline_mode = #tpu.pipeline_mode<synchronous>, transform_indices = @transform_7, window_bounds = array<i64: 32, 96>}, {pipeline_mode = #tpu.pipeline_mode<synchronous>, transform_indices = @transform_8, window_bounds = array<i64: 1, 96>}, {transform_indices = @transform_9, window_bounds = array<i64: 2000, 128>}]} {
    %get3A = arith.constant 0 : index
    %get3A_0 = arith.constant 0 : index
    %get3A_1 = vector.load %arg1[%get3A, %get3A_0] : memref<2000x128xf32, #tpu.memory_space<vmem>>, vector<2000x128xf32>
    %slice3A = vector.extract_strided_slice %get3A_1 {offsets = [0, 0], sizes = [2000, 32], strides = [1, 1]} : vector<2000x128xf32> to vector<2000x32xf32>
    %get3A_2 = arith.constant 0 : index
    %get3A_3 = arith.constant 0 : index
    %get3A_4 = vector.load %arg2[%get3A_2, %get3A_3] : memref<2000x128xf32, #tpu.memory_space<vmem>>, vector<2000x128xf32>
    %get3A_5 = arith.constant 0 : index
    %get3A_6 = arith.constant 0 : index
    %get3A_7 = vector.load %arg3[%get3A_5, %get3A_6] : memref<2000x128xf32, #tpu.memory_space<vmem>>, vector<2000x128xf32>
    %slice3A_8 = vector.extract_strided_slice %get3A_4 {offsets = [0, 32], sizes = [2000, 1], strides = [1, 1]} : vector<2000x128xf32> to vector<2000x1xf32>
    %slice3A_9 = vector.extract_strided_slice %get3A_7 {offsets = [0, 32], sizes = [2000, 1], strides = [1, 1]} : vector<2000x128xf32> to vector<2000x1xf32>
    %add3A = arith.addf %slice3A_8, %slice3A_9 : vector<2000x1xf32>
    %max3A = arith.constant 1.000000e+00 : f32
    %max3A_10 = vector.broadcast %max3A : f32 to vector<2000x1xf32>
    %max3A_11 = arith.maximumf %add3A, %max3A_10 : vector<2000x1xf32>
    %div3A = arith.constant 1.000000e+00 : f32
    %div3A_12 = vector.broadcast %div3A : f32 to vector<2000x1xf32>
    %div3A_13 = arith.divf %div3A_12, %max3A_11 : vector<2000x1xf32>
    %slice3A_14 = vector.extract_strided_slice %get3A_4 {offsets = [0, 0], sizes = [2000, 32], strides = [1, 1]} : vector<2000x128xf32> to vector<2000x32xf32>
    %slice3A_15 = vector.extract_strided_slice %get3A_7 {offsets = [0, 0], sizes = [2000, 32], strides = [1, 1]} : vector<2000x128xf32> to vector<2000x32xf32>
    %add3A_16 = arith.addf %slice3A_14, %slice3A_15 : vector<2000x32xf32>
    %mul3A = vector.broadcast %div3A_13 : vector<2000x1xf32> to vector<2000x32xf32>
    %mul3A_17 = arith.mulf %add3A_16, %mul3A : vector<2000x32xf32>
    %get3A_18 = arith.constant 0 : index
    %get3A_19 = arith.constant 0 : index
    %get3A_20 = vector.load %arg4[%get3A_18, %get3A_19] : memref<32x32xf32, #tpu.memory_space<vmem>>, vector<32x32xf32>
    %dot_general3A = arith.constant dense<0.000000e+00> : vector<2000x32xf32>
    %dot_general3A_21 = tpu.matmul %slice3A, %get3A_20, %dot_general3A {dimension_numbers = #tpu.dot_dimension_numbers<[1], [0], [0], [1], [0, 0, 1, 1], [], []>, transpose_lhs_hint = false} : vector<2000x32xf32>, vector<32x32xf32>, vector<2000x32xf32> -> vector<2000x32xf32>
    %get3A_22 = arith.constant 0 : index
    %get3A_23 = arith.constant 0 : index
    %get3A_24 = vector.load %arg5[%get3A_22, %get3A_23] : memref<1x32xf32, #tpu.memory_space<vmem>>, vector<1x32xf32>
    %add3A_25 = vector.broadcast %get3A_24 : vector<1x32xf32> to vector<2000x32xf32>
    %add3A_26 = arith.addf %dot_general3A_21, %add3A_25 : vector<2000x32xf32>
    %add3A_27 = arith.addf %add3A_26, %mul3A_17 : vector<2000x32xf32>
    %get3A_28 = arith.constant 0 : index
    %get3A_29 = arith.constant 0 : index
    %get3A_30 = vector.load %arg6[%get3A_28, %get3A_29] : memref<32x96xf32, #tpu.memory_space<vmem>>, vector<32x96xf32>
    %dot_general3A_31 = arith.constant dense<0.000000e+00> : vector<2000x96xf32>
    %dot_general3A_32 = tpu.matmul %add3A_27, %get3A_30, %dot_general3A_31 {dimension_numbers = #tpu.dot_dimension_numbers<[1], [0], [0], [1], [0, 0, 1, 1], [], []>, transpose_lhs_hint = false} : vector<2000x32xf32>, vector<32x96xf32>, vector<2000x96xf32> -> vector<2000x96xf32>
    %get3A_33 = arith.constant 0 : index
    %get3A_34 = arith.constant 0 : index
    %get3A_35 = vector.load %arg7[%get3A_33, %get3A_34] : memref<1x96xf32, #tpu.memory_space<vmem>>, vector<1x96xf32>
    %add3A_36 = vector.broadcast %get3A_35 : vector<1x96xf32> to vector<2000x96xf32>
    %add3A_37 = arith.addf %dot_general3A_32, %add3A_36 : vector<2000x96xf32>
    %get3A_38 = arith.constant 0 : index
    %get3A_39 = arith.constant 0 : index
    %get3A_40 = vector.load %arg8[%get3A_38, %get3A_39] : memref<32x96xf32, #tpu.memory_space<vmem>>, vector<32x96xf32>
    %dot_general3A_41 = arith.constant dense<0.000000e+00> : vector<2000x96xf32>
    %dot_general3A_42 = tpu.matmul %slice3A, %get3A_40, %dot_general3A_41 {dimension_numbers = #tpu.dot_dimension_numbers<[1], [0], [0], [1], [0, 0, 1, 1], [], []>, transpose_lhs_hint = false} : vector<2000x32xf32>, vector<32x96xf32>, vector<2000x96xf32> -> vector<2000x96xf32>
    %get3A_43 = arith.constant 0 : index
    %get3A_44 = arith.constant 0 : index
    %get3A_45 = vector.load %arg9[%get3A_43, %get3A_44] : memref<1x96xf32, #tpu.memory_space<vmem>>, vector<1x96xf32>
    %add3A_46 = vector.broadcast %get3A_45 : vector<1x96xf32> to vector<2000x96xf32>
    %add3A_47 = arith.addf %dot_general3A_42, %add3A_46 : vector<2000x96xf32>
    %slice3A_48 = vector.extract_strided_slice %add3A_37 {offsets = [0, 0], sizes = [2000, 32], strides = [1, 1]} : vector<2000x96xf32> to vector<2000x32xf32>
    %slice3A_49 = vector.extract_strided_slice %add3A_47 {offsets = [0, 0], sizes = [2000, 32], strides = [1, 1]} : vector<2000x96xf32> to vector<2000x32xf32>
    %add3A_50 = arith.addf %slice3A_48, %slice3A_49 : vector<2000x32xf32>
    %logistic3A = arith.negf %add3A_50 : vector<2000x32xf32>
    %logistic3A_51 = math.exp %logistic3A : vector<2000x32xf32>
    %logistic3A_52 = arith.constant 1.000000e+00 : f32
    %logistic3A_53 = vector.broadcast %logistic3A_52 : f32 to vector<2000x32xf32>
    %logistic3A_54 = arith.addf %logistic3A_53, %logistic3A_51 : vector<2000x32xf32>
    %logistic3A_55 = arith.divf %logistic3A_53, %logistic3A_54 : vector<2000x32xf32>
    %slice3A_56 = vector.extract_strided_slice %add3A_37 {offsets = [0, 32], sizes = [2000, 32], strides = [1, 1]} : vector<2000x96xf32> to vector<2000x32xf32>
    %slice3A_57 = vector.extract_strided_slice %add3A_47 {offsets = [0, 32], sizes = [2000, 32], strides = [1, 1]} : vector<2000x96xf32> to vector<2000x32xf32>
    %add3A_58 = arith.addf %slice3A_56, %slice3A_57 : vector<2000x32xf32>
    %logistic3A_59 = arith.negf %add3A_58 : vector<2000x32xf32>
    %logistic3A_60 = math.exp %logistic3A_59 : vector<2000x32xf32>
    %logistic3A_61 = arith.constant 1.000000e+00 : f32
    %logistic3A_62 = vector.broadcast %logistic3A_61 : f32 to vector<2000x32xf32>
    %logistic3A_63 = arith.addf %logistic3A_62, %logistic3A_60 : vector<2000x32xf32>
    %logistic3A_64 = arith.divf %logistic3A_62, %logistic3A_63 : vector<2000x32xf32>
    %slice3A_65 = vector.extract_strided_slice %add3A_37 {offsets = [0, 64], sizes = [2000, 32], strides = [1, 1]} : vector<2000x96xf32> to vector<2000x32xf32>
    %slice3A_66 = vector.extract_strided_slice %add3A_47 {offsets = [0, 64], sizes = [2000, 32], strides = [1, 1]} : vector<2000x96xf32> to vector<2000x32xf32>
    %mul3A_67 = arith.mulf %logistic3A_55, %slice3A_66 : vector<2000x32xf32>
    %add3A_68 = arith.addf %slice3A_65, %mul3A_67 : vector<2000x32xf32>
    %tanh3A = math.tanh %add3A_68 : vector<2000x32xf32>
    %sub3A = arith.constant 1.000000e+00 : f32
    %sub3A_69 = vector.broadcast %sub3A : f32 to vector<2000x32xf32>
    %sub3A_70 = arith.subf %sub3A_69, %logistic3A_64 : vector<2000x32xf32>
    %mul3A_71 = arith.mulf %sub3A_70, %tanh3A : vector<2000x32xf32>
    %mul3A_72 = arith.mulf %logistic3A_64, %slice3A : vector<2000x32xf32>
    %add3A_73 = arith.addf %mul3A_71, %mul3A_72 : vector<2000x32xf32>
    %broadcast_in_dim3A = arith.constant 0.000000e+00 : f32
    %broadcast_in_dim3A_74 = vector.broadcast %broadcast_in_dim3A : f32 to vector<2000x96xf32>
    %concatenate3A = tpu.concatenate %add3A_73, %broadcast_in_dim3A_74 in 1 : vector<2000x32xf32>, vector<2000x96xf32> -> vector<2000x128xf32>
    %swap3A = arith.constant 0 : index
    %swap3A_75 = arith.constant 0 : index
    %swap3A_76 = vector.load %arg10[%swap3A, %swap3A_75] : memref<2000x128xf32, #tpu.memory_space<vmem>>, vector<2000x128xf32>
    tpu.vector_store %arg10[%swap3A, %swap3A_75], %concatenate3A {strides = array<i32>} : memref<2000x128xf32, #tpu.memory_space<vmem>>, vector<2000x128xf32>,
    return
  }
  func.func @transform_0(%arg0: i32) -> (i32, i32) {
    %c0_i32 = arith.constant 0 : i32
    %c0_i32_0 = arith.constant 0 : i32
    return %arg0, %c0_i32 : i32, i32
  }
  func.func @transform_1(%arg0: i32) -> (i32, i32) {
    %c0_i32 = arith.constant 0 : i32
    %c0_i32_0 = arith.constant 0 : i32
    return %arg0, %c0_i32 : i32, i32
  }
  func.func @transform_2(%arg0: i32) -> (i32, i32) {
    %c0_i32 = arith.constant 0 : i32
    %c0_i32_0 = arith.constant 0 : i32
    return %arg0, %c0_i32 : i32, i32
  }
  func.func @transform_3(%arg0: i32) -> (i32, i32) {
    %c0_i32 = arith.constant 0 : i32
    %c0_i32_0 = arith.constant 0 : i32
    %c0_i32_1 = arith.constant 0 : i32
    return %c0_i32, %c0_i32_0 : i32, i32
  }
  func.func @transform_4(%arg0: i32) -> (i32, i32) {
    %c0_i32 = arith.constant 0 : i32
    %c0_i32_0 = arith.constant 0 : i32
    %c0_i32_1 = arith.constant 0 : i32
    return %c0_i32, %c0_i32_0 : i32, i32
  }
  func.func @transform_5(%arg0: i32) -> (i32, i32) {
    %c0_i32 = arith.constant 0 : i32
    %c0_i32_0 = arith.constant 0 : i32
    %c0_i32_1 = arith.constant 0 : i32
    return %c0_i32, %c0_i32_0 : i32, i32
  }
  func.func @transform_6(%arg0: i32) -> (i32, i32) {
    %c0_i32 = arith.constant 0 : i32
    %c0_i32_0 = arith.constant 0 : i32
    %c0_i32_1 = arith.constant 0 : i32
    return %c0_i32, %c0_i32_0 : i32, i32
  }
  func.func @transform_7(%arg0: i32) -> (i32, i32) {
    %c0_i32 = arith.constant 0 : i32
    %c0_i32_0 = arith.constant 0 : i32
    %c0_i32_1 = arith.constant 0 : i32
    return %c0_i32, %c0_i32_0 : i32, i32
  }
  func.func @transform_8(%arg0: i32) -> (i32, i32) {
    %c0_i32 = arith.constant 0 : i32
    %c0_i32_0 = arith.constant 0 : i32
    %c0_i32_1 = arith.constant 0 : i32
    return %c0_i32, %c0_i32_0 : i32, i32
  }
  func.func @transform_9(%arg0: i32) -> (i32, i32) {
    %c0_i32 = arith.constant 0 : i32
    %c0_i32_0 = arith.constant 0 : i32
    return %arg0, %c0_i32 : i32, i32
  }
}

module attributes {stable_mosaic.version = 14 : i64} {
  func.func @body(%arg0: i32, %arg1: memref<2000x128xf32, #tpu.memory_space<vmem>>, %arg2: memref<2000x1xi32, #tpu.memory_space<vmem>>, %arg3: memref<32x32xf32, #tpu.memory_space<vmem>>, %arg4: memref<1x32xf32, #tpu.memory_space<vmem>>, %arg5: memref<32x32xf32, #tpu.memory_space<vmem>>, %arg6: memref<1x32xf32, #tpu.memory_space<vmem>>, %arg7: memref<32x32xf32, #tpu.memory_space<vmem>>, %arg8: memref<1x32xf32, #tpu.memory_space<vmem>>, %arg9: memref<32x1xf32, #tpu.memory_space<vmem>>, %arg10: memref<1x1xf32, #tpu.memory_space<vmem>>, %arg11: memref<128x1xf32, #tpu.memory_space<vmem>>, %arg12: memref<128x32xf32, #tpu.memory_space<vmem>>, %arg13: memref<128x32xf32, #tpu.memory_space<vmem>>) attributes {dimension_semantics = [#tpu.dimension_semantics<arbitrary>], iteration_bounds = array<i64: 5>, scalar_prefetch = 0 : i64, scratch_operands = 2 : i64, tpu.core_type = #tpu.core_type<tc>, window_params = [{transform_indices = @transform_0, window_bounds = array<i64: 2000, 128>}, {transform_indices = @transform_1, window_bounds = array<i64: 2000, 1>}, {pipeline_mode = #tpu.pipeline_mode<synchronous>, transform_indices = @transform_2, window_bounds = array<i64: 32, 32>}, {pipeline_mode = #tpu.pipeline_mode<synchronous>, transform_indices = @transform_3, window_bounds = array<i64: 1, 32>}, {pipeline_mode = #tpu.pipeline_mode<synchronous>, transform_indices = @transform_4, window_bounds = array<i64: 32, 32>}, {pipeline_mode = #tpu.pipeline_mode<synchronous>, transform_indices = @transform_5, window_bounds = array<i64: 1, 32>}, {pipeline_mode = #tpu.pipeline_mode<synchronous>, transform_indices = @transform_6, window_bounds = array<i64: 32, 32>}, {pipeline_mode = #tpu.pipeline_mode<synchronous>, transform_indices = @transform_7, window_bounds = array<i64: 1, 32>}, {pipeline_mode = #tpu.pipeline_mode<synchronous>, transform_indices = @transform_8, window_bounds = array<i64: 32, 1>}, {pipeline_mode = #tpu.pipeline_mode<synchronous>, transform_indices = @transform_9, window_bounds = array<i64: 1, 1>}, {pipeline_mode = #tpu.pipeline_mode<synchronous>, transform_indices = @transform_10, window_bounds = array<i64: 128, 1>}]} {
    %eq3A = arith.constant 0 : i32
    %eq3A_0 = arith.cmpi eq, %arg0, %eq3A : i32
    %convert_element_type3A = arith.extui %eq3A_0 : i1 to i32
    %cond3A = arith.constant 0 : i32
    %cond3A_1 = arith.cmpi ne, %convert_element_type3A, %cond3A : i32
    scf.if %cond3A_1 {
      %broadcast_in_dim3A_32 = arith.constant 0.000000e+00 : f32
      %broadcast_in_dim3A_33 = vector.broadcast %broadcast_in_dim3A_32 : f32 to vector<128x32xf32>
      %swap3A_34 = arith.constant 0 : index
      %swap3A_35 = arith.constant 0 : index
      %swap3A_36 = vector.load %arg12[%swap3A_34, %swap3A_35] : memref<128x32xf32, #tpu.memory_space<vmem>>, vector<128x32xf32>
      tpu.vector_store %arg12[%swap3A_34, %swap3A_35], %broadcast_in_dim3A_33 {strides = array<i32>} : memref<128x32xf32, #tpu.memory_space<vmem>>, vector<128x32xf32>,
      %broadcast_in_dim3A_37 = arith.constant 0.000000e+00 : f32
      %broadcast_in_dim3A_38 = vector.broadcast %broadcast_in_dim3A_37 : f32 to vector<128x32xf32>
      %swap3A_39 = arith.constant 0 : index
      %swap3A_40 = arith.constant 0 : index
      %swap3A_41 = vector.load %arg13[%swap3A_39, %swap3A_40] : memref<128x32xf32, #tpu.memory_space<vmem>>, vector<128x32xf32>
      tpu.vector_store %arg13[%swap3A_39, %swap3A_40], %broadcast_in_dim3A_38 {strides = array<i32>} : memref<128x32xf32, #tpu.memory_space<vmem>>, vector<128x32xf32>,
    } else {
    }
    %get3A = arith.constant 0 : index
    %get3A_2 = arith.constant 0 : index
    %get3A_3 = vector.load %arg2[%get3A, %get3A_2] : memref<2000x1xi32, #tpu.memory_space<vmem>>, vector<2000x1xi32>
    %iota3A = tpu.iota {dimensions = array<i32: 1>} : vector<2000x128xi32>
    %eq3A_4 = vector.broadcast %get3A_3 : vector<2000x1xi32> to vector<2000x128xi32>
    %eq3A_5 = arith.cmpi eq, %eq3A_4, %iota3A : vector<2000x128xi32>
    %convert_element_type3A_6 = arith.extui %eq3A_5 : vector<2000x128xi1> to vector<2000x128xi32>
    %convert_element_type3A_7 = arith.sitofp %convert_element_type3A_6 : vector<2000x128xi32> to vector<2000x128xf32>
    %get3A_8 = arith.constant 0 : index
    %get3A_9 = arith.constant 0 : index
    %get3A_10 = vector.load %arg12[%get3A_8, %get3A_9] : memref<128x32xf32, #tpu.memory_space<vmem>>, vector<128x32xf32>
    %get3A_11 = arith.constant 0 : index
    %get3A_12 = arith.constant 0 : index
    %get3A_13 = vector.load %arg1[%get3A_11, %get3A_12] : memref<2000x128xf32, #tpu.memory_space<vmem>>, vector<2000x128xf32>
    %slice3A = vector.extract_strided_slice %get3A_13 {offsets = [0, 0], sizes = [2000, 32], strides = [1, 1]} : vector<2000x128xf32> to vector<2000x32xf32>
    %dot_general3A = arith.constant dense<0.000000e+00> : vector<128x32xf32>
    %dot_general3A_14 = tpu.matmul %convert_element_type3A_7, %slice3A, %dot_general3A {dimension_numbers = #tpu.dot_dimension_numbers<[0], [0], [1], [1], [0, 1, 1, 1], [], []>, transpose_lhs_hint = false} : vector<2000x128xf32>, vector<2000x32xf32>, vector<128x32xf32> -> vector<128x32xf32>
    %add3A = arith.addf %get3A_10, %dot_general3A_14 : vector<128x32xf32>
    %swap3A = arith.constant 0 : index
    %swap3A_15 = arith.constant 0 : index
    %swap3A_16 = vector.load %arg12[%swap3A, %swap3A_15] : memref<128x32xf32, #tpu.memory_space<vmem>>, vector<128x32xf32>
    tpu.vector_store %arg12[%swap3A, %swap3A_15], %add3A {strides = array<i32>} : memref<128x32xf32, #tpu.memory_space<vmem>>, vector<128x32xf32>,
    %get3A_17 = arith.constant 0 : index
    %get3A_18 = arith.constant 0 : index
    %get3A_19 = vector.load %arg13[%get3A_17, %get3A_18] : memref<128x32xf32, #tpu.memory_space<vmem>>, vector<128x32xf32>
    %broadcast_in_dim3A = arith.constant 1.000000e+00 : f32
    %broadcast_in_dim3A_20 = vector.broadcast %broadcast_in_dim3A : f32 to vector<2000x32xf32>
    %dot_general3A_21 = arith.constant dense<0.000000e+00> : vector<128x32xf32>
    %dot_general3A_22 = tpu.matmul %convert_element_type3A_7, %broadcast_in_dim3A_20, %dot_general3A_21 {dimension_numbers = #tpu.dot_dimension_numbers<[0], [0], [1], [1], [0, 1, 1, 1], [], []>, transpose_lhs_hint = false} : vector<2000x128xf32>, vector<2000x32xf32>, vector<128x32xf32> -> vector<128x32xf32>
    %add3A_23 = arith.addf %get3A_19, %dot_general3A_22 : vector<128x32xf32>
    %swap3A_24 = arith.constant 0 : index
    %swap3A_25 = arith.constant 0 : index
    %swap3A_26 = vector.load %arg13[%swap3A_24, %swap3A_25] : memref<128x32xf32, #tpu.memory_space<vmem>>, vector<128x32xf32>
    tpu.vector_store %arg13[%swap3A_24, %swap3A_25], %add3A_23 {strides = array<i32>} : memref<128x32xf32, #tpu.memory_space<vmem>>, vector<128x32xf32>,
    %eq3A_27 = arith.constant 4 : i32
    %eq3A_28 = arith.cmpi eq, %arg0, %eq3A_27 : i32
    %convert_element_type3A_29 = arith.extui %eq3A_28 : i1 to i32
    %cond3A_30 = arith.constant 0 : i32
    %cond3A_31 = arith.cmpi ne, %convert_element_type3A_29, %cond3A_30 : i32
    scf.if %cond3A_31 {
      %get3A_32 = arith.constant 0 : index
      %get3A_33 = arith.constant 0 : index
      %get3A_34 = vector.load %arg12[%get3A_32, %get3A_33] : memref<128x32xf32, #tpu.memory_space<vmem>>, vector<128x32xf32>
      %get3A_35 = arith.constant 0 : index
      %get3A_36 = arith.constant 0 : index
      %get3A_37 = vector.load %arg13[%get3A_35, %get3A_36] : memref<128x32xf32, #tpu.memory_space<vmem>>, vector<128x32xf32>
      %max3A = arith.constant 1.000000e+00 : f32
      %max3A_38 = vector.broadcast %max3A : f32 to vector<128x32xf32>
      %max3A_39 = arith.maximumf %get3A_37, %max3A_38 : vector<128x32xf32>
      %div3A = arith.divf %get3A_34, %max3A_39 : vector<128x32xf32>
      %get3A_40 = arith.constant 0 : index
      %get3A_41 = arith.constant 0 : index
      %get3A_42 = vector.load %arg3[%get3A_40, %get3A_41] : memref<32x32xf32, #tpu.memory_space<vmem>>, vector<32x32xf32>
      %dot_general3A_43 = arith.constant dense<0.000000e+00> : vector<128x32xf32>
      %dot_general3A_44 = tpu.matmul %div3A, %get3A_42, %dot_general3A_43 {dimension_numbers = #tpu.dot_dimension_numbers<[1], [0], [0], [1], [0, 0, 1, 1], [], []>, transpose_lhs_hint = false} : vector<128x32xf32>, vector<32x32xf32>, vector<128x32xf32> -> vector<128x32xf32>
      %get3A_45 = arith.constant 0 : index
      %get3A_46 = arith.constant 0 : index
      %get3A_47 = vector.load %arg4[%get3A_45, %get3A_46] : memref<1x32xf32, #tpu.memory_space<vmem>>, vector<1x32xf32>
      %add3A_48 = vector.broadcast %get3A_47 : vector<1x32xf32> to vector<128x32xf32>
      %add3A_49 = arith.addf %dot_general3A_44, %add3A_48 : vector<128x32xf32>
      %max3A_50 = arith.constant 0.000000e+00 : f32
      %max3A_51 = vector.broadcast %max3A_50 : f32 to vector<128x32xf32>
      %max3A_52 = arith.maximumf %add3A_49, %max3A_51 : vector<128x32xf32>
      %get3A_53 = arith.constant 0 : index
      %get3A_54 = arith.constant 0 : index
      %get3A_55 = vector.load %arg5[%get3A_53, %get3A_54] : memref<32x32xf32, #tpu.memory_space<vmem>>, vector<32x32xf32>
      %dot_general3A_56 = arith.constant dense<0.000000e+00> : vector<128x32xf32>
      %dot_general3A_57 = tpu.matmul %max3A_52, %get3A_55, %dot_general3A_56 {dimension_numbers = #tpu.dot_dimension_numbers<[1], [0], [0], [1], [0, 0, 1, 1], [], []>, transpose_lhs_hint = false} : vector<128x32xf32>, vector<32x32xf32>, vector<128x32xf32> -> vector<128x32xf32>
      %get3A_58 = arith.constant 0 : index
      %get3A_59 = arith.constant 0 : index
      %get3A_60 = vector.load %arg6[%get3A_58, %get3A_59] : memref<1x32xf32, #tpu.memory_space<vmem>>, vector<1x32xf32>
      %add3A_61 = vector.broadcast %get3A_60 : vector<1x32xf32> to vector<128x32xf32>
      %add3A_62 = arith.addf %dot_general3A_57, %add3A_61 : vector<128x32xf32>
      %max3A_63 = arith.constant 0.000000e+00 : f32
      %max3A_64 = vector.broadcast %max3A_63 : f32 to vector<128x32xf32>
      %max3A_65 = arith.maximumf %add3A_62, %max3A_64 : vector<128x32xf32>
      %get3A_66 = arith.constant 0 : index
      %get3A_67 = arith.constant 0 : index
      %get3A_68 = vector.load %arg7[%get3A_66, %get3A_67] : memref<32x32xf32, #tpu.memory_space<vmem>>, vector<32x32xf32>
      %dot_general3A_69 = arith.constant dense<0.000000e+00> : vector<128x32xf32>
      %dot_general3A_70 = tpu.matmul %max3A_65, %get3A_68, %dot_general3A_69 {dimension_numbers = #tpu.dot_dimension_numbers<[1], [0], [0], [1], [0, 0, 1, 1], [], []>, transpose_lhs_hint = false} : vector<128x32xf32>, vector<32x32xf32>, vector<128x32xf32> -> vector<128x32xf32>
      %get3A_71 = arith.constant 0 : index
      %get3A_72 = arith.constant 0 : index
      %get3A_73 = vector.load %arg8[%get3A_71, %get3A_72] : memref<1x32xf32, #tpu.memory_space<vmem>>, vector<1x32xf32>
      %add3A_74 = vector.broadcast %get3A_73 : vector<1x32xf32> to vector<128x32xf32>
      %add3A_75 = arith.addf %dot_general3A_70, %add3A_74 : vector<128x32xf32>
      %max3A_76 = arith.constant 0.000000e+00 : f32
      %max3A_77 = vector.broadcast %max3A_76 : f32 to vector<128x32xf32>
      %max3A_78 = arith.maximumf %add3A_75, %max3A_77 : vector<128x32xf32>
      %get3A_79 = arith.constant 0 : index
      %get3A_80 = arith.constant 0 : index
      %get3A_81 = vector.load %arg9[%get3A_79, %get3A_80] : memref<32x1xf32, #tpu.memory_space<vmem>>, vector<32x1xf32>
      %dot_general3A_82 = arith.constant dense<0.000000e+00> : vector<128x1xf32>
      %dot_general3A_83 = tpu.matmul %max3A_78, %get3A_81, %dot_general3A_82 {dimension_numbers = #tpu.dot_dimension_numbers<[1], [0], [0], [1], [0, 0, 1, 1], [], []>, transpose_lhs_hint = false} : vector<128x32xf32>, vector<32x1xf32>, vector<128x1xf32> -> vector<128x1xf32>
      %get3A_84 = arith.constant 0 : index
      %get3A_85 = arith.constant 0 : index
      %get3A_86 = vector.load %arg10[%get3A_84, %get3A_85] : memref<1x1xf32, #tpu.memory_space<vmem>>, vector<1x1xf32>
      %add3A_87 = vector.broadcast %get3A_86 : vector<1x1xf32> to vector<128x1xf32>
      %add3A_88 = arith.addf %dot_general3A_83, %add3A_87 : vector<128x1xf32>
      %swap3A_89 = arith.constant 0 : index
      %swap3A_90 = arith.constant 0 : index
      %swap3A_91 = vector.load %arg11[%swap3A_89, %swap3A_90] : memref<128x1xf32, #tpu.memory_space<vmem>>, vector<128x1xf32>
      tpu.vector_store %arg11[%swap3A_89, %swap3A_90], %add3A_88 {strides = array<i32>} : memref<128x1xf32, #tpu.memory_space<vmem>>, vector<128x1xf32>,
    } else {
    }
    return
  }
  func.func @transform_0(%arg0: i32) -> (i32, i32) {
    %c0_i32 = arith.constant 0 : i32
    %c0_i32_0 = arith.constant 0 : i32
    return %arg0, %c0_i32 : i32, i32
  }
  func.func @transform_1(%arg0: i32) -> (i32, i32) {
    %c0_i32 = arith.constant 0 : i32
    %c0_i32_0 = arith.constant 0 : i32
    return %arg0, %c0_i32 : i32, i32
  }
  func.func @transform_2(%arg0: i32) -> (i32, i32) {
    %c0_i32 = arith.constant 0 : i32
    %c0_i32_0 = arith.constant 0 : i32
    %c0_i32_1 = arith.constant 0 : i32
    return %c0_i32, %c0_i32_0 : i32, i32
  }
  func.func @transform_3(%arg0: i32) -> (i32, i32) {
    %c0_i32 = arith.constant 0 : i32
    %c0_i32_0 = arith.constant 0 : i32
    %c0_i32_1 = arith.constant 0 : i32
    return %c0_i32, %c0_i32_0 : i32, i32
  }
  func.func @transform_4(%arg0: i32) -> (i32, i32) {
    %c0_i32 = arith.constant 0 : i32
    %c0_i32_0 = arith.constant 0 : i32
    %c0_i32_1 = arith.constant 0 : i32
    return %c0_i32, %c0_i32_0 : i32, i32
  }
  func.func @transform_5(%arg0: i32) -> (i32, i32) {
    %c0_i32 = arith.constant 0 : i32
    %c0_i32_0 = arith.constant 0 : i32
    %c0_i32_1 = arith.constant 0 : i32
    return %c0_i32, %c0_i32_0 : i32, i32
  }
  func.func @transform_6(%arg0: i32) -> (i32, i32) {
    %c0_i32 = arith.constant 0 : i32
    %c0_i32_0 = arith.constant 0 : i32
    %c0_i32_1 = arith.constant 0 : i32
    return %c0_i32, %c0_i32_0 : i32, i32
  }
  func.func @transform_7(%arg0: i32) -> (i32, i32) {
    %c0_i32 = arith.constant 0 : i32
    %c0_i32_0 = arith.constant 0 : i32
    %c0_i32_1 = arith.constant 0 : i32
    return %c0_i32, %c0_i32_0 : i32, i32
  }
  func.func @transform_8(%arg0: i32) -> (i32, i32) {
    %c0_i32 = arith.constant 0 : i32
    %c0_i32_0 = arith.constant 0 : i32
    %c0_i32_1 = arith.constant 0 : i32
    return %c0_i32, %c0_i32_0 : i32, i32
  }
  func.func @transform_9(%arg0: i32) -> (i32, i32) {
    %c0_i32 = arith.constant 0 : i32
    %c0_i32_0 = arith.constant 0 : i32
    %c0_i32_1 = arith.constant 0 : i32
    return %c0_i32, %c0_i32_0 : i32, i32
  }
  func.func @transform_10(%arg0: i32) -> (i32, i32) {
    %c0_i32 = arith.constant 0 : i32
    %c0_i32_0 = arith.constant 0 : i32
    %c0_i32_1 = arith.constant 0 : i32
    return %c0_i32, %c0_i32_0 : i32, i32
  }
}

</mosaic_0001>

<sc_bundles>
// kernel: kernel.16.cloned.1.call-start
scs
__scs_entry_jumppad:
0x0: {  	(pc) =	sbr.rel $0x88, $3  }
0x1: {  	(tag) =	ssettag $0x0;
	lr =	simm.s32 $0x1  }
0x2: {  	[smem:$0x3F71] =	sst lr;
	_ =	strace $0xD0000000  }
0x3: {  	_ = 	snop  }
0x4: {  	_ = 	snop  }
0x5: {  	_ = 	snop  }
0x6: {  	_ = 	snop  }
0x7: {  	_ = 	snop  }
__scs_overlays_trampoline_lowered:
0x8: {  	[smem:$0x3F80] =	sst s0  }
0x9: {  	[smem:$0x3F81] =	sst s1  }
0xa: {  	[smem:$0x3F82] =	sst s2  }
0xb: {  	[smem:$0x3F83] =	sst s3  }
0xc: {  	[smem:$0x3F84] =	sst s4  }
0xd: {  	[smem:$0x3F85] =	sst s5  }
0xe: {  	[smem:$0x3F86] =	sst s6  }
0xf: {  	[smem:$0x3F87] =	sst s7  }
0x10: {  	[smem:$0x3F88] =	sst s8  }
0x11: {  	[smem:$0x3F89] =	sst s9;
	s0 =	simm.s32 @!p0 $0x0  }
0x12: {  	s1 =	sld [smem:$0x3F6F];
	s0 =	simm.s32 @p0 $0x1  }
0x13: {  	[smem:$0x3F8A] =	sst s0;
	s0 =	simm.s32 @!p1 $0x0  }
0x14: {  	s2 =	sld [smem:$0x3F6E];
	s0 =	simm.s32 @p1 $0x1  }
0x15: {  	[smem:$0x3F8B] =	sst s0;
	s0 =	simm.s32 @!p2 $0x0  }
0x16: {  	s3 =	sld [smem:$0x3FDB];
	s0 =	simm.s32 @p2 $0x1  }
0x17: {  	s4 =	simm.s32 $0x1BF5;
	[smem:$0x3F8D] =	sst s0  }
0x18: {  	s0 =	sld [smem:$0x3F70];
	_ =	swait.ge [sflag:s4], $0x0  }
0x19: {  	s7 =	sld [smem:$0x3F71]  }
0x1a: {  	s8 =	sadd.s32 $0xFFFFE003, lr  }
0x1b: {  	s9 =	sadd.s32 $0xFFFFFEF7, lr;
	s5 =	simm.s32 $0xFFFFFFFF;
	p2 =	slt.u32 s8, $0xFFFFF086  }
0x1c: {  	p1 =	slt.u32 s9, $0xF7A;
	s5 =	simm.s32 @!p2 $0x0  }
0x1d: {  	s5 =	simm.s32 @p1 $0x1;
	p0 =	seq.s32 s7, s2  }
0x1e: {  	s7 =	smul.u32 @!p0 $0xF7A, s2;
	p2 =	seq.s32 @!p0 s5, $0x0  }
0x1f: {  	s9 =	smul.u32 $0xF7A, s1;
	s8 =	simm.s32 @!p0 $0x1BF5;
	p2 =	por !p2, p0  }
0x20: {  	[sflag:s8] =	ssyncset.s32 @!p0 $0xFFFFF086;
	s6 =	sadd.s32 @!p0 s3, s7;
	s7 =	simm.s32 @!p0 $0x108  }
0x21: {  	s3 =	sadd.s32 s3, s9;
	s6 =	sadd.s32 @!p0 $0x88, s6;
	s7 =	simm.s32 @p2 $0x1082  }
0x22: {  	[simem:s7], [sflag:s8] =	dma.local @!p0 [hbm:s6], $0xF7A  }
0x23: {  	s9 =	sor.u32 $0xD0000000, s2;
	s6 =	simm.s32 $0x108;
	_ =	swait.ge @!p0 [sflag:s8], $0x0  }
0x24: {  	s3 =	sadd.s32 $0x88, s3;
	s6 =	simm.s32 @!p1 $0x1082;
	[sflag:s4] =	ssyncset.s32 $0xFFFFF086  }
0x25: {  	[simem:s6], [sflag:s4] =	dma.local [hbm:s3], $0xF7A  }
0x26: {  	[smem:$0x3F71] =	sst s1;
	(tag) =	ssettag s2;
	_ =	strace s9  }
0x27: {  	s1 =	sld [smem:$0x3F81]  }
0x28: {  	s2 =	sld [smem:$0x3F82]  }
0x29: {  	s4 =	sld [smem:$0x3F84]  }
0x2a: {  	p0 =	seq.s32 s5, $0x0;
	s5 =	sld [smem:$0x3F85]  }
0x2b: {  	s6 =	sld [smem:$0x3F86]  }
0x2c: {  	s7 =	sld [smem:$0x3F87]  }
0x2d: {  	s3 =	simm.s32 $0x108;
	s8 =	sld [smem:$0x3F88]  }
0x2e: {  	s3 =	simm.s32 @!p0 $0x1082;
	s9 =	sld [smem:$0x3F89]  }
0x2f: {  	lr =	sadd.s32 s0, s3;
	s0 =	sld [smem:$0x3F80]  }
0x30: {  	s3 =	sld [smem:$0x3F83]  }
0x31: {  	[smem:$0x3F8C] =	sst s10  }
0x32: {  	s10 =	sld [smem:$0x3F8A];
	_ =	sdelay $0x3  }
0x33: {  	p0 =	seq.s32 s10, $0x1;
	s10 =	sld [smem:$0x3F8C];
	_ =	sdelay $0x3  }
0x34: {  	[smem:$0x3F8C] =	sst s10  }
0x35: {  	s10 =	sld [smem:$0x3F8B];
	_ =	sdelay $0x3  }
0x36: {  	p1 =	seq.s32 s10, $0x1;
	s10 =	sld [smem:$0x3F8C];
	_ =	sdelay $0x3  }
0x37: {  	[smem:$0x3F8C] =	sst s10  }
0x38: {  	s10 =	sld [smem:$0x3F8D]  }
0x39: {  	_ = 	snop;
	(pc) =	sbr.ind lr, $3  }
0x3a: {  	_ = 	snop  }
0x3b: {  	_ = 	snop  }
0x3c: {  	p2 =	seq.s32 s10, $0x1;
	s10 =	sld [smem:$0x3F8C]  }
0x3d: {  	_ =	shalt  }
0x3e: {  	_ =	shalt  }
0x3f: {  	_ =	shalt  }
0x40: {  	_ =	shalt  }
0x41: {  	_ =	shalt  }
0x42: {  	_ =	shalt  }
0x43: {  	_ =	shalt  }
0x44: {  	_ =	shalt  }
0x45: {  	_ =	shalt  }
0x46: {  	_ =	shalt  }
0x47: {  	_ =	shalt  }
0x48: {  	_ =	shalt  }
0x49: {  	_ =	shalt  }
0x4a: {  	_ =	shalt  }
0x4b: {  	_ =	shalt  }
0x4c: {  	_ =	shalt  }
0x4d: {  	_ =	shalt  }
0x4e: {  	_ =	shalt  }
0x4f: {  	_ =	shalt  }
0x50: {  	_ =	shalt  }
0x51: {  	_ =	shalt  }
0x52: {  	_ =	shalt  }
0x53: {  	_ =	shalt  }
0x54: {  	_ =	shalt  }
0x55: {  	_ =	shalt  }
0x56: {  	_ =	shalt  }
0x57: {  	_ =	shalt  }
0x58: {  	_ =	shalt  }
0x59: {  	_ =	shalt  }
0x5a: {  	_ =	shalt  }
0x5b: {  	_ =	shalt  }
0x5c: {  	_ =	shalt  }
0x5d: {  	_ =	shalt  }
0x5e: {  	_ =	shalt  }
0x5f: {  	_ =	shalt  }
0x60: {  	_ =	shalt  }
0x61: {  	_ =	shalt  }
0x62: {  	_ =	shalt  }
0x63: {  	_ =	shalt  }
0x64: {  	_ =	shalt  }
0x65: {  	_ =	shalt  }
0x66: {  	_ =	shalt  }
0x67: {  	_ =	shalt  }
0x68: {  	_ =	shalt  }
0x69: {  	_ =	shalt  }
0x6a: {  	_ =	shalt  }
0x6b: {  	_ =	shalt  }
0x6c: {  	_ =	shalt  }
0x6d: {  	_ =	shalt  }
0x6e: {  	_ =	shalt  }
0x6f: {  	_ =	shalt  }
0x70: {  	_ =	shalt  }
0x71: {  	_ =	shalt  }
0x72: {  	_ =	shalt  }
0x73: {  	_ =	shalt  }
0x74: {  	_ =	shalt  }
0x75: {  	_ =	shalt  }
0x76: {  	_ =	shalt  }
0x77: {  	_ =	shalt  }
0x78: {  	_ =	shalt  }
0x79: {  	_ =	shalt  }
0x7a: {  	_ =	shalt  }
0x7b: {  	_ =	shalt  }
0x7c: {  	_ =	shalt  }
0x7d: {  	_ =	shalt  }
0x7e: {  	_ =	shalt  }
0x7f: {  	_ =	shalt  }
0x80: {  	_ =	shalt  }
0x81: {  	_ =	shalt  }
0x82: {  	_ =	shalt  }
0x83: {  	_ =	shalt  }
0x84: {  	_ =	shalt  }
0x85: {  	_ =	shalt  }
0x86: {  	_ =	shalt  }
0x87: {  	_ =	shalt  }
.Lfunc_end0:
.L_simem_size_0:
called_computation_lowered:
.L_overlay_start_0:
0x88: {  	s2 =	sld [smem:$0x3FD9]  }
0x89: {  	s3 =	sld [smem:$0x3FFE];
	_ =	sdelay $0x1  }
0x8a: {  	s1 =	srdreg.scid  }
0x8b: {  	s0 =	sand.u32 $0x1, s1  }
0x8c: {  	s16 =	sshll.u32 s0, $0xA;
	s2 =	sadd.s32 s3, s2  }
0x8d: {  	s2 =	sadd.s32 s2, s16  }
0x8e: {  	[smem:$0x3F98] =	sst s2  }
0x8f: {  	_ = 	snop  }
0x90: {  	(tm) =	ssettm $0x1  }
0x91: {  	s17 =	sld [smem:$0x3FFB];
	_ =	sdelay $0x3  }
0x92: {  	_ =	strace s17  }
0x93: {  	s2 =	sld [smem:$0x3FFC];
	_ =	sdelay $0x3  }
0x94: {  	_ =	strace s2  }
0x95: {  	s2 =	sld [smem:$0x3FFD];
	_ =	sdelay $0x3  }
0x96: {  	_ =	strace s2  }
0x97: {  	_ =	strace $0x8FFFFFFF  }
0x98: {  	s18 =	sld [smem:$0x3FDB];
	_ =	sdelay $0x1  }
0x99: {  	s19 =	simm.s32 $_scs_section_size  }
0x9a: {  	s4 =	simm.s32 $_size__tile_overlayer_lowered;
	s5 =	simm.s32 $_tile_overlayer_lowered  }
0x9b: {  	s22 =	simm.s32 $0x1BFF;
	s21 =	sshll.u32 s5, $0x1;
	s2 =	sadd.s32 s19, s18  }
0x9c: {  	s6 =	simm.s32 $0x0;
	s20 =	sshll.u32 s4, $0x1;
	s4 =	sadd.s32 s21, s2  }
0x9d: {  	[timem:s6], [sflag:s22] =	dma.local [hbm:s4], s20  }
0x9e: {  	_ =	swait.ge [sflag:s22], s20  }
0x9f: {  	s3 =	ssub.s32 $0x0, s20;
	[sflag:s22] =	ssyncset.done $0x0  }
0xa0: {  	[sflag:s22] =	ssyncadd.s32 s3;
	_ =	sdelay $0x1  }
0xa1: {  	s23 =	simm.s32 $0x1B8B  }
0xa2: {  	_ =	swait.ge [sflag:s23], $0x1  }
0xa3: {  	[sflag:s23] =	ssyncset.done $0x0  }
0xa4: {  	s25 =	simm.s32 $0x1B8E;
	s24 =	sld [smem:$0x3FFE];
	[sflag:s23] =	ssyncadd.s32 $0xFFFFFFFF  }
0xa5: {  	s26 =	simm.s32 $execute0_lowered;
	[smem:$0x3FD2] =	sst s25  }
0xa6: {  	s4 =	sshll.u32 s26, $0x1;
	_ =	strace $0x80000046;
	[dreg:$0x1] =	wrdreg $0xFFFFFFFF  }
0xa7: {  	s28 =	simm.s32 $_size_execute0_lowered;
	s2 =	sadd.s32 s2, s4;
	[dreg:$0x0] =	wrdreg $0x0  }
0xa8: {  	s4 =	sshll.u32 s28, $0x1;
	[dreg:$0x2] =	wrdreg s2  }
0xa9: {  	[dreg:$0x3] =	wrdreg s4  }
0xaa: {  	[dreg:$0x4] =	wrdreg $0xC0  }
0xab: {  	_ =	task [dreg:s6], $0x5FFFF  }
0xac: {  	[dreg:$0x1] =	wrdreg $0xFFFFFFFF  }
0xad: {  	[dreg:$0x0] =	wrdreg $0x60  }
0xae: {  	[dreg:$0x2] =	wrdreg s24  }
0xaf: {  	[dreg:$0x3] =	wrdreg $0x9  }
0xb0: {  	_ =	task.clear_ibuf [dreg:s6], $0x4FFFF;
	_ =	strace $0x90000046  }
0xb1: {  	s29 =	simm.s32 $0x9;
	_ =	strace $0x80000048  }
0xb2: {  	_ =	swait.ge [sflag:s29], $0x1  }
0xb3: {  	[sflag:s29] =	ssyncadd.s32 $0xFFFFFFFF  }
0xb4: {  	_ =	strace $0x90000048  }
0xb5: {  	_ =	sfence  }
0xb6: {  	s30 =	sld [smem:$0x0];
	_ =	sdelay $0x2  }
0xb7: {  	s31 =	sshll.u32 s1, $0xD;
	s1 =	sshrl.u32 s1, $0x2  }
0xb8: {  	s3 =	sand.u32 $0x4000, s31;
	s1 =	sadd.s32 s1, s30  }
0xb9: {  	s0 =	sor.u32 s3, s0;
	s1 =	sshll.u32 s1, $0x11  }
0xba: {  	s0 =	sor.u32 s1, s0  }
0xbb: {  	s0 =	sadd.s32 $0x8F2B, s0  }
0xbc: {  	[sflag:s0] =	ssyncadd.remote.s32 $0x1  }
0xbd: {  	_ =	sfence.sel $0xFFFF  }
0xbe: {  	[dreg:$0x0] =	wrdreg $0xFFFFFFFF;
	(pc) =	sbr.abs _section_cstart, $3  }
0xbf: {  	[dreg:$0x1] =	wrdreg $0xFFFFFFFF  }
0xc0: {  	_ =	task.clear_ibuf [dreg:s6], $0x2FFFF;
	_ =	strace $0x9FFFFFFF  }
0xc1: {  	(tm) =	ssettm $0x7FFFFFFF  }
tec
execute0_lowered:
.L_overlay_start_1:
0x0: {  	(tag) =	ssettag $0x1  }
0x1: {  	s1 =	srdreg.scid;
	s0 =	stileid.u32  }
0x2: {  	s5 =	rddreg [dreg:$0x0];
	s7 =	smul.u32 $0x28000, s0  }
0x3: {  	s2 =	simm.s32 $0x0;
	s4 =	sand.u32 $0x1, s1;
	s10 =	smul.u32 $0xFFFFFFB0, s0  }
0x4: {  	s26 =	sshll.u32 s0, $0x1;
	s1 =	rddreg [dreg:$0x1];
	s9 =	smul.u32 $0xFFFFFFD8, s4  }
0x5: {  	[smem:$0x7FF] =	sst s2;
	s3 =	sor.u32 s4, s26;
	s12 =	smul.u32 $0x14000, s4  }
0x6: {  	_ =	strace $0x80000047;
	s28 =	ssub.s32 $0x2, s4;
	s6 =	smul.u32 $0x280, s3  }
0x7: {  	s8 =	smul.u32 $0x28, s3;
	s3 =	sadd.s32 $0xEE00, s5;
	s11 =	sshrl.u32 s28, $0x1  }
0x8: {  	s7 =	sadd.s32 s7, s5;
	s11 =	ssub.s32 s28, s11;
	s29 =	sadd.s32 s10, s9  }
0x9: {  	s31 =	sadd.s32 s12, s7;
	s9 =	simm.s32 $0x3;
	s10 =	simm.s32 $0x1400  }
0xa: {  	s6 =	sadd.s32 s6, s5;
	s8 =	ssub.s32 $0x4E2, s8;
	s30 =	sadd.s32 $0x4E2, s29  }
0xb: {  	s7 =	smax.u32 s11, $0x1;
	s11 =	simm.s32 $0x0;
	s4 =	smin.u32 s8, $0x28  }
0xc: {  	s5 =	sadd.s32 $0x9E00, s6;
	s6 =	smin.u32 s30, $0x28;
	s8 =	sadd.s32 $0x36000, s31  }
.LBB2_1:
0xd: {  	[tilespmem:s2], [sflag:$0x3] =	stream.linear.gather [hbm4b:s5+s2], $0x1400, $0x38;
	[tilespmem:$0x9400] =	vst v63  }
0xe: {  	s13 =	simm.s32 $0x1;
	p0 =	sle.u32 s4, $0x1;
	_ =	swait.ge [sflag:s9], $0x1400  }
0xf: {  	s14 =	sand.u32 @!p0 $0x1, s13;
	[sflag:s9] =	ssyncset.done $0x0  }
0x10: {  	s12 =	simm.s32 $0x80;
	s16 =	sshll.u32 @!p0 s14, $0xE;
	[sflag:s9] =	ssyncadd.s32 $0xFFFFEC00  }
0x11: {  	[tilespmem:s10], [sflag:$0x1] =	stream.indirect.gather [hbm4b:s3+s12], $0x80, s2, s12, $0xb8;
	[tilespmem:$0x9400] =	vst v63  }
0x12: {  	s17 =	simm.s32 @!p0 $0x80;
	s14 =	sadd.s32 @!p0 $0x1, s14;
	s16 =	sor.u32 @!p0 $0x1400, s16  }
0x13: {  	[tilespmem:s16], [sflag:s14] =	stream.indirect.gather @!p0 [hbm4b:s3+s17], $0x80, s12, s17, $0xb8;
	[tilespmem:$0x9400] =	vst v63  }
0x14: {  	p0 =	sne.s32 s6, $0x1  }
.Ltmp0:
0x15: {  	s15 =	sand.u32 $0x1, s2;
	(pc) =	sbr.rel @!p0 .LBB2_3-.Ltmp0, $4  }
0x16: {  	s18 =	sadd.s32 $0x1, s15  }
0x17: {  	_ =	swait.ge [sflag:s18], $0x4000  }
0x18: {  	s31 =	sshll.u32 s15, $0xE;
	[sflag:s18] =	ssyncset.done $0x0  }
0x19: {  	s15 =	sor.u32 $0x1400, s31;
	s14 =	smov.u32 s8;
	[sflag:s18] =	ssyncadd.s32 $0xFFFFC000  }
.LBB2_2:
0x1a: {  	[hbm4b:s14+s2] =	stream.linear.scatter [tilespmem:s15], [sflag:$0x3], $0x4000, $0x38;
	[tilespmem:$0x9400] =	vst v63  }
0x1b: {  	s15 =	smov.u32 s13;
	s13 =	sadd.s32 $0x1, s13;
	_ =	swait.ge [sflag:s9], $0x4000  }
0x1c: {  	s15 =	sand.u32 $0x1, s15;
	p0 =	sge.u32 s13, s4;
	[sflag:s9] =	ssyncset.done $0x0  }
0x1d: {  	s16 =	sand.u32 @!p0 $0x1, s13;
	s17 =	sshll.u32 s15, $0xE;
	[sflag:s9] =	ssyncadd.s32 $0xFFFFC000  }
0x1e: {  	s12 =	sadd.s32 $0x80, s12;
	s18 =	sshll.u32 @!p0 s16, $0xE;
	s16 =	sadd.s32 @!p0 $0x1, s16  }
0x1f: {  	s19 =	simm.s32 @!p0 $0x80;
	s15 =	sadd.s32 $0x1, s15;
	s18 =	sor.u32 @!p0 $0x1400, s18  }
0x20: {  	[tilespmem:s18], [sflag:s16] =	stream.indirect.gather @!p0 [hbm4b:s3+s19], $0x80, s12, s19, $0xb8;
	[tilespmem:$0x9400] =	vst v63  }
0x21: {  	p0 =	sne.s32 s6, s13  }
.Ltmp1:
0x22: {  	_ = 	snop;
	(pc) =	sbr.rel @p0 .LBB2_2-.Ltmp1, $4  }
0x23: {  	_ = 	snop  }
0x24: {  	_ =	swait.ge [sflag:s15], $0x4000  }
0x25: {  	s14 =	sadd.s32 $0x800, s14;
	[sflag:s15] =	ssyncset.done $0x0  }
0x26: {  	[sflag:s15] =	ssyncadd.s32 $0xFFFFC000;
	s15 =	sor.u32 $0x1400, s17  }
.LBB2_3:
0x27: {  	s11 =	sadd.s32 $0x1, s11  }
0x28: {  	p0 =	sne.s32 s11, s7  }
.Ltmp2:
0x29: {  	_ = 	snop;
	(pc) =	sbr.rel @p0 .LBB2_1-.Ltmp2, $4  }
0x2a: {  	[hbm4b:s14+s2] =	stream.linear.scatter [tilespmem:s15], [sflag:$0x3], $0x4000, $0x38;
	[tilespmem:$0x9400] =	vst v63  }
0x2b: {  	_ =	swait.ge [sflag:s9], $0x4000  }
0x2c: {  	[sflag:s9] =	ssyncset.done $0x0  }
0x2d: {  	[sflag:s9] =	ssyncadd.s32 $0xFFFFC000  }
0x2e: {  	_ =	sfence.sel $0x180000  }
0x2f: {  	[bflag:$0x0] =	sbarrier.arrive $0xFFFF  }
0x30: {  	p0 =	sne.s32 s0, $0x0;
	_ =	strace $0x90000047  }
0x31: {  	s0 =	sadd.s32 @!p0 $0x100000, s1;
	[bflag:$0x2] =	sbarrier.arrive $0xFFFF  }
0x32: {  	[sflag:s0] =	ssyncadd.tile.s32 @!p0 $0x1;
	_ =	shalt  }
.Lfunc_end2:
_tile_overlayer_lowered:
.L_overlay_start_2:
0x33: {  	(tag) =	ssettag $0x2  }
0x34: {  	s0 =	rddreg [dreg:$0x0];
	s2 =	stileid.u32  }
0x35: {  	s1 =	rddreg [dreg:$0x1];
	p0 =	sne.s32 s2, $0x0  }
0x36: {  	s3 =	rddreg [dreg:$0x2];
	[bflag:$0x3] =	sbarrier.arrive $0xFFFF;
	s2 =	simm.s32 @!p0 $0x1C03  }
0x37: {  	[timem:s3], [sflag:s2] =	dma.local @!p0 [hbm:s0], s1  }
0x38: {  	s0 =	simm.s32 @!p0 $0x3  }
0x39: {  	_ =	swait.ge @!p0 [sflag:s0], s1  }
0x3a: {  	s1 =	ssub.s32 @!p0 $0x0, s1;
	[sflag:s0] =	ssyncset.done @!p0 $0x0  }
0x3b: {  	[sflag:s0] =	ssyncadd.s32 @!p0 s1  }
0x3c: {  	[bflag:$0x3] =	sbarrier.arrive $0xFFFF  }
0x3d: {  	_ =	shalt  }

// kernel: kernel.19.cloned.1.call-start
scs
__scs_entry_jumppad:
0x0: {  	(pc) =	sbr.rel $0x88, $3  }
0x1: {  	(tag) =	ssettag $0x0;
	lr =	simm.s32 $0x1  }
0x2: {  	[smem:$0x3F71] =	sst lr;
	_ =	strace $0xD0000000  }
0x3: {  	_ = 	snop  }
0x4: {  	_ = 	snop  }
0x5: {  	_ = 	snop  }
0x6: {  	_ = 	snop  }
0x7: {  	_ = 	snop  }
__scs_overlays_trampoline_lowered:
0x8: {  	[smem:$0x3F80] =	sst s0  }
0x9: {  	[smem:$0x3F81] =	sst s1  }
0xa: {  	[smem:$0x3F82] =	sst s2  }
0xb: {  	[smem:$0x3F83] =	sst s3  }
0xc: {  	[smem:$0x3F84] =	sst s4  }
0xd: {  	[smem:$0x3F85] =	sst s5  }
0xe: {  	[smem:$0x3F86] =	sst s6  }
0xf: {  	[smem:$0x3F87] =	sst s7  }
0x10: {  	[smem:$0x3F88] =	sst s8  }
0x11: {  	[smem:$0x3F89] =	sst s9;
	s0 =	simm.s32 @!p0 $0x0  }
0x12: {  	s1 =	sld [smem:$0x3F6F];
	s0 =	simm.s32 @p0 $0x1  }
0x13: {  	[smem:$0x3F8A] =	sst s0;
	s0 =	simm.s32 @!p1 $0x0  }
0x14: {  	s2 =	sld [smem:$0x3F6E];
	s0 =	simm.s32 @p1 $0x1  }
0x15: {  	[smem:$0x3F8B] =	sst s0;
	s0 =	simm.s32 @!p2 $0x0  }
0x16: {  	s3 =	sld [smem:$0x3FDB];
	s0 =	simm.s32 @p2 $0x1  }
0x17: {  	s4 =	simm.s32 $0x1BF5;
	[smem:$0x3F8D] =	sst s0  }
0x18: {  	s0 =	sld [smem:$0x3F70];
	_ =	swait.ge [sflag:s4], $0x0  }
0x19: {  	s7 =	sld [smem:$0x3F71]  }
0x1a: {  	s8 =	sadd.s32 $0xFFFFE003, lr  }
0x1b: {  	s9 =	sadd.s32 $0xFFFFFEF7, lr;
	s5 =	simm.s32 $0xFFFFFFFF;
	p2 =	slt.u32 s8, $0xFFFFF086  }
0x1c: {  	p1 =	slt.u32 s9, $0xF7A;
	s5 =	simm.s32 @!p2 $0x0  }
0x1d: {  	s5 =	simm.s32 @p1 $0x1;
	p0 =	seq.s32 s7, s2  }
0x1e: {  	s7 =	smul.u32 @!p0 $0xF7A, s2;
	p2 =	seq.s32 @!p0 s5, $0x0  }
0x1f: {  	s9 =	smul.u32 $0xF7A, s1;
	s8 =	simm.s32 @!p0 $0x1BF5;
	p2 =	por !p2, p0  }
0x20: {  	[sflag:s8] =	ssyncset.s32 @!p0 $0xFFFFF086;
	s6 =	sadd.s32 @!p0 s3, s7;
	s7 =	simm.s32 @!p0 $0x108  }
0x21: {  	s3 =	sadd.s32 s3, s9;
	s6 =	sadd.s32 @!p0 $0x88, s6;
	s7 =	simm.s32 @p2 $0x1082  }
0x22: {  	[simem:s7], [sflag:s8] =	dma.local @!p0 [hbm:s6], $0xF7A  }
0x23: {  	s9 =	sor.u32 $0xD0000000, s2;
	s6 =	simm.s32 $0x108;
	_ =	swait.ge @!p0 [sflag:s8], $0x0  }
0x24: {  	s3 =	sadd.s32 $0x88, s3;
	s6 =	simm.s32 @!p1 $0x1082;
	[sflag:s4] =	ssyncset.s32 $0xFFFFF086  }
0x25: {  	[simem:s6], [sflag:s4] =	dma.local [hbm:s3], $0xF7A  }
0x26: {  	[smem:$0x3F71] =	sst s1;
	(tag) =	ssettag s2;
	_ =	strace s9  }
0x27: {  	s1 =	sld [smem:$0x3F81]  }
0x28: {  	s2 =	sld [smem:$0x3F82]  }
0x29: {  	s4 =	sld [smem:$0x3F84]  }
0x2a: {  	p0 =	seq.s32 s5, $0x0;
	s5 =	sld [smem:$0x3F85]  }
0x2b: {  	s6 =	sld [smem:$0x3F86]  }
0x2c: {  	s7 =	sld [smem:$0x3F87]  }
0x2d: {  	s3 =	simm.s32 $0x108;
	s8 =	sld [smem:$0x3F88]  }
0x2e: {  	s3 =	simm.s32 @!p0 $0x1082;
	s9 =	sld [smem:$0x3F89]  }
0x2f: {  	lr =	sadd.s32 s0, s3;
	s0 =	sld [smem:$0x3F80]  }
0x30: {  	s3 =	sld [smem:$0x3F83]  }
0x31: {  	[smem:$0x3F8C] =	sst s10  }
0x32: {  	s10 =	sld [smem:$0x3F8A];
	_ =	sdelay $0x3  }
0x33: {  	p0 =	seq.s32 s10, $0x1;
	s10 =	sld [smem:$0x3F8C];
	_ =	sdelay $0x3  }
0x34: {  	[smem:$0x3F8C] =	sst s10  }
0x35: {  	s10 =	sld [smem:$0x3F8B];
	_ =	sdelay $0x3  }
0x36: {  	p1 =	seq.s32 s10, $0x1;
	s10 =	sld [smem:$0x3F8C];
	_ =	sdelay $0x3  }
0x37: {  	[smem:$0x3F8C] =	sst s10  }
0x38: {  	s10 =	sld [smem:$0x3F8D]  }
0x39: {  	_ = 	snop;
	(pc) =	sbr.ind lr, $3  }
0x3a: {  	_ = 	snop  }
0x3b: {  	_ = 	snop  }
0x3c: {  	p2 =	seq.s32 s10, $0x1;
	s10 =	sld [smem:$0x3F8C]  }
0x3d: {  	_ =	shalt  }
0x3e: {  	_ =	shalt  }
0x3f: {  	_ =	shalt  }
0x40: {  	_ =	shalt  }
0x41: {  	_ =	shalt  }
0x42: {  	_ =	shalt  }
0x43: {  	_ =	shalt  }
0x44: {  	_ =	shalt  }
0x45: {  	_ =	shalt  }
0x46: {  	_ =	shalt  }
0x47: {  	_ =	shalt  }
0x48: {  	_ =	shalt  }
0x49: {  	_ =	shalt  }
0x4a: {  	_ =	shalt  }
0x4b: {  	_ =	shalt  }
0x4c: {  	_ =	shalt  }
0x4d: {  	_ =	shalt  }
0x4e: {  	_ =	shalt  }
0x4f: {  	_ =	shalt  }
0x50: {  	_ =	shalt  }
0x51: {  	_ =	shalt  }
0x52: {  	_ =	shalt  }
0x53: {  	_ =	shalt  }
0x54: {  	_ =	shalt  }
0x55: {  	_ =	shalt  }
0x56: {  	_ =	shalt  }
0x57: {  	_ =	shalt  }
0x58: {  	_ =	shalt  }
0x59: {  	_ =	shalt  }
0x5a: {  	_ =	shalt  }
0x5b: {  	_ =	shalt  }
0x5c: {  	_ =	shalt  }
0x5d: {  	_ =	shalt  }
0x5e: {  	_ =	shalt  }
0x5f: {  	_ =	shalt  }
0x60: {  	_ =	shalt  }
0x61: {  	_ =	shalt  }
0x62: {  	_ =	shalt  }
0x63: {  	_ =	shalt  }
0x64: {  	_ =	shalt  }
0x65: {  	_ =	shalt  }
0x66: {  	_ =	shalt  }
0x67: {  	_ =	shalt  }
0x68: {  	_ =	shalt  }
0x69: {  	_ =	shalt  }
0x6a: {  	_ =	shalt  }
0x6b: {  	_ =	shalt  }
0x6c: {  	_ =	shalt  }
0x6d: {  	_ =	shalt  }
0x6e: {  	_ =	shalt  }
0x6f: {  	_ =	shalt  }
0x70: {  	_ =	shalt  }
0x71: {  	_ =	shalt  }
0x72: {  	_ =	shalt  }
0x73: {  	_ =	shalt  }
0x74: {  	_ =	shalt  }
0x75: {  	_ =	shalt  }
0x76: {  	_ =	shalt  }
0x77: {  	_ =	shalt  }
0x78: {  	_ =	shalt  }
0x79: {  	_ =	shalt  }
0x7a: {  	_ =	shalt  }
0x7b: {  	_ =	shalt  }
0x7c: {  	_ =	shalt  }
0x7d: {  	_ =	shalt  }
0x7e: {  	_ =	shalt  }
0x7f: {  	_ =	shalt  }
0x80: {  	_ =	shalt  }
0x81: {  	_ =	shalt  }
0x82: {  	_ =	shalt  }
0x83: {  	_ =	shalt  }
0x84: {  	_ =	shalt  }
0x85: {  	_ =	shalt  }
0x86: {  	_ =	shalt  }
0x87: {  	_ =	shalt  }
.Lfunc_end0:
.L_simem_size_0:
called_computation.1_lowered:
.L_overlay_start_0:
0x88: {  	s2 =	sld [smem:$0x3FD9]  }
0x89: {  	s3 =	sld [smem:$0x3FFE];
	_ =	sdelay $0x1  }
0x8a: {  	s1 =	srdreg.scid  }
0x8b: {  	s0 =	sand.u32 $0x1, s1  }
0x8c: {  	s16 =	sshll.u32 s0, $0xA;
	s2 =	sadd.s32 s3, s2  }
0x8d: {  	s2 =	sadd.s32 s2, s16  }
0x8e: {  	[smem:$0x3F98] =	sst s2  }
0x8f: {  	_ = 	snop  }
0x90: {  	(tm) =	ssettm $0x1  }
0x91: {  	s17 =	sld [smem:$0x3FFB];
	_ =	sdelay $0x3  }
0x92: {  	_ =	strace s17  }
0x93: {  	s2 =	sld [smem:$0x3FFC];
	_ =	sdelay $0x3  }
0x94: {  	_ =	strace s2  }
0x95: {  	s2 =	sld [smem:$0x3FFD];
	_ =	sdelay $0x3  }
0x96: {  	_ =	strace s2  }
0x97: {  	_ =	strace $0x8FFFFFFF  }
0x98: {  	s18 =	sld [smem:$0x3FDB];
	_ =	sdelay $0x1  }
0x99: {  	s19 =	simm.s32 $_scs_section_size  }
0x9a: {  	s4 =	simm.s32 $_size__tile_overlayer_lowered;
	s5 =	simm.s32 $_tile_overlayer_lowered  }
0x9b: {  	s22 =	simm.s32 $0x1BFF;
	s21 =	sshll.u32 s5, $0x1;
	s2 =	sadd.s32 s19, s18  }
0x9c: {  	s6 =	simm.s32 $0x0;
	s20 =	sshll.u32 s4, $0x1;
	s4 =	sadd.s32 s21, s2  }
0x9d: {  	[timem:s6], [sflag:s22] =	dma.local [hbm:s4], s20  }
0x9e: {  	_ =	swait.ge [sflag:s22], s20  }
0x9f: {  	s3 =	ssub.s32 $0x0, s20;
	[sflag:s22] =	ssyncset.done $0x0  }
0xa0: {  	[sflag:s22] =	ssyncadd.s32 s3;
	_ =	sdelay $0x1  }
0xa1: {  	s23 =	simm.s32 $0x1B8B  }
0xa2: {  	_ =	swait.ge [sflag:s23], $0x1  }
0xa3: {  	[sflag:s23] =	ssyncset.done $0x0  }
0xa4: {  	s25 =	simm.s32 $0x1B8E;
	s24 =	sld [smem:$0x3FFE];
	[sflag:s23] =	ssyncadd.s32 $0xFFFFFFFF  }
0xa5: {  	s26 =	simm.s32 $execute0_lowered;
	[smem:$0x3FD2] =	sst s25  }
0xa6: {  	s4 =	sshll.u32 s26, $0x1;
	_ =	strace $0x80000049;
	[dreg:$0x1] =	wrdreg $0xFFFFFFFF  }
0xa7: {  	s28 =	simm.s32 $_size_execute0_lowered;
	s2 =	sadd.s32 s2, s4;
	[dreg:$0x0] =	wrdreg $0x0  }
0xa8: {  	s4 =	sshll.u32 s28, $0x1;
	[dreg:$0x2] =	wrdreg s2  }
0xa9: {  	[dreg:$0x3] =	wrdreg s4  }
0xaa: {  	[dreg:$0x4] =	wrdreg $0xC0  }
0xab: {  	_ =	task [dreg:s6], $0x5FFFF  }
0xac: {  	[dreg:$0x1] =	wrdreg $0xFFFFFFFF  }
0xad: {  	[dreg:$0x0] =	wrdreg $0x60  }
0xae: {  	[dreg:$0x2] =	wrdreg s24  }
0xaf: {  	[dreg:$0x3] =	wrdreg $0x94000  }
0xb0: {  	[dreg:$0x4] =	wrdreg $0x9  }
0xb1: {  	_ =	task.clear_ibuf [dreg:s6], $0x5FFFF;
	_ =	strace $0x90000049  }
0xb2: {  	s29 =	simm.s32 $0x9;
	_ =	strace $0x8000004B  }
0xb3: {  	_ =	swait.ge [sflag:s29], $0x1  }
0xb4: {  	[sflag:s29] =	ssyncadd.s32 $0xFFFFFFFF  }
0xb5: {  	_ =	strace $0x9000004B  }
0xb6: {  	_ =	sfence  }
0xb7: {  	s30 =	sld [smem:$0x0];
	_ =	sdelay $0x2  }
0xb8: {  	s31 =	sshll.u32 s1, $0xD;
	s1 =	sshrl.u32 s1, $0x2  }
0xb9: {  	s3 =	sand.u32 $0x4000, s31;
	s1 =	sadd.s32 s1, s30  }
0xba: {  	s0 =	sor.u32 s3, s0;
	s1 =	sshll.u32 s1, $0x11  }
0xbb: {  	s0 =	sor.u32 s1, s0  }
0xbc: {  	s0 =	sadd.s32 $0x8F2B, s0  }
0xbd: {  	[sflag:s0] =	ssyncadd.remote.s32 $0x1  }
0xbe: {  	_ =	sfence.sel $0xFFFF  }
0xbf: {  	[dreg:$0x0] =	wrdreg $0xFFFFFFFF;
	(pc) =	sbr.abs _section_cstart, $3  }
0xc0: {  	[dreg:$0x1] =	wrdreg $0xFFFFFFFF  }
0xc1: {  	_ =	task.clear_ibuf [dreg:s6], $0x2FFFF;
	_ =	strace $0x9FFFFFFF  }
0xc2: {  	(tm) =	ssettm $0x7FFFFFFF  }
0xc3: {  	_ =	shalt  }
tec
execute0_lowered:
.L_overlay_start_1:
0x0: {  	(tag) =	ssettag $0x1  }
0x1: {  	s15 =	stileid.u32  }
0x2: {  	s11 =	smul.u32 $0x7D000, s15  }
0x3: {  	s0 =	srdreg.scid;
	s14 =	smul.u32 $0xFFFFFFB0, s15  }
0x4: {  	s4 =	rddreg [dreg:$0x0];
	s6 =	sand.u32 $0x1, s0;
	s28 =	smul.u32 $0x140000, s15  }
0x5: {  	s1 =	rddreg [dreg:$0x1];
	s7 =	smul.u32 $0x27100, s6  }
0x6: {  	s2 =	simm.s32 $0x0;
	s24 =	sshll.u32 s15, $0x1;
	s13 =	smul.u32 $0xFFFFFFD8, s6  }
0x7: {  	s0 =	rddreg [dreg:$0x2];
	s3 =	sor.u32 s6, s24;
	s16 =	smul.u32 $0xA0000, s6  }
0x8: {  	[smem:$0x7FF] =	sst s2;
	s10 =	sadd.s32 $0x51F000, s4;
	s5 =	smul.u32 $0x280, s3  }
0x9: {  	p0 =	sne.s32 s15, $0x0;
	p1 =	sgt.u32 s15, $0x9;
	s8 =	smul.u32 $0x28, s3  }
0xa: {  	_ =	strace $0x8000004A;
	s12 =	ssub.s32 $0x2, s6;
	s9 =	smul.u32 $0x14000, s3  }
0xb: {  	s3 =	sadd.s32 $0x36000, s4;
	s25 =	sshrl.u32 s12, $0x1;
	s29 =	sshrl.u32 s11, $0x2  }
0xc: {  	s11 =	simm.s32 $0x3;
	s7 =	sadd.s32 s7, s4;
	s12 =	ssub.s32 s12, s25  }
0xd: {  	s18 =	sadd.s32 s29, s1;
	s30 =	sadd.s32 s14, s13;
	s14 =	smul.u32 $0x3E80, s15  }
0xe: {  	s13 =	simm.s32 $0x80;
	s15 =	sshll.u32 @!p1 s15, $0x6;
	s5 =	sadd.s32 s5, s4  }
0xf: {  	s26 =	ssub.s32 $0x4E2, s8;
	s6 =	sadd.s32 s10, s9;
	s17 =	sadd.s32 $0x5D200, s7  }
0x10: {  	s8 =	sadd.s32 s16, s28;
	s7 =	sadd.s32 $0x4E2, s30;
	s15 =	sor.u32 @!p1 $0x1C03, s15  }
0x11: {  	s16 =	sshrl.u32 @!p1 s18, $0x3;
	s4 =	smin.u32 s26, $0x28;
	s5 =	sadd.s32 $0x518000, s5  }
0x12: {  	s8 =	sor.u32 $0x4000, s8;
	s7 =	smin.u32 s7, $0x28;
	s14 =	sadd.s32 @!p1 s14, s17  }
0x13: {  	s17 =	simm.s32 $0x0;
	s31 =	sshrl.u32 s8, $0x3;
	s8 =	smax.u32 s12, $0x1  }
0x14: {  	s12 =	simm.s32 $0x1400;
	s9 =	sadd.s32 s31, s10;
	s10 =	sshrl.u32 @!p0 s1, $0x3  }
.LBB2_1:
0x15: {  	s18 =	simm.s32 @!p0 $0x1C03  }
0x16: {  	[spmem:s10], [sflag:s18] =	dma.local @!p0 [hbm:s3], $0x27100  }
0x17: {  	s18 =	simm.s32 @!p0 $0x3  }
0x18: {  	_ =	swait.ge @!p0 [sflag:s18], $0x27100  }
0x19: {  	[sflag:s18] =	ssyncset.done @!p0 $0x0  }
0x1a: {  	[sflag:s18] =	ssyncadd.s32 @!p0 $0xFFFD8F00  }
0x1b: {  	[bflag:$0x0] =	sbarrier.arrive $0xFFFF  }
0x1c: {  	[tilespmem:s2], [sflag:$0x3] =	stream.linear.gather [hbm4b:s5+s2], $0x1400, $0x38;
	[tilespmem:$0x1CC80] =	vst v63  }
0x1d: {  	p2 =	sle.u32 s4, $0x1;
	s18 =	simm.s32 $0x1;
	_ =	swait.ge [sflag:s11], $0x1400  }
0x1e: {  	s19 =	sand.u32 @!p2 $0x1, s18;
	[sflag:s11] =	ssyncset.done $0x0  }
0x1f: {  	s21 =	sshll.u32 @!p2 s19, $0xE;
	[sflag:s11] =	ssyncadd.s32 $0xFFFFEC00  }
0x20: {  	[tilespmem:s12], [sflag:$0x1] =	stream.linear.gather [hbm4b:s6+s2], $0x4000, $0x38;
	[tilespmem:$0x1CC80] =	vst v63  }
0x21: {  	s22 =	simm.s32 @!p2 $0x0;
	s19 =	sadd.s32 @!p2 $0x1, s19;
	s21 =	sor.u32 @!p2 $0x1400, s21  }
0x22: {  	[tilespmem:s21], [sflag:s19] =	stream.linear.gather @!p2 [hbm4b:s9+s22], $0x4000, $0x38;
	[tilespmem:$0x1CC80] =	vst v63  }
0x23: {  	p2 =	sne.s32 s7, $0x1  }
.Ltmp0:
0x24: {  	s20 =	sand.u32 $0x1, s2;
	(pc) =	sbr.rel @!p2 .LBB2_3-.Ltmp0, $4  }
0x25: {  	s23 =	sadd.s32 $0x1, s20  }
0x26: {  	_ =	swait.ge [sflag:s23], $0x4000  }
0x27: {  	s31 =	sshll.u32 s20, $0xE;
	s20 =	smov.u32 s9;
	[sflag:s23] =	ssyncset.done $0x0  }
0x28: {  	s21 =	sor.u32 $0x1400, s31;
	s19 =	simm.s32 $0x0;
	[sflag:s23] =	ssyncadd.s32 $0xFFFFC000  }
.LBB2_2:
0x29: {  	[spmem:s1] =	stream.indirect.scatter.add.f32 [tilespmem:s21], [sflag:$0x3], $0x80, s19, s13, $0xb8;
	[tilespmem:$0x1CC80] =	vst v63  }
0x2a: {  	s21 =	smov.u32 s18;
	s18 =	sadd.s32 $0x1, s18;
	_ =	swait.ge [sflag:s11], $0x4000  }
0x2b: {  	s21 =	sand.u32 $0x1, s21;
	p2 =	sge.u32 s18, s4;
	[sflag:s11] =	ssyncset.done $0x0  }
0x2c: {  	s22 =	sand.u32 @!p2 $0x1, s18;
	s23 =	sshll.u32 s21, $0xE;
	[sflag:s11] =	ssyncadd.s32 $0xFFFFC000  }
0x2d: {  	s20 =	sadd.s32 $0x800, s20;
	s24 =	sshll.u32 @!p2 s22, $0xE;
	s22 =	sadd.s32 @!p2 $0x1, s22  }
0x2e: {  	s25 =	simm.s32 @!p2 $0x0;
	s26 =	sadd.s32 $0x1, s21;
	s24 =	sor.u32 @!p2 $0x1400, s24  }
0x2f: {  	[tilespmem:s24], [sflag:s22] =	stream.linear.gather @!p2 [hbm4b:s20+s25], $0x4000, $0x38;
	[tilespmem:$0x1CC80] =	vst v63  }
0x30: {  	p2 =	sne.s32 s7, s18  }
.Ltmp1:
0x31: {  	_ = 	snop;
	(pc) =	sbr.rel @p2 .LBB2_2-.Ltmp1, $4  }
0x32: {  	_ = 	snop  }
0x33: {  	_ =	swait.ge [sflag:s26], $0x4000  }
0x34: {  	s19 =	sadd.s32 $0x80, s19;
	[sflag:s26] =	ssyncset.done $0x0  }
0x35: {  	s21 =	sor.u32 $0x1400, s23;
	[sflag:s26] =	ssyncadd.s32 $0xFFFFC000  }
.LBB2_3:
0x36: {  	[spmem:s1] =	stream.indirect.scatter.add.f32 [tilespmem:s21], [sflag:$0x3], $0x80, s19, s13, $0xb8;
	[tilespmem:$0x1CC80] =	vst v63  }
0x37: {  	_ =	swait.ge [sflag:s11], $0x4000  }
0x38: {  	s17 =	sadd.s32 $0x1, s17;
	[sflag:s11] =	ssyncset.done $0x0  }
0x39: {  	p2 =	sne.s32 s17, s8;
	[sflag:s11] =	ssyncadd.s32 $0xFFFFC000  }
.Ltmp2:
0x3a: {  	s18 =	simm.s32 @!p1 $0x3;
	[bflag:$0x0] =	sbarrier.arrive $0xFFFF;
	(pc) =	sbr.rel @p2 .LBB2_1-.Ltmp2, $4  }
0x3b: {  	[hbm:s14], [sflag:s15] =	dma.local @!p1 [spmem:s16], $0x3E80  }
0x3c: {  	_ =	swait.ge @!p1 [sflag:s18], $0x3E80  }
0x3d: {  	[sflag:s18] =	ssyncset.done @!p1 $0x0  }
0x3e: {  	[sflag:s18] =	ssyncadd.s32 @!p1 $0xFFFFC180  }
0x3f: {  	_ =	sfence.sel $0x180000  }
0x40: {  	[bflag:$0x0] =	sbarrier.arrive $0xFFFF  }
0x41: {  	_ =	strace $0x9000004A  }
0x42: {  	s0 =	sadd.s32 @!p0 $0x100000, s0;
	[bflag:$0x2] =	sbarrier.arrive $0xFFFF  }
0x43: {  	[sflag:s0] =	ssyncadd.tile.s32 @!p0 $0x1;
	_ =	shalt  }
.Lfunc_end2:
_tile_overlayer_lowered:
.L_overlay_start_2:
0x44: {  	(tag) =	ssettag $0x2  }
0x45: {  	s0 =	rddreg [dreg:$0x0];
	s2 =	stileid.u32  }
0x46: {  	s1 =	rddreg [dreg:$0x1];
	p0 =	sne.s32 s2, $0x0  }
0x47: {  	s3 =	rddreg [dreg:$0x2];
	[bflag:$0x3] =	sbarrier.arrive $0xFFFF;
	s2 =	simm.s32 @!p0 $0x1C03  }
0x48: {  	[timem:s3], [sflag:s2] =	dma.local @!p0 [hbm:s0], s1  }
0x49: {  	s0 =	simm.s32 @!p0 $0x3  }
0x4a: {  	_ =	swait.ge @!p0 [sflag:s0], s1  }
0x4b: {  	s1 =	ssub.s32 @!p0 $0x0, s1;
	[sflag:s0] =	ssyncset.done @!p0 $0x0  }
0x4c: {  	[sflag:s0] =	ssyncadd.s32 @!p0 s1  }
0x4d: {  	[bflag:$0x3] =	sbarrier.arrive $0xFFFF  }
0x4e: {  	_ =	shalt  }

// kernel: kernel.22.cloned.1.call-start
scs
__scs_entry_jumppad:
0x0: {  	(pc) =	sbr.rel $0x88, $3  }
0x1: {  	(tag) =	ssettag $0x0;
	lr =	simm.s32 $0x1  }
0x2: {  	[smem:$0x3F71] =	sst lr;
	_ =	strace $0xD0000000  }
0x3: {  	_ = 	snop  }
0x4: {  	_ = 	snop  }
0x5: {  	_ = 	snop  }
0x6: {  	_ = 	snop  }
0x7: {  	_ = 	snop  }
__scs_overlays_trampoline_lowered:
0x8: {  	[smem:$0x3F80] =	sst s0  }
0x9: {  	[smem:$0x3F81] =	sst s1  }
0xa: {  	[smem:$0x3F82] =	sst s2  }
0xb: {  	[smem:$0x3F83] =	sst s3  }
0xc: {  	[smem:$0x3F84] =	sst s4  }
0xd: {  	[smem:$0x3F85] =	sst s5  }
0xe: {  	[smem:$0x3F86] =	sst s6  }
0xf: {  	[smem:$0x3F87] =	sst s7  }
0x10: {  	[smem:$0x3F88] =	sst s8  }
0x11: {  	[smem:$0x3F89] =	sst s9;
	s0 =	simm.s32 @!p0 $0x0  }
0x12: {  	s1 =	sld [smem:$0x3F6F];
	s0 =	simm.s32 @p0 $0x1  }
0x13: {  	[smem:$0x3F8A] =	sst s0;
	s0 =	simm.s32 @!p1 $0x0  }
0x14: {  	s2 =	sld [smem:$0x3F6E];
	s0 =	simm.s32 @p1 $0x1  }
0x15: {  	[smem:$0x3F8B] =	sst s0;
	s0 =	simm.s32 @!p2 $0x0  }
0x16: {  	s3 =	sld [smem:$0x3FDB];
	s0 =	simm.s32 @p2 $0x1  }
0x17: {  	s4 =	simm.s32 $0x1BF5;
	[smem:$0x3F8D] =	sst s0  }
0x18: {  	s0 =	sld [smem:$0x3F70];
	_ =	swait.ge [sflag:s4], $0x0  }
0x19: {  	s7 =	sld [smem:$0x3F71]  }
0x1a: {  	s8 =	sadd.s32 $0xFFFFE003, lr  }
0x1b: {  	s9 =	sadd.s32 $0xFFFFFEF7, lr;
	s5 =	simm.s32 $0xFFFFFFFF;
	p2 =	slt.u32 s8, $0xFFFFF086  }
0x1c: {  	p1 =	slt.u32 s9, $0xF7A;
	s5 =	simm.s32 @!p2 $0x0  }
0x1d: {  	s5 =	simm.s32 @p1 $0x1;
	p0 =	seq.s32 s7, s2  }
0x1e: {  	s7 =	smul.u32 @!p0 $0xF7A, s2;
	p2 =	seq.s32 @!p0 s5, $0x0  }
0x1f: {  	s9 =	smul.u32 $0xF7A, s1;
	s8 =	simm.s32 @!p0 $0x1BF5;
	p2 =	por !p2, p0  }
0x20: {  	[sflag:s8] =	ssyncset.s32 @!p0 $0xFFFFF086;
	s6 =	sadd.s32 @!p0 s3, s7;
	s7 =	simm.s32 @!p0 $0x108  }
0x21: {  	s3 =	sadd.s32 s3, s9;
	s6 =	sadd.s32 @!p0 $0x88, s6;
	s7 =	simm.s32 @p2 $0x1082  }
0x22: {  	[simem:s7], [sflag:s8] =	dma.local @!p0 [hbm:s6], $0xF7A  }
0x23: {  	s9 =	sor.u32 $0xD0000000, s2;
	s6 =	simm.s32 $0x108;
	_ =	swait.ge @!p0 [sflag:s8], $0x0  }
0x24: {  	s3 =	sadd.s32 $0x88, s3;
	s6 =	simm.s32 @!p1 $0x1082;
	[sflag:s4] =	ssyncset.s32 $0xFFFFF086  }
0x25: {  	[simem:s6], [sflag:s4] =	dma.local [hbm:s3], $0xF7A  }
0x26: {  	[smem:$0x3F71] =	sst s1;
	(tag) =	ssettag s2;
	_ =	strace s9  }
0x27: {  	s1 =	sld [smem:$0x3F81]  }
0x28: {  	s2 =	sld [smem:$0x3F82]  }
0x29: {  	s4 =	sld [smem:$0x3F84]  }
0x2a: {  	p0 =	seq.s32 s5, $0x0;
	s5 =	sld [smem:$0x3F85]  }
0x2b: {  	s6 =	sld [smem:$0x3F86]  }
0x2c: {  	s7 =	sld [smem:$0x3F87]  }
0x2d: {  	s3 =	simm.s32 $0x108;
	s8 =	sld [smem:$0x3F88]  }
0x2e: {  	s3 =	simm.s32 @!p0 $0x1082;
	s9 =	sld [smem:$0x3F89]  }
0x2f: {  	lr =	sadd.s32 s0, s3;
	s0 =	sld [smem:$0x3F80]  }
0x30: {  	s3 =	sld [smem:$0x3F83]  }
0x31: {  	[smem:$0x3F8C] =	sst s10  }
0x32: {  	s10 =	sld [smem:$0x3F8A];
	_ =	sdelay $0x3  }
0x33: {  	p0 =	seq.s32 s10, $0x1;
	s10 =	sld [smem:$0x3F8C];
	_ =	sdelay $0x3  }
0x34: {  	[smem:$0x3F8C] =	sst s10  }
0x35: {  	s10 =	sld [smem:$0x3F8B];
	_ =	sdelay $0x3  }
0x36: {  	p1 =	seq.s32 s10, $0x1;
	s10 =	sld [smem:$0x3F8C];
	_ =	sdelay $0x3  }
0x37: {  	[smem:$0x3F8C] =	sst s10  }
0x38: {  	s10 =	sld [smem:$0x3F8D]  }
0x39: {  	_ = 	snop;
	(pc) =	sbr.ind lr, $3  }
0x3a: {  	_ = 	snop  }
0x3b: {  	_ = 	snop  }
0x3c: {  	p2 =	seq.s32 s10, $0x1;
	s10 =	sld [smem:$0x3F8C]  }
0x3d: {  	_ =	shalt  }
0x3e: {  	_ =	shalt  }
0x3f: {  	_ =	shalt  }
0x40: {  	_ =	shalt  }
0x41: {  	_ =	shalt  }
0x42: {  	_ =	shalt  }
0x43: {  	_ =	shalt  }
0x44: {  	_ =	shalt  }
0x45: {  	_ =	shalt  }
0x46: {  	_ =	shalt  }
0x47: {  	_ =	shalt  }
0x48: {  	_ =	shalt  }
0x49: {  	_ =	shalt  }
0x4a: {  	_ =	shalt  }
0x4b: {  	_ =	shalt  }
0x4c: {  	_ =	shalt  }
0x4d: {  	_ =	shalt  }
0x4e: {  	_ =	shalt  }
0x4f: {  	_ =	shalt  }
0x50: {  	_ =	shalt  }
0x51: {  	_ =	shalt  }
0x52: {  	_ =	shalt  }
0x53: {  	_ =	shalt  }
0x54: {  	_ =	shalt  }
0x55: {  	_ =	shalt  }
0x56: {  	_ =	shalt  }
0x57: {  	_ =	shalt  }
0x58: {  	_ =	shalt  }
0x59: {  	_ =	shalt  }
0x5a: {  	_ =	shalt  }
0x5b: {  	_ =	shalt  }
0x5c: {  	_ =	shalt  }
0x5d: {  	_ =	shalt  }
0x5e: {  	_ =	shalt  }
0x5f: {  	_ =	shalt  }
0x60: {  	_ =	shalt  }
0x61: {  	_ =	shalt  }
0x62: {  	_ =	shalt  }
0x63: {  	_ =	shalt  }
0x64: {  	_ =	shalt  }
0x65: {  	_ =	shalt  }
0x66: {  	_ =	shalt  }
0x67: {  	_ =	shalt  }
0x68: {  	_ =	shalt  }
0x69: {  	_ =	shalt  }
0x6a: {  	_ =	shalt  }
0x6b: {  	_ =	shalt  }
0x6c: {  	_ =	shalt  }
0x6d: {  	_ =	shalt  }
0x6e: {  	_ =	shalt  }
0x6f: {  	_ =	shalt  }
0x70: {  	_ =	shalt  }
0x71: {  	_ =	shalt  }
0x72: {  	_ =	shalt  }
0x73: {  	_ =	shalt  }
0x74: {  	_ =	shalt  }
0x75: {  	_ =	shalt  }
0x76: {  	_ =	shalt  }
0x77: {  	_ =	shalt  }
0x78: {  	_ =	shalt  }
0x79: {  	_ =	shalt  }
0x7a: {  	_ =	shalt  }
0x7b: {  	_ =	shalt  }
0x7c: {  	_ =	shalt  }
0x7d: {  	_ =	shalt  }
0x7e: {  	_ =	shalt  }
0x7f: {  	_ =	shalt  }
0x80: {  	_ =	shalt  }
0x81: {  	_ =	shalt  }
0x82: {  	_ =	shalt  }
0x83: {  	_ =	shalt  }
0x84: {  	_ =	shalt  }
0x85: {  	_ =	shalt  }
0x86: {  	_ =	shalt  }
0x87: {  	_ =	shalt  }
.Lfunc_end0:
.L_simem_size_0:
called_computation.2_lowered:
.L_overlay_start_0:
0x88: {  	s2 =	sld [smem:$0x3FD9]  }
0x89: {  	s3 =	sld [smem:$0x3FFE];
	_ =	sdelay $0x1  }
0x8a: {  	s1 =	srdreg.scid  }
0x8b: {  	s0 =	sand.u32 $0x1, s1  }
0x8c: {  	s16 =	sshll.u32 s0, $0xA;
	s2 =	sadd.s32 s3, s2  }
0x8d: {  	s2 =	sadd.s32 s2, s16  }
0x8e: {  	[smem:$0x3F98] =	sst s2  }
0x8f: {  	_ = 	snop  }
0x90: {  	(tm) =	ssettm $0x1  }
0x91: {  	s17 =	sld [smem:$0x3FFB];
	_ =	sdelay $0x3  }
0x92: {  	_ =	strace s17  }
0x93: {  	s2 =	sld [smem:$0x3FFC];
	_ =	sdelay $0x3  }
0x94: {  	_ =	strace s2  }
0x95: {  	s2 =	sld [smem:$0x3FFD];
	_ =	sdelay $0x3  }
0x96: {  	_ =	strace s2  }
0x97: {  	_ =	strace $0x8FFFFFFF  }
0x98: {  	s18 =	sld [smem:$0x3FDB];
	_ =	sdelay $0x1  }
0x99: {  	s19 =	simm.s32 $_scs_section_size  }
0x9a: {  	s4 =	simm.s32 $_size__tile_overlayer_lowered;
	s5 =	simm.s32 $_tile_overlayer_lowered  }
0x9b: {  	s22 =	simm.s32 $0x1BFF;
	s21 =	sshll.u32 s5, $0x1;
	s2 =	sadd.s32 s19, s18  }
0x9c: {  	s6 =	simm.s32 $0x0;
	s20 =	sshll.u32 s4, $0x1;
	s4 =	sadd.s32 s21, s2  }
0x9d: {  	[timem:s6], [sflag:s22] =	dma.local [hbm:s4], s20  }
0x9e: {  	_ =	swait.ge [sflag:s22], s20  }
0x9f: {  	s3 =	ssub.s32 $0x0, s20;
	[sflag:s22] =	ssyncset.done $0x0  }
0xa0: {  	[sflag:s22] =	ssyncadd.s32 s3;
	_ =	sdelay $0x1  }
0xa1: {  	s23 =	simm.s32 $0x1B8B  }
0xa2: {  	_ =	swait.ge [sflag:s23], $0x1  }
0xa3: {  	[sflag:s23] =	ssyncset.done $0x0  }
0xa4: {  	s25 =	simm.s32 $0x1B8E;
	s24 =	sld [smem:$0x3FFE];
	[sflag:s23] =	ssyncadd.s32 $0xFFFFFFFF  }
0xa5: {  	s26 =	simm.s32 $execute0_lowered;
	[smem:$0x3FD2] =	sst s25  }
0xa6: {  	s4 =	sshll.u32 s26, $0x1;
	_ =	strace $0x8000004C;
	[dreg:$0x1] =	wrdreg $0xFFFFFFFF  }
0xa7: {  	s28 =	simm.s32 $_size_execute0_lowered;
	s2 =	sadd.s32 s2, s4;
	[dreg:$0x0] =	wrdreg $0x0  }
0xa8: {  	s4 =	sshll.u32 s28, $0x1;
	[dreg:$0x2] =	wrdreg s2  }
0xa9: {  	[dreg:$0x3] =	wrdreg s4  }
0xaa: {  	[dreg:$0x4] =	wrdreg $0xC0  }
0xab: {  	_ =	task [dreg:s6], $0x5FFFF  }
0xac: {  	[dreg:$0x1] =	wrdreg $0xFFFFFFFF  }
0xad: {  	[dreg:$0x0] =	wrdreg $0x60  }
0xae: {  	[dreg:$0x2] =	wrdreg s24  }
0xaf: {  	[dreg:$0x3] =	wrdreg $0x9  }
0xb0: {  	_ =	task.clear_ibuf [dreg:s6], $0x4FFFF;
	_ =	strace $0x9000004C  }
0xb1: {  	s29 =	simm.s32 $0x9;
	_ =	strace $0x8000004E  }
0xb2: {  	_ =	swait.ge [sflag:s29], $0x1  }
0xb3: {  	[sflag:s29] =	ssyncadd.s32 $0xFFFFFFFF  }
0xb4: {  	_ =	strace $0x9000004E  }
0xb5: {  	_ =	sfence  }
0xb6: {  	s30 =	sld [smem:$0x0];
	_ =	sdelay $0x2  }
0xb7: {  	s31 =	sshll.u32 s1, $0xD;
	s1 =	sshrl.u32 s1, $0x2  }
0xb8: {  	s3 =	sand.u32 $0x4000, s31;
	s1 =	sadd.s32 s1, s30  }
0xb9: {  	s0 =	sor.u32 s3, s0;
	s1 =	sshll.u32 s1, $0x11  }
0xba: {  	s0 =	sor.u32 s1, s0  }
0xbb: {  	s0 =	sadd.s32 $0x8F2B, s0  }
0xbc: {  	[sflag:s0] =	ssyncadd.remote.s32 $0x1  }
0xbd: {  	_ =	sfence.sel $0xFFFF  }
0xbe: {  	[dreg:$0x0] =	wrdreg $0xFFFFFFFF;
	(pc) =	sbr.abs _section_cstart, $3  }
0xbf: {  	[dreg:$0x1] =	wrdreg $0xFFFFFFFF  }
0xc0: {  	_ =	task.clear_ibuf [dreg:s6], $0x2FFFF;
	_ =	strace $0x9FFFFFFF  }
0xc1: {  	(tm) =	ssettm $0x7FFFFFFF  }
tec
execute0_lowered:
.L_overlay_start_1:
0x0: {  	(tag) =	ssettag $0x1  }
0x1: {  	s1 =	srdreg.scid;
	s0 =	stileid.u32  }
0x2: {  	s5 =	rddreg [dreg:$0x0];
	s7 =	smul.u32 $0x28000, s0  }
0x3: {  	s2 =	simm.s32 $0x0;
	s4 =	sand.u32 $0x1, s1;
	s10 =	smul.u32 $0xFFFFFFB0, s0  }
0x4: {  	s26 =	sshll.u32 s0, $0x1;
	s1 =	rddreg [dreg:$0x1];
	s9 =	smul.u32 $0xFFFFFFD8, s4  }
0x5: {  	[smem:$0x7FF] =	sst s2;
	s3 =	sor.u32 s4, s26;
	s12 =	smul.u32 $0x14000, s4  }
0x6: {  	_ =	strace $0x8000004D;
	s28 =	ssub.s32 $0x2, s4;
	s6 =	smul.u32 $0x280, s3  }
0x7: {  	s8 =	smul.u32 $0x28, s3;
	s3 =	sadd.s32 $0xEE00, s5;
	s11 =	sshrl.u32 s28, $0x1  }
0x8: {  	s7 =	sadd.s32 s7, s5;
	s11 =	ssub.s32 s28, s11;
	s29 =	sadd.s32 s10, s9  }
0x9: {  	s31 =	sadd.s32 s12, s7;
	s9 =	simm.s32 $0x3;
	s10 =	simm.s32 $0x1400  }
0xa: {  	s6 =	sadd.s32 s6, s5;
	s8 =	ssub.s32 $0x4E2, s8;
	s30 =	sadd.s32 $0x4E2, s29  }
0xb: {  	s7 =	smax.u32 s11, $0x1;
	s11 =	simm.s32 $0x0;
	s4 =	smin.u32 s8, $0x28  }
0xc: {  	s5 =	sadd.s32 $0x9E00, s6;
	s6 =	smin.u32 s30, $0x28;
	s8 =	sadd.s32 $0x51F000, s31  }
.LBB2_1:
0xd: {  	[tilespmem:s2], [sflag:$0x3] =	stream.linear.gather [hbm4b:s5+s2], $0x1400, $0x38;
	[tilespmem:$0x9400] =	vst v63  }
0xe: {  	s13 =	simm.s32 $0x1;
	p0 =	sle.u32 s4, $0x1;
	_ =	swait.ge [sflag:s9], $0x1400  }
0xf: {  	s14 =	sand.u32 @!p0 $0x1, s13;
	[sflag:s9] =	ssyncset.done $0x0  }
0x10: {  	s12 =	simm.s32 $0x80;
	s16 =	sshll.u32 @!p0 s14, $0xE;
	[sflag:s9] =	ssyncadd.s32 $0xFFFFEC00  }
0x11: {  	[tilespmem:s10], [sflag:$0x1] =	stream.indirect.gather [hbm4b:s3+s12], $0x80, s2, s12, $0xb8;
	[tilespmem:$0x9400] =	vst v63  }
0x12: {  	s17 =	simm.s32 @!p0 $0x80;
	s14 =	sadd.s32 @!p0 $0x1, s14;
	s16 =	sor.u32 @!p0 $0x1400, s16  }
0x13: {  	[tilespmem:s16], [sflag:s14] =	stream.indirect.gather @!p0 [hbm4b:s3+s17], $0x80, s12, s17, $0xb8;
	[tilespmem:$0x9400] =	vst v63  }
0x14: {  	p0 =	sne.s32 s6, $0x1  }
.Ltmp0:
0x15: {  	s15 =	sand.u32 $0x1, s2;
	(pc) =	sbr.rel @!p0 .LBB2_3-.Ltmp0, $4  }
0x16: {  	s18 =	sadd.s32 $0x1, s15  }
0x17: {  	_ =	swait.ge [sflag:s18], $0x4000  }
0x18: {  	s31 =	sshll.u32 s15, $0xE;
	[sflag:s18] =	ssyncset.done $0x0  }
0x19: {  	s15 =	sor.u32 $0x1400, s31;
	s14 =	smov.u32 s8;
	[sflag:s18] =	ssyncadd.s32 $0xFFFFC000  }
.LBB2_2:
0x1a: {  	[hbm4b:s14+s2] =	stream.linear.scatter [tilespmem:s15], [sflag:$0x3], $0x4000, $0x38;
	[tilespmem:$0x9400] =	vst v63  }
0x1b: {  	s15 =	smov.u32 s13;
	s13 =	sadd.s32 $0x1, s13;
	_ =	swait.ge [sflag:s9], $0x4000  }
0x1c: {  	s15 =	sand.u32 $0x1, s15;
	p0 =	sge.u32 s13, s4;
	[sflag:s9] =	ssyncset.done $0x0  }
0x1d: {  	s16 =	sand.u32 @!p0 $0x1, s13;
	s17 =	sshll.u32 s15, $0xE;
	[sflag:s9] =	ssyncadd.s32 $0xFFFFC000  }
0x1e: {  	s12 =	sadd.s32 $0x80, s12;
	s18 =	sshll.u32 @!p0 s16, $0xE;
	s16 =	sadd.s32 @!p0 $0x1, s16  }
0x1f: {  	s19 =	simm.s32 @!p0 $0x80;
	s15 =	sadd.s32 $0x1, s15;
	s18 =	sor.u32 @!p0 $0x1400, s18  }
0x20: {  	[tilespmem:s18], [sflag:s16] =	stream.indirect.gather @!p0 [hbm4b:s3+s19], $0x80, s12, s19, $0xb8;
	[tilespmem:$0x9400] =	vst v63  }
0x21: {  	p0 =	sne.s32 s6, s13  }
.Ltmp1:
0x22: {  	_ = 	snop;
	(pc) =	sbr.rel @p0 .LBB2_2-.Ltmp1, $4  }
0x23: {  	_ = 	snop  }
0x24: {  	_ =	swait.ge [sflag:s15], $0x4000  }
0x25: {  	s14 =	sadd.s32 $0x800, s14;
	[sflag:s15] =	ssyncset.done $0x0  }
0x26: {  	[sflag:s15] =	ssyncadd.s32 $0xFFFFC000;
	s15 =	sor.u32 $0x1400, s17  }
.LBB2_3:
0x27: {  	s11 =	sadd.s32 $0x1, s11  }
0x28: {  	p0 =	sne.s32 s11, s7  }
.Ltmp2:
0x29: {  	_ = 	snop;
	(pc) =	sbr.rel @p0 .LBB2_1-.Ltmp2, $4  }
0x2a: {  	[hbm4b:s14+s2] =	stream.linear.scatter [tilespmem:s15], [sflag:$0x3], $0x4000, $0x38;
	[tilespmem:$0x9400] =	vst v63  }
0x2b: {  	_ =	swait.ge [sflag:s9], $0x4000  }
0x2c: {  	[sflag:s9] =	ssyncset.done $0x0  }
0x2d: {  	[sflag:s9] =	ssyncadd.s32 $0xFFFFC000  }
0x2e: {  	_ =	sfence.sel $0x180000  }
0x2f: {  	[bflag:$0x0] =	sbarrier.arrive $0xFFFF  }
0x30: {  	p0 =	sne.s32 s0, $0x0;
	_ =	strace $0x9000004D  }
0x31: {  	s0 =	sadd.s32 @!p0 $0x100000, s1;
	[bflag:$0x2] =	sbarrier.arrive $0xFFFF  }
0x32: {  	[sflag:s0] =	ssyncadd.tile.s32 @!p0 $0x1;
	_ =	shalt  }
.Lfunc_end2:
_tile_overlayer_lowered:
.L_overlay_start_2:
0x33: {  	(tag) =	ssettag $0x2  }
0x34: {  	s0 =	rddreg [dreg:$0x0];
	s2 =	stileid.u32  }
0x35: {  	s1 =	rddreg [dreg:$0x1];
	p0 =	sne.s32 s2, $0x0  }
0x36: {  	s3 =	rddreg [dreg:$0x2];
	[bflag:$0x3] =	sbarrier.arrive $0xFFFF;
	s2 =	simm.s32 @!p0 $0x1C03  }
0x37: {  	[timem:s3], [sflag:s2] =	dma.local @!p0 [hbm:s0], s1  }
0x38: {  	s0 =	simm.s32 @!p0 $0x3  }
0x39: {  	_ =	swait.ge @!p0 [sflag:s0], s1  }
0x3a: {  	s1 =	ssub.s32 @!p0 $0x0, s1;
	[sflag:s0] =	ssyncset.done @!p0 $0x0  }
0x3b: {  	[sflag:s0] =	ssyncadd.s32 @!p0 s1  }
0x3c: {  	[bflag:$0x3] =	sbarrier.arrive $0xFFFF  }
0x3d: {  	_ =	shalt  }

// kernel: kernel.25.cloned.1.call-start
scs
__scs_entry_jumppad:
0x0: {  	(pc) =	sbr.rel $0x88, $3  }
0x1: {  	(tag) =	ssettag $0x0;
	lr =	simm.s32 $0x1  }
0x2: {  	[smem:$0x3F71] =	sst lr;
	_ =	strace $0xD0000000  }
0x3: {  	_ = 	snop  }
0x4: {  	_ = 	snop  }
0x5: {  	_ = 	snop  }
0x6: {  	_ = 	snop  }
0x7: {  	_ = 	snop  }
__scs_overlays_trampoline_lowered:
0x8: {  	[smem:$0x3F80] =	sst s0  }
0x9: {  	[smem:$0x3F81] =	sst s1  }
0xa: {  	[smem:$0x3F82] =	sst s2  }
0xb: {  	[smem:$0x3F83] =	sst s3  }
0xc: {  	[smem:$0x3F84] =	sst s4  }
0xd: {  	[smem:$0x3F85] =	sst s5  }
0xe: {  	[smem:$0x3F86] =	sst s6  }
0xf: {  	[smem:$0x3F87] =	sst s7  }
0x10: {  	[smem:$0x3F88] =	sst s8  }
0x11: {  	[smem:$0x3F89] =	sst s9;
	s0 =	simm.s32 @!p0 $0x0  }
0x12: {  	s1 =	sld [smem:$0x3F6F];
	s0 =	simm.s32 @p0 $0x1  }
0x13: {  	[smem:$0x3F8A] =	sst s0;
	s0 =	simm.s32 @!p1 $0x0  }
0x14: {  	s2 =	sld [smem:$0x3F6E];
	s0 =	simm.s32 @p1 $0x1  }
0x15: {  	[smem:$0x3F8B] =	sst s0;
	s0 =	simm.s32 @!p2 $0x0  }
0x16: {  	s3 =	sld [smem:$0x3FDB];
	s0 =	simm.s32 @p2 $0x1  }
0x17: {  	s4 =	simm.s32 $0x1BF5;
	[smem:$0x3F8D] =	sst s0  }
0x18: {  	s0 =	sld [smem:$0x3F70];
	_ =	swait.ge [sflag:s4], $0x0  }
0x19: {  	s7 =	sld [smem:$0x3F71]  }
0x1a: {  	s8 =	sadd.s32 $0xFFFFE003, lr  }
0x1b: {  	s9 =	sadd.s32 $0xFFFFFEF7, lr;
	s5 =	simm.s32 $0xFFFFFFFF;
	p2 =	slt.u32 s8, $0xFFFFF086  }
0x1c: {  	p1 =	slt.u32 s9, $0xF7A;
	s5 =	simm.s32 @!p2 $0x0  }
0x1d: {  	s5 =	simm.s32 @p1 $0x1;
	p0 =	seq.s32 s7, s2  }
0x1e: {  	s7 =	smul.u32 @!p0 $0xF7A, s2;
	p2 =	seq.s32 @!p0 s5, $0x0  }
0x1f: {  	s9 =	smul.u32 $0xF7A, s1;
	s8 =	simm.s32 @!p0 $0x1BF5;
	p2 =	por !p2, p0  }
0x20: {  	[sflag:s8] =	ssyncset.s32 @!p0 $0xFFFFF086;
	s6 =	sadd.s32 @!p0 s3, s7;
	s7 =	simm.s32 @!p0 $0x108  }
0x21: {  	s3 =	sadd.s32 s3, s9;
	s6 =	sadd.s32 @!p0 $0x88, s6;
	s7 =	simm.s32 @p2 $0x1082  }
0x22: {  	[simem:s7], [sflag:s8] =	dma.local @!p0 [hbm:s6], $0xF7A  }
0x23: {  	s9 =	sor.u32 $0xD0000000, s2;
	s6 =	simm.s32 $0x108;
	_ =	swait.ge @!p0 [sflag:s8], $0x0  }
0x24: {  	s3 =	sadd.s32 $0x88, s3;
	s6 =	simm.s32 @!p1 $0x1082;
	[sflag:s4] =	ssyncset.s32 $0xFFFFF086  }
0x25: {  	[simem:s6], [sflag:s4] =	dma.local [hbm:s3], $0xF7A  }
0x26: {  	[smem:$0x3F71] =	sst s1;
	(tag) =	ssettag s2;
	_ =	strace s9  }
0x27: {  	s1 =	sld [smem:$0x3F81]  }
0x28: {  	s2 =	sld [smem:$0x3F82]  }
0x29: {  	s4 =	sld [smem:$0x3F84]  }
0x2a: {  	p0 =	seq.s32 s5, $0x0;
	s5 =	sld [smem:$0x3F85]  }
0x2b: {  	s6 =	sld [smem:$0x3F86]  }
0x2c: {  	s7 =	sld [smem:$0x3F87]  }
0x2d: {  	s3 =	simm.s32 $0x108;
	s8 =	sld [smem:$0x3F88]  }
0x2e: {  	s3 =	simm.s32 @!p0 $0x1082;
	s9 =	sld [smem:$0x3F89]  }
0x2f: {  	lr =	sadd.s32 s0, s3;
	s0 =	sld [smem:$0x3F80]  }
0x30: {  	s3 =	sld [smem:$0x3F83]  }
0x31: {  	[smem:$0x3F8C] =	sst s10  }
0x32: {  	s10 =	sld [smem:$0x3F8A];
	_ =	sdelay $0x3  }
0x33: {  	p0 =	seq.s32 s10, $0x1;
	s10 =	sld [smem:$0x3F8C];
	_ =	sdelay $0x3  }
0x34: {  	[smem:$0x3F8C] =	sst s10  }
0x35: {  	s10 =	sld [smem:$0x3F8B];
	_ =	sdelay $0x3  }
0x36: {  	p1 =	seq.s32 s10, $0x1;
	s10 =	sld [smem:$0x3F8C];
	_ =	sdelay $0x3  }
0x37: {  	[smem:$0x3F8C] =	sst s10  }
0x38: {  	s10 =	sld [smem:$0x3F8D]  }
0x39: {  	_ = 	snop;
	(pc) =	sbr.ind lr, $3  }
0x3a: {  	_ = 	snop  }
0x3b: {  	_ = 	snop  }
0x3c: {  	p2 =	seq.s32 s10, $0x1;
	s10 =	sld [smem:$0x3F8C]  }
0x3d: {  	_ =	shalt  }
0x3e: {  	_ =	shalt  }
0x3f: {  	_ =	shalt  }
0x40: {  	_ =	shalt  }
0x41: {  	_ =	shalt  }
0x42: {  	_ =	shalt  }
0x43: {  	_ =	shalt  }
0x44: {  	_ =	shalt  }
0x45: {  	_ =	shalt  }
0x46: {  	_ =	shalt  }
0x47: {  	_ =	shalt  }
0x48: {  	_ =	shalt  }
0x49: {  	_ =	shalt  }
0x4a: {  	_ =	shalt  }
0x4b: {  	_ =	shalt  }
0x4c: {  	_ =	shalt  }
0x4d: {  	_ =	shalt  }
0x4e: {  	_ =	shalt  }
0x4f: {  	_ =	shalt  }
0x50: {  	_ =	shalt  }
0x51: {  	_ =	shalt  }
0x52: {  	_ =	shalt  }
0x53: {  	_ =	shalt  }
0x54: {  	_ =	shalt  }
0x55: {  	_ =	shalt  }
0x56: {  	_ =	shalt  }
0x57: {  	_ =	shalt  }
0x58: {  	_ =	shalt  }
0x59: {  	_ =	shalt  }
0x5a: {  	_ =	shalt  }
0x5b: {  	_ =	shalt  }
0x5c: {  	_ =	shalt  }
0x5d: {  	_ =	shalt  }
0x5e: {  	_ =	shalt  }
0x5f: {  	_ =	shalt  }
0x60: {  	_ =	shalt  }
0x61: {  	_ =	shalt  }
0x62: {  	_ =	shalt  }
0x63: {  	_ =	shalt  }
0x64: {  	_ =	shalt  }
0x65: {  	_ =	shalt  }
0x66: {  	_ =	shalt  }
0x67: {  	_ =	shalt  }
0x68: {  	_ =	shalt  }
0x69: {  	_ =	shalt  }
0x6a: {  	_ =	shalt  }
0x6b: {  	_ =	shalt  }
0x6c: {  	_ =	shalt  }
0x6d: {  	_ =	shalt  }
0x6e: {  	_ =	shalt  }
0x6f: {  	_ =	shalt  }
0x70: {  	_ =	shalt  }
0x71: {  	_ =	shalt  }
0x72: {  	_ =	shalt  }
0x73: {  	_ =	shalt  }
0x74: {  	_ =	shalt  }
0x75: {  	_ =	shalt  }
0x76: {  	_ =	shalt  }
0x77: {  	_ =	shalt  }
0x78: {  	_ =	shalt  }
0x79: {  	_ =	shalt  }
0x7a: {  	_ =	shalt  }
0x7b: {  	_ =	shalt  }
0x7c: {  	_ =	shalt  }
0x7d: {  	_ =	shalt  }
0x7e: {  	_ =	shalt  }
0x7f: {  	_ =	shalt  }
0x80: {  	_ =	shalt  }
0x81: {  	_ =	shalt  }
0x82: {  	_ =	shalt  }
0x83: {  	_ =	shalt  }
0x84: {  	_ =	shalt  }
0x85: {  	_ =	shalt  }
0x86: {  	_ =	shalt  }
0x87: {  	_ =	shalt  }
.Lfunc_end0:
.L_simem_size_0:
called_computation.3_lowered:
.L_overlay_start_0:
0x88: {  	s2 =	sld [smem:$0x3FD9]  }
0x89: {  	s3 =	sld [smem:$0x3FFE];
	_ =	sdelay $0x1  }
0x8a: {  	s1 =	srdreg.scid  }
0x8b: {  	s0 =	sand.u32 $0x1, s1  }
0x8c: {  	s16 =	sshll.u32 s0, $0xA;
	s2 =	sadd.s32 s3, s2  }
0x8d: {  	s2 =	sadd.s32 s2, s16  }
0x8e: {  	[smem:$0x3F98] =	sst s2  }
0x8f: {  	_ = 	snop  }
0x90: {  	(tm) =	ssettm $0x1  }
0x91: {  	s17 =	sld [smem:$0x3FFB];
	_ =	sdelay $0x3  }
0x92: {  	_ =	strace s17  }
0x93: {  	s2 =	sld [smem:$0x3FFC];
	_ =	sdelay $0x3  }
0x94: {  	_ =	strace s2  }
0x95: {  	s2 =	sld [smem:$0x3FFD];
	_ =	sdelay $0x3  }
0x96: {  	_ =	strace s2  }
0x97: {  	_ =	strace $0x8FFFFFFF  }
0x98: {  	s18 =	sld [smem:$0x3FDB];
	_ =	sdelay $0x1  }
0x99: {  	s19 =	simm.s32 $_scs_section_size  }
0x9a: {  	s4 =	simm.s32 $_size__tile_overlayer_lowered;
	s5 =	simm.s32 $_tile_overlayer_lowered  }
0x9b: {  	s22 =	simm.s32 $0x1BFF;
	s21 =	sshll.u32 s5, $0x1;
	s2 =	sadd.s32 s19, s18  }
0x9c: {  	s6 =	simm.s32 $0x0;
	s20 =	sshll.u32 s4, $0x1;
	s4 =	sadd.s32 s21, s2  }
0x9d: {  	[timem:s6], [sflag:s22] =	dma.local [hbm:s4], s20  }
0x9e: {  	_ =	swait.ge [sflag:s22], s20  }
0x9f: {  	s3 =	ssub.s32 $0x0, s20;
	[sflag:s22] =	ssyncset.done $0x0  }
0xa0: {  	[sflag:s22] =	ssyncadd.s32 s3;
	_ =	sdelay $0x1  }
0xa1: {  	s23 =	simm.s32 $0x1B8B  }
0xa2: {  	_ =	swait.ge [sflag:s23], $0x1  }
0xa3: {  	[sflag:s23] =	ssyncset.done $0x0  }
0xa4: {  	s25 =	simm.s32 $0x1B8E;
	s24 =	sld [smem:$0x3FFE];
	[sflag:s23] =	ssyncadd.s32 $0xFFFFFFFF  }
0xa5: {  	s26 =	simm.s32 $execute0_lowered;
	[smem:$0x3FD2] =	sst s25  }
0xa6: {  	s4 =	sshll.u32 s26, $0x1;
	_ =	strace $0x8000004F;
	[dreg:$0x1] =	wrdreg $0xFFFFFFFF  }
0xa7: {  	s28 =	simm.s32 $_size_execute0_lowered;
	s2 =	sadd.s32 s2, s4;
	[dreg:$0x0] =	wrdreg $0x0  }
0xa8: {  	s4 =	sshll.u32 s28, $0x1;
	[dreg:$0x2] =	wrdreg s2  }
0xa9: {  	[dreg:$0x3] =	wrdreg s4  }
0xaa: {  	[dreg:$0x4] =	wrdreg $0xC0  }
0xab: {  	_ =	task [dreg:s6], $0x5FFFF  }
0xac: {  	[dreg:$0x1] =	wrdreg $0xFFFFFFFF  }
0xad: {  	[dreg:$0x0] =	wrdreg $0x60  }
0xae: {  	[dreg:$0x2] =	wrdreg s24  }
0xaf: {  	[dreg:$0x3] =	wrdreg $0x94000  }
0xb0: {  	[dreg:$0x4] =	wrdreg $0x9  }
0xb1: {  	_ =	task.clear_ibuf [dreg:s6], $0x5FFFF;
	_ =	strace $0x9000004F  }
0xb2: {  	s29 =	simm.s32 $0x9;
	_ =	strace $0x80000051  }
0xb3: {  	_ =	swait.ge [sflag:s29], $0x1  }
0xb4: {  	[sflag:s29] =	ssyncadd.s32 $0xFFFFFFFF  }
0xb5: {  	_ =	strace $0x90000051  }
0xb6: {  	_ =	sfence  }
0xb7: {  	s30 =	sld [smem:$0x0];
	_ =	sdelay $0x2  }
0xb8: {  	s31 =	sshll.u32 s1, $0xD;
	s1 =	sshrl.u32 s1, $0x2  }
0xb9: {  	s3 =	sand.u32 $0x4000, s31;
	s1 =	sadd.s32 s1, s30  }
0xba: {  	s0 =	sor.u32 s3, s0;
	s1 =	sshll.u32 s1, $0x11  }
0xbb: {  	s0 =	sor.u32 s1, s0  }
0xbc: {  	s0 =	sadd.s32 $0x8F2B, s0  }
0xbd: {  	[sflag:s0] =	ssyncadd.remote.s32 $0x1  }
0xbe: {  	_ =	sfence.sel $0xFFFF  }
0xbf: {  	[dreg:$0x0] =	wrdreg $0xFFFFFFFF;
	(pc) =	sbr.abs _section_cstart, $3  }
0xc0: {  	[dreg:$0x1] =	wrdreg $0xFFFFFFFF  }
0xc1: {  	_ =	task.clear_ibuf [dreg:s6], $0x2FFFF;
	_ =	strace $0x9FFFFFFF  }
0xc2: {  	(tm) =	ssettm $0x7FFFFFFF  }
0xc3: {  	_ =	shalt  }
tec
execute0_lowered:
.L_overlay_start_1:
0x0: {  	(tag) =	ssettag $0x1  }
0x1: {  	s15 =	stileid.u32  }
0x2: {  	s11 =	smul.u32 $0x7D000, s15  }
0x3: {  	s0 =	srdreg.scid;
	s14 =	smul.u32 $0xFFFFFFB0, s15  }
0x4: {  	s4 =	rddreg [dreg:$0x0];
	s6 =	sand.u32 $0x1, s0;
	s28 =	smul.u32 $0x140000, s15  }
0x5: {  	s1 =	rddreg [dreg:$0x1];
	s7 =	smul.u32 $0x27100, s6  }
0x6: {  	s2 =	simm.s32 $0x0;
	s24 =	sshll.u32 s15, $0x1;
	s13 =	smul.u32 $0xFFFFFFD8, s6  }
0x7: {  	s0 =	rddreg [dreg:$0x2];
	s3 =	sor.u32 s6, s24;
	s16 =	smul.u32 $0xA0000, s6  }
0x8: {  	[smem:$0x7FF] =	sst s2;
	s10 =	sadd.s32 $0x790000, s4;
	s5 =	smul.u32 $0x280, s3  }
0x9: {  	p0 =	sne.s32 s15, $0x0;
	p1 =	sgt.u32 s15, $0x9;
	s8 =	smul.u32 $0x28, s3  }
0xa: {  	_ =	strace $0x80000050;
	s12 =	ssub.s32 $0x2, s6;
	s9 =	smul.u32 $0x14000, s3  }
0xb: {  	s3 =	sadd.s32 $0x36000, s4;
	s25 =	sshrl.u32 s12, $0x1;
	s29 =	sshrl.u32 s11, $0x2  }
0xc: {  	s11 =	simm.s32 $0x3;
	s7 =	sadd.s32 s7, s4;
	s12 =	ssub.s32 s12, s25  }
0xd: {  	s18 =	sadd.s32 s29, s1;
	s30 =	sadd.s32 s14, s13;
	s14 =	smul.u32 $0x3E80, s15  }
0xe: {  	s13 =	simm.s32 $0x80;
	s15 =	sshll.u32 @!p1 s15, $0x6;
	s5 =	sadd.s32 s5, s4  }
0xf: {  	s26 =	ssub.s32 $0x4E2, s8;
	s6 =	sadd.s32 s10, s9;
	s17 =	sadd.s32 $0x5D400, s7  }
0x10: {  	s8 =	sadd.s32 s16, s28;
	s7 =	sadd.s32 $0x4E2, s30;
	s15 =	sor.u32 @!p1 $0x1C03, s15  }
0x11: {  	s16 =	sshrl.u32 @!p1 s18, $0x3;
	s4 =	smin.u32 s26, $0x28;
	s5 =	sadd.s32 $0x518000, s5  }
0x12: {  	s8 =	sor.u32 $0x4000, s8;
	s7 =	smin.u32 s7, $0x28;
	s14 =	sadd.s32 @!p1 s14, s17  }
0x13: {  	s17 =	simm.s32 $0x0;
	s31 =	sshrl.u32 s8, $0x3;
	s8 =	smax.u32 s12, $0x1  }
0x14: {  	s12 =	simm.s32 $0x1400;
	s9 =	sadd.s32 s31, s10;
	s10 =	sshrl.u32 @!p0 s1, $0x3  }
.LBB2_1:
0x15: {  	s18 =	simm.s32 @!p0 $0x1C03  }
0x16: {  	[spmem:s10], [sflag:s18] =	dma.local @!p0 [hbm:s3], $0x27100  }
0x17: {  	s18 =	simm.s32 @!p0 $0x3  }
0x18: {  	_ =	swait.ge @!p0 [sflag:s18], $0x27100  }
0x19: {  	[sflag:s18] =	ssyncset.done @!p0 $0x0  }
0x1a: {  	[sflag:s18] =	ssyncadd.s32 @!p0 $0xFFFD8F00  }
0x1b: {  	[bflag:$0x0] =	sbarrier.arrive $0xFFFF  }
0x1c: {  	[tilespmem:s2], [sflag:$0x3] =	stream.linear.gather [hbm4b:s5+s2], $0x1400, $0x38;
	[tilespmem:$0x1CC80] =	vst v63  }
0x1d: {  	p2 =	sle.u32 s4, $0x1;
	s18 =	simm.s32 $0x1;
	_ =	swait.ge [sflag:s11], $0x1400  }
0x1e: {  	s19 =	sand.u32 @!p2 $0x1, s18;
	[sflag:s11] =	ssyncset.done $0x0  }
0x1f: {  	s21 =	sshll.u32 @!p2 s19, $0xE;
	[sflag:s11] =	ssyncadd.s32 $0xFFFFEC00  }
0x20: {  	[tilespmem:s12], [sflag:$0x1] =	stream.linear.gather [hbm4b:s6+s2], $0x4000, $0x38;
	[tilespmem:$0x1CC80] =	vst v63  }
0x21: {  	s22 =	simm.s32 @!p2 $0x0;
	s19 =	sadd.s32 @!p2 $0x1, s19;
	s21 =	sor.u32 @!p2 $0x1400, s21  }
0x22: {  	[tilespmem:s21], [sflag:s19] =	stream.linear.gather @!p2 [hbm4b:s9+s22], $0x4000, $0x38;
	[tilespmem:$0x1CC80] =	vst v63  }
0x23: {  	p2 =	sne.s32 s7, $0x1  }
.Ltmp0:
0x24: {  	s20 =	sand.u32 $0x1, s2;
	(pc) =	sbr.rel @!p2 .LBB2_3-.Ltmp0, $4  }
0x25: {  	s23 =	sadd.s32 $0x1, s20  }
0x26: {  	_ =	swait.ge [sflag:s23], $0x4000  }
0x27: {  	s31 =	sshll.u32 s20, $0xE;
	s20 =	smov.u32 s9;
	[sflag:s23] =	ssyncset.done $0x0  }
0x28: {  	s21 =	sor.u32 $0x1400, s31;
	s19 =	simm.s32 $0x0;
	[sflag:s23] =	ssyncadd.s32 $0xFFFFC000  }
.LBB2_2:
0x29: {  	[spmem:s1] =	stream.indirect.scatter.add.f32 [tilespmem:s21], [sflag:$0x3], $0x80, s19, s13, $0xb8;
	[tilespmem:$0x1CC80] =	vst v63  }
0x2a: {  	s21 =	smov.u32 s18;
	s18 =	sadd.s32 $0x1, s18;
	_ =	swait.ge [sflag:s11], $0x4000  }
0x2b: {  	s21 =	sand.u32 $0x1, s21;
	p2 =	sge.u32 s18, s4;
	[sflag:s11] =	ssyncset.done $0x0  }
0x2c: {  	s22 =	sand.u32 @!p2 $0x1, s18;
	s23 =	sshll.u32 s21, $0xE;
	[sflag:s11] =	ssyncadd.s32 $0xFFFFC000  }
0x2d: {  	s20 =	sadd.s32 $0x800, s20;
	s24 =	sshll.u32 @!p2 s22, $0xE;
	s22 =	sadd.s32 @!p2 $0x1, s22  }
0x2e: {  	s25 =	simm.s32 @!p2 $0x0;
	s26 =	sadd.s32 $0x1, s21;
	s24 =	sor.u32 @!p2 $0x1400, s24  }
0x2f: {  	[tilespmem:s24], [sflag:s22] =	stream.linear.gather @!p2 [hbm4b:s20+s25], $0x4000, $0x38;
	[tilespmem:$0x1CC80] =	vst v63  }
0x30: {  	p2 =	sne.s32 s7, s18  }
.Ltmp1:
0x31: {  	_ = 	snop;
	(pc) =	sbr.rel @p2 .LBB2_2-.Ltmp1, $4  }
0x32: {  	_ = 	snop  }
0x33: {  	_ =	swait.ge [sflag:s26], $0x4000  }
0x34: {  	s19 =	sadd.s32 $0x80, s19;
	[sflag:s26] =	ssyncset.done $0x0  }
0x35: {  	s21 =	sor.u32 $0x1400, s23;
	[sflag:s26] =	ssyncadd.s32 $0xFFFFC000  }
.LBB2_3:
0x36: {  	[spmem:s1] =	stream.indirect.scatter.add.f32 [tilespmem:s21], [sflag:$0x3], $0x80, s19, s13, $0xb8;
	[tilespmem:$0x1CC80] =	vst v63  }
0x37: {  	_ =	swait.ge [sflag:s11], $0x4000  }
0x38: {  	s17 =	sadd.s32 $0x1, s17;
	[sflag:s11] =	ssyncset.done $0x0  }
0x39: {  	p2 =	sne.s32 s17, s8;
	[sflag:s11] =	ssyncadd.s32 $0xFFFFC000  }
.Ltmp2:
0x3a: {  	s18 =	simm.s32 @!p1 $0x3;
	[bflag:$0x0] =	sbarrier.arrive $0xFFFF;
	(pc) =	sbr.rel @p2 .LBB2_1-.Ltmp2, $4  }
0x3b: {  	[hbm:s14], [sflag:s15] =	dma.local @!p1 [spmem:s16], $0x3E80  }
0x3c: {  	_ =	swait.ge @!p1 [sflag:s18], $0x3E80  }
0x3d: {  	[sflag:s18] =	ssyncset.done @!p1 $0x0  }
0x3e: {  	[sflag:s18] =	ssyncadd.s32 @!p1 $0xFFFFC180  }
0x3f: {  	_ =	sfence.sel $0x180000  }
0x40: {  	[bflag:$0x0] =	sbarrier.arrive $0xFFFF  }
0x41: {  	_ =	strace $0x90000050  }
0x42: {  	s0 =	sadd.s32 @!p0 $0x100000, s0;
	[bflag:$0x2] =	sbarrier.arrive $0xFFFF  }
0x43: {  	[sflag:s0] =	ssyncadd.tile.s32 @!p0 $0x1;
	_ =	shalt  }
.Lfunc_end2:
_tile_overlayer_lowered:
.L_overlay_start_2:
0x44: {  	(tag) =	ssettag $0x2  }
0x45: {  	s0 =	rddreg [dreg:$0x0];
	s2 =	stileid.u32  }
0x46: {  	s1 =	rddreg [dreg:$0x1];
	p0 =	sne.s32 s2, $0x0  }
0x47: {  	s3 =	rddreg [dreg:$0x2];
	[bflag:$0x3] =	sbarrier.arrive $0xFFFF;
	s2 =	simm.s32 @!p0 $0x1C03  }
0x48: {  	[timem:s3], [sflag:s2] =	dma.local @!p0 [hbm:s0], s1  }
0x49: {  	s0 =	simm.s32 @!p0 $0x3  }
0x4a: {  	_ =	swait.ge @!p0 [sflag:s0], s1  }
0x4b: {  	s1 =	ssub.s32 @!p0 $0x0, s1;
	[sflag:s0] =	ssyncset.done @!p0 $0x0  }
0x4c: {  	[sflag:s0] =	ssyncadd.s32 @!p0 s1  }
0x4d: {  	[bflag:$0x3] =	sbarrier.arrive $0xFFFF  }
0x4e: {  	_ =	shalt  }

// kernel: kernel.28.cloned.1.call-start
scs
__scs_entry_jumppad:
0x0: {  	(pc) =	sbr.rel $0x88, $3  }
0x1: {  	(tag) =	ssettag $0x0;
	lr =	simm.s32 $0x1  }
0x2: {  	[smem:$0x3F71] =	sst lr;
	_ =	strace $0xD0000000  }
0x3: {  	_ = 	snop  }
0x4: {  	_ = 	snop  }
0x5: {  	_ = 	snop  }
0x6: {  	_ = 	snop  }
0x7: {  	_ = 	snop  }
__scs_overlays_trampoline_lowered:
0x8: {  	[smem:$0x3F80] =	sst s0  }
0x9: {  	[smem:$0x3F81] =	sst s1  }
0xa: {  	[smem:$0x3F82] =	sst s2  }
0xb: {  	[smem:$0x3F83] =	sst s3  }
0xc: {  	[smem:$0x3F84] =	sst s4  }
0xd: {  	[smem:$0x3F85] =	sst s5  }
0xe: {  	[smem:$0x3F86] =	sst s6  }
0xf: {  	[smem:$0x3F87] =	sst s7  }
0x10: {  	[smem:$0x3F88] =	sst s8  }
0x11: {  	[smem:$0x3F89] =	sst s9;
	s0 =	simm.s32 @!p0 $0x0  }
0x12: {  	s1 =	sld [smem:$0x3F6F];
	s0 =	simm.s32 @p0 $0x1  }
0x13: {  	[smem:$0x3F8A] =	sst s0;
	s0 =	simm.s32 @!p1 $0x0  }
0x14: {  	s2 =	sld [smem:$0x3F6E];
	s0 =	simm.s32 @p1 $0x1  }
0x15: {  	[smem:$0x3F8B] =	sst s0;
	s0 =	simm.s32 @!p2 $0x0  }
0x16: {  	s3 =	sld [smem:$0x3FDB];
	s0 =	simm.s32 @p2 $0x1  }
0x17: {  	s4 =	simm.s32 $0x1BF5;
	[smem:$0x3F8D] =	sst s0  }
0x18: {  	s0 =	sld [smem:$0x3F70];
	_ =	swait.ge [sflag:s4], $0x0  }
0x19: {  	s7 =	sld [smem:$0x3F71]  }
0x1a: {  	s8 =	sadd.s32 $0xFFFFE003, lr  }
0x1b: {  	s9 =	sadd.s32 $0xFFFFFEF7, lr;
	s5 =	simm.s32 $0xFFFFFFFF;
	p2 =	slt.u32 s8, $0xFFFFF086  }
0x1c: {  	p1 =	slt.u32 s9, $0xF7A;
	s5 =	simm.s32 @!p2 $0x0  }
0x1d: {  	s5 =	simm.s32 @p1 $0x1;
	p0 =	seq.s32 s7, s2  }
0x1e: {  	s7 =	smul.u32 @!p0 $0xF7A, s2;
	p2 =	seq.s32 @!p0 s5, $0x0  }
0x1f: {  	s9 =	smul.u32 $0xF7A, s1;
	s8 =	simm.s32 @!p0 $0x1BF5;
	p2 =	por !p2, p0  }
0x20: {  	[sflag:s8] =	ssyncset.s32 @!p0 $0xFFFFF086;
	s6 =	sadd.s32 @!p0 s3, s7;
	s7 =	simm.s32 @!p0 $0x108  }
0x21: {  	s3 =	sadd.s32 s3, s9;
	s6 =	sadd.s32 @!p0 $0x88, s6;
	s7 =	simm.s32 @p2 $0x1082  }
0x22: {  	[simem:s7], [sflag:s8] =	dma.local @!p0 [hbm:s6], $0xF7A  }
0x23: {  	s9 =	sor.u32 $0xD0000000, s2;
	s6 =	simm.s32 $0x108;
	_ =	swait.ge @!p0 [sflag:s8], $0x0  }
0x24: {  	s3 =	sadd.s32 $0x88, s3;
	s6 =	simm.s32 @!p1 $0x1082;
	[sflag:s4] =	ssyncset.s32 $0xFFFFF086  }
0x25: {  	[simem:s6], [sflag:s4] =	dma.local [hbm:s3], $0xF7A  }
0x26: {  	[smem:$0x3F71] =	sst s1;
	(tag) =	ssettag s2;
	_ =	strace s9  }
0x27: {  	s1 =	sld [smem:$0x3F81]  }
0x28: {  	s2 =	sld [smem:$0x3F82]  }
0x29: {  	s4 =	sld [smem:$0x3F84]  }
0x2a: {  	p0 =	seq.s32 s5, $0x0;
	s5 =	sld [smem:$0x3F85]  }
0x2b: {  	s6 =	sld [smem:$0x3F86]  }
0x2c: {  	s7 =	sld [smem:$0x3F87]  }
0x2d: {  	s3 =	simm.s32 $0x108;
	s8 =	sld [smem:$0x3F88]  }
0x2e: {  	s3 =	simm.s32 @!p0 $0x1082;
	s9 =	sld [smem:$0x3F89]  }
0x2f: {  	lr =	sadd.s32 s0, s3;
	s0 =	sld [smem:$0x3F80]  }
0x30: {  	s3 =	sld [smem:$0x3F83]  }
0x31: {  	[smem:$0x3F8C] =	sst s10  }
0x32: {  	s10 =	sld [smem:$0x3F8A];
	_ =	sdelay $0x3  }
0x33: {  	p0 =	seq.s32 s10, $0x1;
	s10 =	sld [smem:$0x3F8C];
	_ =	sdelay $0x3  }
0x34: {  	[smem:$0x3F8C] =	sst s10  }
0x35: {  	s10 =	sld [smem:$0x3F8B];
	_ =	sdelay $0x3  }
0x36: {  	p1 =	seq.s32 s10, $0x1;
	s10 =	sld [smem:$0x3F8C];
	_ =	sdelay $0x3  }
0x37: {  	[smem:$0x3F8C] =	sst s10  }
0x38: {  	s10 =	sld [smem:$0x3F8D]  }
0x39: {  	_ = 	snop;
	(pc) =	sbr.ind lr, $3  }
0x3a: {  	_ = 	snop  }
0x3b: {  	_ = 	snop  }
0x3c: {  	p2 =	seq.s32 s10, $0x1;
	s10 =	sld [smem:$0x3F8C]  }
0x3d: {  	_ =	shalt  }
0x3e: {  	_ =	shalt  }
0x3f: {  	_ =	shalt  }
0x40: {  	_ =	shalt  }
0x41: {  	_ =	shalt  }
0x42: {  	_ =	shalt  }
0x43: {  	_ =	shalt  }
0x44: {  	_ =	shalt  }
0x45: {  	_ =	shalt  }
0x46: {  	_ =	shalt  }
0x47: {  	_ =	shalt  }
0x48: {  	_ =	shalt  }
0x49: {  	_ =	shalt  }
0x4a: {  	_ =	shalt  }
0x4b: {  	_ =	shalt  }
0x4c: {  	_ =	shalt  }
0x4d: {  	_ =	shalt  }
0x4e: {  	_ =	shalt  }
0x4f: {  	_ =	shalt  }
0x50: {  	_ =	shalt  }
0x51: {  	_ =	shalt  }
0x52: {  	_ =	shalt  }
0x53: {  	_ =	shalt  }
0x54: {  	_ =	shalt  }
0x55: {  	_ =	shalt  }
0x56: {  	_ =	shalt  }
0x57: {  	_ =	shalt  }
0x58: {  	_ =	shalt  }
0x59: {  	_ =	shalt  }
0x5a: {  	_ =	shalt  }
0x5b: {  	_ =	shalt  }
0x5c: {  	_ =	shalt  }
0x5d: {  	_ =	shalt  }
0x5e: {  	_ =	shalt  }
0x5f: {  	_ =	shalt  }
0x60: {  	_ =	shalt  }
0x61: {  	_ =	shalt  }
0x62: {  	_ =	shalt  }
0x63: {  	_ =	shalt  }
0x64: {  	_ =	shalt  }
0x65: {  	_ =	shalt  }
0x66: {  	_ =	shalt  }
0x67: {  	_ =	shalt  }
0x68: {  	_ =	shalt  }
0x69: {  	_ =	shalt  }
0x6a: {  	_ =	shalt  }
0x6b: {  	_ =	shalt  }
0x6c: {  	_ =	shalt  }
0x6d: {  	_ =	shalt  }
0x6e: {  	_ =	shalt  }
0x6f: {  	_ =	shalt  }
0x70: {  	_ =	shalt  }
0x71: {  	_ =	shalt  }
0x72: {  	_ =	shalt  }
0x73: {  	_ =	shalt  }
0x74: {  	_ =	shalt  }
0x75: {  	_ =	shalt  }
0x76: {  	_ =	shalt  }
0x77: {  	_ =	shalt  }
0x78: {  	_ =	shalt  }
0x79: {  	_ =	shalt  }
0x7a: {  	_ =	shalt  }
0x7b: {  	_ =	shalt  }
0x7c: {  	_ =	shalt  }
0x7d: {  	_ =	shalt  }
0x7e: {  	_ =	shalt  }
0x7f: {  	_ =	shalt  }
0x80: {  	_ =	shalt  }
0x81: {  	_ =	shalt  }
0x82: {  	_ =	shalt  }
0x83: {  	_ =	shalt  }
0x84: {  	_ =	shalt  }
0x85: {  	_ =	shalt  }
0x86: {  	_ =	shalt  }
0x87: {  	_ =	shalt  }
.Lfunc_end0:
.L_simem_size_0:
called_computation.4_lowered:
.L_overlay_start_0:
0x88: {  	s2 =	sld [smem:$0x3FD9]  }
0x89: {  	s3 =	sld [smem:$0x3FFE];
	_ =	sdelay $0x1  }
0x8a: {  	s1 =	srdreg.scid  }
0x8b: {  	s0 =	sand.u32 $0x1, s1  }
0x8c: {  	s16 =	sshll.u32 s0, $0xA;
	s2 =	sadd.s32 s3, s2  }
0x8d: {  	s2 =	sadd.s32 s2, s16  }
0x8e: {  	[smem:$0x3F98] =	sst s2  }
0x8f: {  	_ = 	snop  }
0x90: {  	(tm) =	ssettm $0x1  }
0x91: {  	s17 =	sld [smem:$0x3FFB];
	_ =	sdelay $0x3  }
0x92: {  	_ =	strace s17  }
0x93: {  	s2 =	sld [smem:$0x3FFC];
	_ =	sdelay $0x3  }
0x94: {  	_ =	strace s2  }
0x95: {  	s2 =	sld [smem:$0x3FFD];
	_ =	sdelay $0x3  }
0x96: {  	_ =	strace s2  }
0x97: {  	_ =	strace $0x8FFFFFFF  }
0x98: {  	s18 =	sld [smem:$0x3FDB];
	_ =	sdelay $0x1  }
0x99: {  	s19 =	simm.s32 $_scs_section_size  }
0x9a: {  	s4 =	simm.s32 $_size__tile_overlayer_lowered;
	s5 =	simm.s32 $_tile_overlayer_lowered  }
0x9b: {  	s22 =	simm.s32 $0x1BFF;
	s21 =	sshll.u32 s5, $0x1;
	s2 =	sadd.s32 s19, s18  }
0x9c: {  	s6 =	simm.s32 $0x0;
	s20 =	sshll.u32 s4, $0x1;
	s4 =	sadd.s32 s21, s2  }
0x9d: {  	[timem:s6], [sflag:s22] =	dma.local [hbm:s4], s20  }
0x9e: {  	_ =	swait.ge [sflag:s22], s20  }
0x9f: {  	s3 =	ssub.s32 $0x0, s20;
	[sflag:s22] =	ssyncset.done $0x0  }
0xa0: {  	[sflag:s22] =	ssyncadd.s32 s3;
	_ =	sdelay $0x1  }
0xa1: {  	s23 =	simm.s32 $0x1B8B  }
0xa2: {  	_ =	swait.ge [sflag:s23], $0x1  }
0xa3: {  	[sflag:s23] =	ssyncset.done $0x0  }
0xa4: {  	s25 =	simm.s32 $0x1B8E;
	s24 =	sld [smem:$0x3FFE];
	[sflag:s23] =	ssyncadd.s32 $0xFFFFFFFF  }
0xa5: {  	s26 =	simm.s32 $execute0_lowered;
	[smem:$0x3FD2] =	sst s25  }
0xa6: {  	s4 =	sshll.u32 s26, $0x1;
	_ =	strace $0x80000052;
	[dreg:$0x1] =	wrdreg $0xFFFFFFFF  }
0xa7: {  	s28 =	simm.s32 $_size_execute0_lowered;
	s2 =	sadd.s32 s2, s4;
	[dreg:$0x0] =	wrdreg $0x0  }
0xa8: {  	s4 =	sshll.u32 s28, $0x1;
	[dreg:$0x2] =	wrdreg s2  }
0xa9: {  	[dreg:$0x3] =	wrdreg s4  }
0xaa: {  	[dreg:$0x4] =	wrdreg $0xC0  }
0xab: {  	_ =	task [dreg:s6], $0x5FFFF  }
0xac: {  	[dreg:$0x1] =	wrdreg $0xFFFFFFFF  }
0xad: {  	[dreg:$0x0] =	wrdreg $0x60  }
0xae: {  	[dreg:$0x2] =	wrdreg s24  }
0xaf: {  	[dreg:$0x3] =	wrdreg $0x9  }
0xb0: {  	_ =	task.clear_ibuf [dreg:s6], $0x4FFFF;
	_ =	strace $0x90000052  }
0xb1: {  	s29 =	simm.s32 $0x9;
	_ =	strace $0x80000054  }
0xb2: {  	_ =	swait.ge [sflag:s29], $0x1  }
0xb3: {  	[sflag:s29] =	ssyncadd.s32 $0xFFFFFFFF  }
0xb4: {  	_ =	strace $0x90000054  }
0xb5: {  	_ =	sfence  }
0xb6: {  	s30 =	sld [smem:$0x0];
	_ =	sdelay $0x2  }
0xb7: {  	s31 =	sshll.u32 s1, $0xD;
	s1 =	sshrl.u32 s1, $0x2  }
0xb8: {  	s3 =	sand.u32 $0x4000, s31;
	s1 =	sadd.s32 s1, s30  }
0xb9: {  	s0 =	sor.u32 s3, s0;
	s1 =	sshll.u32 s1, $0x11  }
0xba: {  	s0 =	sor.u32 s1, s0  }
0xbb: {  	s0 =	sadd.s32 $0x8F2B, s0  }
0xbc: {  	[sflag:s0] =	ssyncadd.remote.s32 $0x1  }
0xbd: {  	_ =	sfence.sel $0xFFFF  }
0xbe: {  	[dreg:$0x0] =	wrdreg $0xFFFFFFFF;
	(pc) =	sbr.abs _section_cstart, $3  }
0xbf: {  	[dreg:$0x1] =	wrdreg $0xFFFFFFFF  }
0xc0: {  	_ =	task.clear_ibuf [dreg:s6], $0x2FFFF;
	_ =	strace $0x9FFFFFFF  }
0xc1: {  	(tm) =	ssettm $0x7FFFFFFF  }
tec
execute0_lowered:
.L_overlay_start_1:
0x0: {  	(tag) =	ssettag $0x1  }
0x1: {  	s1 =	srdreg.scid;
	s0 =	stileid.u32  }
0x2: {  	s5 =	rddreg [dreg:$0x0];
	s7 =	smul.u32 $0x28000, s0  }
0x3: {  	s2 =	simm.s32 $0x0;
	s4 =	sand.u32 $0x1, s1;
	s10 =	smul.u32 $0xFFFFFFB0, s0  }
0x4: {  	s26 =	sshll.u32 s0, $0x1;
	s1 =	rddreg [dreg:$0x1];
	s9 =	smul.u32 $0xFFFFFFD8, s4  }
0x5: {  	[smem:$0x7FF] =	sst s2;
	s3 =	sor.u32 s4, s26;
	s12 =	smul.u32 $0x14000, s4  }
0x6: {  	_ =	strace $0x80000053;
	s28 =	ssub.s32 $0x2, s4;
	s6 =	smul.u32 $0x280, s3  }
0x7: {  	s8 =	smul.u32 $0x28, s3;
	s3 =	sadd.s32 $0xEE00, s5;
	s11 =	sshrl.u32 s28, $0x1  }
0x8: {  	s7 =	sadd.s32 s7, s5;
	s11 =	ssub.s32 s28, s11;
	s29 =	sadd.s32 s10, s9  }
0x9: {  	s31 =	sadd.s32 s12, s7;
	s9 =	simm.s32 $0x3;
	s10 =	simm.s32 $0x1400  }
0xa: {  	s6 =	sadd.s32 s6, s5;
	s8 =	ssub.s32 $0x4E2, s8;
	s30 =	sadd.s32 $0x4E2, s29  }
0xb: {  	s7 =	smax.u32 s11, $0x1;
	s11 =	simm.s32 $0x0;
	s4 =	smin.u32 s8, $0x28  }
0xc: {  	s5 =	sadd.s32 $0x9E00, s6;
	s6 =	smin.u32 s30, $0x28;
	s8 =	sadd.s32 $0x51F000, s31  }
.LBB2_1:
0xd: {  	[tilespmem:s2], [sflag:$0x3] =	stream.linear.gather [hbm4b:s5+s2], $0x1400, $0x38;
	[tilespmem:$0x9400] =	vst v63  }
0xe: {  	s13 =	simm.s32 $0x1;
	p0 =	sle.u32 s4, $0x1;
	_ =	swait.ge [sflag:s9], $0x1400  }
0xf: {  	s14 =	sand.u32 @!p0 $0x1, s13;
	[sflag:s9] =	ssyncset.done $0x0  }
0x10: {  	s12 =	simm.s32 $0x80;
	s16 =	sshll.u32 @!p0 s14, $0xE;
	[sflag:s9] =	ssyncadd.s32 $0xFFFFEC00  }
0x11: {  	[tilespmem:s10], [sflag:$0x1] =	stream.indirect.gather [hbm4b:s3+s12], $0x80, s2, s12, $0xb8;
	[tilespmem:$0x9400] =	vst v63  }
0x12: {  	s17 =	simm.s32 @!p0 $0x80;
	s14 =	sadd.s32 @!p0 $0x1, s14;
	s16 =	sor.u32 @!p0 $0x1400, s16  }
0x13: {  	[tilespmem:s16], [sflag:s14] =	stream.indirect.gather @!p0 [hbm4b:s3+s17], $0x80, s12, s17, $0xb8;
	[tilespmem:$0x9400] =	vst v63  }
0x14: {  	p0 =	sne.s32 s6, $0x1  }
.Ltmp0:
0x15: {  	s15 =	sand.u32 $0x1, s2;
	(pc) =	sbr.rel @!p0 .LBB2_3-.Ltmp0, $4  }
0x16: {  	s18 =	sadd.s32 $0x1, s15  }
0x17: {  	_ =	swait.ge [sflag:s18], $0x4000  }
0x18: {  	s31 =	sshll.u32 s15, $0xE;
	[sflag:s18] =	ssyncset.done $0x0  }
0x19: {  	s15 =	sor.u32 $0x1400, s31;
	s14 =	smov.u32 s8;
	[sflag:s18] =	ssyncadd.s32 $0xFFFFC000  }
.LBB2_2:
0x1a: {  	[hbm4b:s14+s2] =	stream.linear.scatter [tilespmem:s15], [sflag:$0x3], $0x4000, $0x38;
	[tilespmem:$0x9400] =	vst v63  }
0x1b: {  	s15 =	smov.u32 s13;
	s13 =	sadd.s32 $0x1, s13;
	_ =	swait.ge [sflag:s9], $0x4000  }
0x1c: {  	s15 =	sand.u32 $0x1, s15;
	p0 =	sge.u32 s13, s4;
	[sflag:s9] =	ssyncset.done $0x0  }
0x1d: {  	s16 =	sand.u32 @!p0 $0x1, s13;
	s17 =	sshll.u32 s15, $0xE;
	[sflag:s9] =	ssyncadd.s32 $0xFFFFC000  }
0x1e: {  	s12 =	sadd.s32 $0x80, s12;
	s18 =	sshll.u32 @!p0 s16, $0xE;
	s16 =	sadd.s32 @!p0 $0x1, s16  }
0x1f: {  	s19 =	simm.s32 @!p0 $0x80;
	s15 =	sadd.s32 $0x1, s15;
	s18 =	sor.u32 @!p0 $0x1400, s18  }
0x20: {  	[tilespmem:s18], [sflag:s16] =	stream.indirect.gather @!p0 [hbm4b:s3+s19], $0x80, s12, s19, $0xb8;
	[tilespmem:$0x9400] =	vst v63  }
0x21: {  	p0 =	sne.s32 s6, s13  }
.Ltmp1:
0x22: {  	_ = 	snop;
	(pc) =	sbr.rel @p0 .LBB2_2-.Ltmp1, $4  }
0x23: {  	_ = 	snop  }
0x24: {  	_ =	swait.ge [sflag:s15], $0x4000  }
0x25: {  	s14 =	sadd.s32 $0x800, s14;
	[sflag:s15] =	ssyncset.done $0x0  }
0x26: {  	[sflag:s15] =	ssyncadd.s32 $0xFFFFC000;
	s15 =	sor.u32 $0x1400, s17  }
.LBB2_3:
0x27: {  	s11 =	sadd.s32 $0x1, s11  }
0x28: {  	p0 =	sne.s32 s11, s7  }
.Ltmp2:
0x29: {  	_ = 	snop;
	(pc) =	sbr.rel @p0 .LBB2_1-.Ltmp2, $4  }
0x2a: {  	[hbm4b:s14+s2] =	stream.linear.scatter [tilespmem:s15], [sflag:$0x3], $0x4000, $0x38;
	[tilespmem:$0x9400] =	vst v63  }
0x2b: {  	_ =	swait.ge [sflag:s9], $0x4000  }
0x2c: {  	[sflag:s9] =	ssyncset.done $0x0  }
0x2d: {  	[sflag:s9] =	ssyncadd.s32 $0xFFFFC000  }
0x2e: {  	_ =	sfence.sel $0x180000  }
0x2f: {  	[bflag:$0x0] =	sbarrier.arrive $0xFFFF  }
0x30: {  	p0 =	sne.s32 s0, $0x0;
	_ =	strace $0x90000053  }
0x31: {  	s0 =	sadd.s32 @!p0 $0x100000, s1;
	[bflag:$0x2] =	sbarrier.arrive $0xFFFF  }
0x32: {  	[sflag:s0] =	ssyncadd.tile.s32 @!p0 $0x1;
	_ =	shalt  }
.Lfunc_end2:
_tile_overlayer_lowered:
.L_overlay_start_2:
0x33: {  	(tag) =	ssettag $0x2  }
0x34: {  	s0 =	rddreg [dreg:$0x0];
	s2 =	stileid.u32  }
0x35: {  	s1 =	rddreg [dreg:$0x1];
	p0 =	sne.s32 s2, $0x0  }
0x36: {  	s3 =	rddreg [dreg:$0x2];
	[bflag:$0x3] =	sbarrier.arrive $0xFFFF;
	s2 =	simm.s32 @!p0 $0x1C03  }
0x37: {  	[timem:s3], [sflag:s2] =	dma.local @!p0 [hbm:s0], s1  }
0x38: {  	s0 =	simm.s32 @!p0 $0x3  }
0x39: {  	_ =	swait.ge @!p0 [sflag:s0], s1  }
0x3a: {  	s1 =	ssub.s32 @!p0 $0x0, s1;
	[sflag:s0] =	ssyncset.done @!p0 $0x0  }
0x3b: {  	[sflag:s0] =	ssyncadd.s32 @!p0 s1  }
0x3c: {  	[bflag:$0x3] =	sbarrier.arrive $0xFFFF  }
0x3d: {  	_ =	shalt  }

// kernel: kernel.31.cloned.1.call-start
scs
__scs_entry_jumppad:
0x0: {  	(pc) =	sbr.rel $0x88, $3  }
0x1: {  	(tag) =	ssettag $0x0;
	lr =	simm.s32 $0x1  }
0x2: {  	[smem:$0x3F71] =	sst lr;
	_ =	strace $0xD0000000  }
0x3: {  	_ = 	snop  }
0x4: {  	_ = 	snop  }
0x5: {  	_ = 	snop  }
0x6: {  	_ = 	snop  }
0x7: {  	_ = 	snop  }
__scs_overlays_trampoline_lowered:
0x8: {  	[smem:$0x3F80] =	sst s0  }
0x9: {  	[smem:$0x3F81] =	sst s1  }
0xa: {  	[smem:$0x3F82] =	sst s2  }
0xb: {  	[smem:$0x3F83] =	sst s3  }
0xc: {  	[smem:$0x3F84] =	sst s4  }
0xd: {  	[smem:$0x3F85] =	sst s5  }
0xe: {  	[smem:$0x3F86] =	sst s6  }
0xf: {  	[smem:$0x3F87] =	sst s7  }
0x10: {  	[smem:$0x3F88] =	sst s8  }
0x11: {  	[smem:$0x3F89] =	sst s9;
	s0 =	simm.s32 @!p0 $0x0  }
0x12: {  	s1 =	sld [smem:$0x3F6F];
	s0 =	simm.s32 @p0 $0x1  }
0x13: {  	[smem:$0x3F8A] =	sst s0;
	s0 =	simm.s32 @!p1 $0x0  }
0x14: {  	s2 =	sld [smem:$0x3F6E];
	s0 =	simm.s32 @p1 $0x1  }
0x15: {  	[smem:$0x3F8B] =	sst s0;
	s0 =	simm.s32 @!p2 $0x0  }
0x16: {  	s3 =	sld [smem:$0x3FDB];
	s0 =	simm.s32 @p2 $0x1  }
0x17: {  	s4 =	simm.s32 $0x1BF5;
	[smem:$0x3F8D] =	sst s0  }
0x18: {  	s0 =	sld [smem:$0x3F70];
	_ =	swait.ge [sflag:s4], $0x0  }
0x19: {  	s7 =	sld [smem:$0x3F71]  }
0x1a: {  	s8 =	sadd.s32 $0xFFFFE003, lr  }
0x1b: {  	s9 =	sadd.s32 $0xFFFFFEF7, lr;
	s5 =	simm.s32 $0xFFFFFFFF;
	p2 =	slt.u32 s8, $0xFFFFF086  }
0x1c: {  	p1 =	slt.u32 s9, $0xF7A;
	s5 =	simm.s32 @!p2 $0x0  }
0x1d: {  	s5 =	simm.s32 @p1 $0x1;
	p0 =	seq.s32 s7, s2  }
0x1e: {  	s7 =	smul.u32 @!p0 $0xF7A, s2;
	p2 =	seq.s32 @!p0 s5, $0x0  }
0x1f: {  	s9 =	smul.u32 $0xF7A, s1;
	s8 =	simm.s32 @!p0 $0x1BF5;
	p2 =	por !p2, p0  }
0x20: {  	[sflag:s8] =	ssyncset.s32 @!p0 $0xFFFFF086;
	s6 =	sadd.s32 @!p0 s3, s7;
	s7 =	simm.s32 @!p0 $0x108  }
0x21: {  	s3 =	sadd.s32 s3, s9;
	s6 =	sadd.s32 @!p0 $0x88, s6;
	s7 =	simm.s32 @p2 $0x1082  }
0x22: {  	[simem:s7], [sflag:s8] =	dma.local @!p0 [hbm:s6], $0xF7A  }
0x23: {  	s9 =	sor.u32 $0xD0000000, s2;
	s6 =	simm.s32 $0x108;
	_ =	swait.ge @!p0 [sflag:s8], $0x0  }
0x24: {  	s3 =	sadd.s32 $0x88, s3;
	s6 =	simm.s32 @!p1 $0x1082;
	[sflag:s4] =	ssyncset.s32 $0xFFFFF086  }
0x25: {  	[simem:s6], [sflag:s4] =	dma.local [hbm:s3], $0xF7A  }
0x26: {  	[smem:$0x3F71] =	sst s1;
	(tag) =	ssettag s2;
	_ =	strace s9  }
0x27: {  	s1 =	sld [smem:$0x3F81]  }
0x28: {  	s2 =	sld [smem:$0x3F82]  }
0x29: {  	s4 =	sld [smem:$0x3F84]  }
0x2a: {  	p0 =	seq.s32 s5, $0x0;
	s5 =	sld [smem:$0x3F85]  }
0x2b: {  	s6 =	sld [smem:$0x3F86]  }
0x2c: {  	s7 =	sld [smem:$0x3F87]  }
0x2d: {  	s3 =	simm.s32 $0x108;
	s8 =	sld [smem:$0x3F88]  }
0x2e: {  	s3 =	simm.s32 @!p0 $0x1082;
	s9 =	sld [smem:$0x3F89]  }
0x2f: {  	lr =	sadd.s32 s0, s3;
	s0 =	sld [smem:$0x3F80]  }
0x30: {  	s3 =	sld [smem:$0x3F83]  }
0x31: {  	[smem:$0x3F8C] =	sst s10  }
0x32: {  	s10 =	sld [smem:$0x3F8A];
	_ =	sdelay $0x3  }
0x33: {  	p0 =	seq.s32 s10, $0x1;
	s10 =	sld [smem:$0x3F8C];
	_ =	sdelay $0x3  }
0x34: {  	[smem:$0x3F8C] =	sst s10  }
0x35: {  	s10 =	sld [smem:$0x3F8B];
	_ =	sdelay $0x3  }
0x36: {  	p1 =	seq.s32 s10, $0x1;
	s10 =	sld [smem:$0x3F8C];
	_ =	sdelay $0x3  }
0x37: {  	[smem:$0x3F8C] =	sst s10  }
0x38: {  	s10 =	sld [smem:$0x3F8D]  }
0x39: {  	_ = 	snop;
	(pc) =	sbr.ind lr, $3  }
0x3a: {  	_ = 	snop  }
0x3b: {  	_ = 	snop  }
0x3c: {  	p2 =	seq.s32 s10, $0x1;
	s10 =	sld [smem:$0x3F8C]  }
0x3d: {  	_ =	shalt  }
0x3e: {  	_ =	shalt  }
0x3f: {  	_ =	shalt  }
0x40: {  	_ =	shalt  }
0x41: {  	_ =	shalt  }
0x42: {  	_ =	shalt  }
0x43: {  	_ =	shalt  }
0x44: {  	_ =	shalt  }
0x45: {  	_ =	shalt  }
0x46: {  	_ =	shalt  }
0x47: {  	_ =	shalt  }
0x48: {  	_ =	shalt  }
0x49: {  	_ =	shalt  }
0x4a: {  	_ =	shalt  }
0x4b: {  	_ =	shalt  }
0x4c: {  	_ =	shalt  }
0x4d: {  	_ =	shalt  }
0x4e: {  	_ =	shalt  }
0x4f: {  	_ =	shalt  }
0x50: {  	_ =	shalt  }
0x51: {  	_ =	shalt  }
0x52: {  	_ =	shalt  }
0x53: {  	_ =	shalt  }
0x54: {  	_ =	shalt  }
0x55: {  	_ =	shalt  }
0x56: {  	_ =	shalt  }
0x57: {  	_ =	shalt  }
0x58: {  	_ =	shalt  }
0x59: {  	_ =	shalt  }
0x5a: {  	_ =	shalt  }
0x5b: {  	_ =	shalt  }
0x5c: {  	_ =	shalt  }
0x5d: {  	_ =	shalt  }
0x5e: {  	_ =	shalt  }
0x5f: {  	_ =	shalt  }
0x60: {  	_ =	shalt  }
0x61: {  	_ =	shalt  }
0x62: {  	_ =	shalt  }
0x63: {  	_ =	shalt  }
0x64: {  	_ =	shalt  }
0x65: {  	_ =	shalt  }
0x66: {  	_ =	shalt  }
0x67: {  	_ =	shalt  }
0x68: {  	_ =	shalt  }
0x69: {  	_ =	shalt  }
0x6a: {  	_ =	shalt  }
0x6b: {  	_ =	shalt  }
0x6c: {  	_ =	shalt  }
0x6d: {  	_ =	shalt  }
0x6e: {  	_ =	shalt  }
0x6f: {  	_ =	shalt  }
0x70: {  	_ =	shalt  }
0x71: {  	_ =	shalt  }
0x72: {  	_ =	shalt  }
0x73: {  	_ =	shalt  }
0x74: {  	_ =	shalt  }
0x75: {  	_ =	shalt  }
0x76: {  	_ =	shalt  }
0x77: {  	_ =	shalt  }
0x78: {  	_ =	shalt  }
0x79: {  	_ =	shalt  }
0x7a: {  	_ =	shalt  }
0x7b: {  	_ =	shalt  }
0x7c: {  	_ =	shalt  }
0x7d: {  	_ =	shalt  }
0x7e: {  	_ =	shalt  }
0x7f: {  	_ =	shalt  }
0x80: {  	_ =	shalt  }
0x81: {  	_ =	shalt  }
0x82: {  	_ =	shalt  }
0x83: {  	_ =	shalt  }
0x84: {  	_ =	shalt  }
0x85: {  	_ =	shalt  }
0x86: {  	_ =	shalt  }
0x87: {  	_ =	shalt  }
.Lfunc_end0:
.L_simem_size_0:
called_computation.5_lowered:
.L_overlay_start_0:
0x88: {  	s2 =	sld [smem:$0x3FD9]  }
0x89: {  	s3 =	sld [smem:$0x3FFE];
	_ =	sdelay $0x1  }
0x8a: {  	s1 =	srdreg.scid  }
0x8b: {  	s0 =	sand.u32 $0x1, s1  }
0x8c: {  	s16 =	sshll.u32 s0, $0xA;
	s2 =	sadd.s32 s3, s2  }
0x8d: {  	s2 =	sadd.s32 s2, s16  }
0x8e: {  	[smem:$0x3F98] =	sst s2  }
0x8f: {  	_ = 	snop  }
0x90: {  	(tm) =	ssettm $0x1  }
0x91: {  	s17 =	sld [smem:$0x3FFB];
	_ =	sdelay $0x3  }
0x92: {  	_ =	strace s17  }
0x93: {  	s2 =	sld [smem:$0x3FFC];
	_ =	sdelay $0x3  }
0x94: {  	_ =	strace s2  }
0x95: {  	s2 =	sld [smem:$0x3FFD];
	_ =	sdelay $0x3  }
0x96: {  	_ =	strace s2  }
0x97: {  	_ =	strace $0x8FFFFFFF  }
0x98: {  	s18 =	sld [smem:$0x3FDB];
	_ =	sdelay $0x1  }
0x99: {  	s19 =	simm.s32 $_scs_section_size  }
0x9a: {  	s4 =	simm.s32 $_size__tile_overlayer_lowered;
	s5 =	simm.s32 $_tile_overlayer_lowered  }
0x9b: {  	s22 =	simm.s32 $0x1BFF;
	s21 =	sshll.u32 s5, $0x1;
	s2 =	sadd.s32 s19, s18  }
0x9c: {  	s6 =	simm.s32 $0x0;
	s20 =	sshll.u32 s4, $0x1;
	s4 =	sadd.s32 s21, s2  }
0x9d: {  	[timem:s6], [sflag:s22] =	dma.local [hbm:s4], s20  }
0x9e: {  	_ =	swait.ge [sflag:s22], s20  }
0x9f: {  	s3 =	ssub.s32 $0x0, s20;
	[sflag:s22] =	ssyncset.done $0x0  }
0xa0: {  	[sflag:s22] =	ssyncadd.s32 s3;
	_ =	sdelay $0x1  }
0xa1: {  	s23 =	simm.s32 $0x1B8B  }
0xa2: {  	_ =	swait.ge [sflag:s23], $0x1  }
0xa3: {  	[sflag:s23] =	ssyncset.done $0x0  }
0xa4: {  	s25 =	simm.s32 $0x1B8E;
	s24 =	sld [smem:$0x3FFE];
	[sflag:s23] =	ssyncadd.s32 $0xFFFFFFFF  }
0xa5: {  	s26 =	simm.s32 $execute0_lowered;
	[smem:$0x3FD2] =	sst s25  }
0xa6: {  	s4 =	sshll.u32 s26, $0x1;
	_ =	strace $0x80000055;
	[dreg:$0x1] =	wrdreg $0xFFFFFFFF  }
0xa7: {  	s28 =	simm.s32 $_size_execute0_lowered;
	s2 =	sadd.s32 s2, s4;
	[dreg:$0x0] =	wrdreg $0x0  }
0xa8: {  	s4 =	sshll.u32 s28, $0x1;
	[dreg:$0x2] =	wrdreg s2  }
0xa9: {  	[dreg:$0x3] =	wrdreg s4  }
0xaa: {  	[dreg:$0x4] =	wrdreg $0xC0  }
0xab: {  	_ =	task [dreg:s6], $0x5FFFF  }
0xac: {  	[dreg:$0x1] =	wrdreg $0xFFFFFFFF  }
0xad: {  	[dreg:$0x0] =	wrdreg $0x60  }
0xae: {  	[dreg:$0x2] =	wrdreg s24  }
0xaf: {  	[dreg:$0x3] =	wrdreg $0x94000  }
0xb0: {  	[dreg:$0x4] =	wrdreg $0x9  }
0xb1: {  	_ =	task.clear_ibuf [dreg:s6], $0x5FFFF;
	_ =	strace $0x90000055  }
0xb2: {  	s29 =	simm.s32 $0x9;
	_ =	strace $0x80000057  }
0xb3: {  	_ =	swait.ge [sflag:s29], $0x1  }
0xb4: {  	[sflag:s29] =	ssyncadd.s32 $0xFFFFFFFF  }
0xb5: {  	_ =	strace $0x90000057  }
0xb6: {  	_ =	sfence  }
0xb7: {  	s30 =	sld [smem:$0x0];
	_ =	sdelay $0x2  }
0xb8: {  	s31 =	sshll.u32 s1, $0xD;
	s1 =	sshrl.u32 s1, $0x2  }
0xb9: {  	s3 =	sand.u32 $0x4000, s31;
	s1 =	sadd.s32 s1, s30  }
0xba: {  	s0 =	sor.u32 s3, s0;
	s1 =	sshll.u32 s1, $0x11  }
0xbb: {  	s0 =	sor.u32 s1, s0  }
0xbc: {  	s0 =	sadd.s32 $0x8F2B, s0  }
0xbd: {  	[sflag:s0] =	ssyncadd.remote.s32 $0x1  }
0xbe: {  	_ =	sfence.sel $0xFFFF  }
0xbf: {  	[dreg:$0x0] =	wrdreg $0xFFFFFFFF;
	(pc) =	sbr.abs _section_cstart, $3  }
0xc0: {  	[dreg:$0x1] =	wrdreg $0xFFFFFFFF  }
0xc1: {  	_ =	task.clear_ibuf [dreg:s6], $0x2FFFF;
	_ =	strace $0x9FFFFFFF  }
0xc2: {  	(tm) =	ssettm $0x7FFFFFFF  }
0xc3: {  	_ =	shalt  }
tec
execute0_lowered:
.L_overlay_start_1:
0x0: {  	(tag) =	ssettag $0x1  }
0x1: {  	s15 =	stileid.u32  }
0x2: {  	s11 =	smul.u32 $0x7D000, s15  }
0x3: {  	s0 =	srdreg.scid;
	s14 =	smul.u32 $0xFFFFFFB0, s15  }
0x4: {  	s4 =	rddreg [dreg:$0x0];
	s6 =	sand.u32 $0x1, s0;
	s28 =	smul.u32 $0x140000, s15  }
0x5: {  	s1 =	rddreg [dreg:$0x1];
	s7 =	smul.u32 $0x27100, s6  }
0x6: {  	s2 =	simm.s32 $0x0;
	s24 =	sshll.u32 s15, $0x1;
	s13 =	smul.u32 $0xFFFFFFD8, s6  }
0x7: {  	s0 =	rddreg [dreg:$0x2];
	s3 =	sor.u32 s6, s24;
	s16 =	smul.u32 $0xA0000, s6  }
0x8: {  	[smem:$0x7FF] =	sst s2;
	s10 =	sadd.s32 $0x790000, s4;
	s5 =	smul.u32 $0x280, s3  }
0x9: {  	p0 =	sne.s32 s15, $0x0;
	p1 =	sgt.u32 s15, $0x9;
	s8 =	smul.u32 $0x28, s3  }
0xa: {  	_ =	strace $0x80000056;
	s12 =	ssub.s32 $0x2, s6;
	s9 =	smul.u32 $0x14000, s3  }
0xb: {  	s3 =	sadd.s32 $0x36000, s4;
	s25 =	sshrl.u32 s12, $0x1;
	s29 =	sshrl.u32 s11, $0x2  }
0xc: {  	s11 =	simm.s32 $0x3;
	s7 =	sadd.s32 s7, s4;
	s12 =	ssub.s32 s12, s25  }
0xd: {  	s18 =	sadd.s32 s29, s1;
	s30 =	sadd.s32 s14, s13;
	s14 =	smul.u32 $0x3E80, s15  }
0xe: {  	s13 =	simm.s32 $0x80;
	s15 =	sshll.u32 @!p1 s15, $0x6;
	s5 =	sadd.s32 s5, s4  }
0xf: {  	s26 =	ssub.s32 $0x4E2, s8;
	s6 =	sadd.s32 s10, s9;
	s17 =	sadd.s32 $0x51D000, s7  }
0x10: {  	s8 =	sadd.s32 s16, s28;
	s7 =	sadd.s32 $0x4E2, s30;
	s15 =	sor.u32 @!p1 $0x1C03, s15  }
0x11: {  	s16 =	sshrl.u32 @!p1 s18, $0x3;
	s4 =	smin.u32 s26, $0x28;
	s5 =	sadd.s32 $0x518000, s5  }
0x12: {  	s8 =	sor.u32 $0x4000, s8;
	s7 =	smin.u32 s7, $0x28;
	s14 =	sadd.s32 @!p1 s14, s17  }
0x13: {  	s17 =	simm.s32 $0x0;
	s31 =	sshrl.u32 s8, $0x3;
	s8 =	smax.u32 s12, $0x1  }
0x14: {  	s12 =	simm.s32 $0x1400;
	s9 =	sadd.s32 s31, s10;
	s10 =	sshrl.u32 @!p0 s1, $0x3  }
.LBB2_1:
0x15: {  	s18 =	simm.s32 @!p0 $0x1C03  }
0x16: {  	[spmem:s10], [sflag:s18] =	dma.local @!p0 [hbm:s3], $0x27100  }
0x17: {  	s18 =	simm.s32 @!p0 $0x3  }
0x18: {  	_ =	swait.ge @!p0 [sflag:s18], $0x27100  }
0x19: {  	[sflag:s18] =	ssyncset.done @!p0 $0x0  }
0x1a: {  	[sflag:s18] =	ssyncadd.s32 @!p0 $0xFFFD8F00  }
0x1b: {  	[bflag:$0x0] =	sbarrier.arrive $0xFFFF  }
0x1c: {  	[tilespmem:s2], [sflag:$0x3] =	stream.linear.gather [hbm4b:s5+s2], $0x1400, $0x38;
	[tilespmem:$0x1CC80] =	vst v63  }
0x1d: {  	p2 =	sle.u32 s4, $0x1;
	s18 =	simm.s32 $0x1;
	_ =	swait.ge [sflag:s11], $0x1400  }
0x1e: {  	s19 =	sand.u32 @!p2 $0x1, s18;
	[sflag:s11] =	ssyncset.done $0x0  }
0x1f: {  	s21 =	sshll.u32 @!p2 s19, $0xE;
	[sflag:s11] =	ssyncadd.s32 $0xFFFFEC00  }
0x20: {  	[tilespmem:s12], [sflag:$0x1] =	stream.linear.gather [hbm4b:s6+s2], $0x4000, $0x38;
	[tilespmem:$0x1CC80] =	vst v63  }
0x21: {  	s22 =	simm.s32 @!p2 $0x0;
	s19 =	sadd.s32 @!p2 $0x1, s19;
	s21 =	sor.u32 @!p2 $0x1400, s21  }
0x22: {  	[tilespmem:s21], [sflag:s19] =	stream.linear.gather @!p2 [hbm4b:s9+s22], $0x4000, $0x38;
	[tilespmem:$0x1CC80] =	vst v63  }
0x23: {  	p2 =	sne.s32 s7, $0x1  }
.Ltmp0:
0x24: {  	s20 =	sand.u32 $0x1, s2;
	(pc) =	sbr.rel @!p2 .LBB2_3-.Ltmp0, $4  }
0x25: {  	s23 =	sadd.s32 $0x1, s20  }
0x26: {  	_ =	swait.ge [sflag:s23], $0x4000  }
0x27: {  	s31 =	sshll.u32 s20, $0xE;
	s20 =	smov.u32 s9;
	[sflag:s23] =	ssyncset.done $0x0  }
0x28: {  	s21 =	sor.u32 $0x1400, s31;
	s19 =	simm.s32 $0x0;
	[sflag:s23] =	ssyncadd.s32 $0xFFFFC000  }
.LBB2_2:
0x29: {  	[spmem:s1] =	stream.indirect.scatter.add.f32 [tilespmem:s21], [sflag:$0x3], $0x80, s19, s13, $0xb8;
	[tilespmem:$0x1CC80] =	vst v63  }
0x2a: {  	s21 =	smov.u32 s18;
	s18 =	sadd.s32 $0x1, s18;
	_ =	swait.ge [sflag:s11], $0x4000  }
0x2b: {  	s21 =	sand.u32 $0x1, s21;
	p2 =	sge.u32 s18, s4;
	[sflag:s11] =	ssyncset.done $0x0  }
0x2c: {  	s22 =	sand.u32 @!p2 $0x1, s18;
	s23 =	sshll.u32 s21, $0xE;
	[sflag:s11] =	ssyncadd.s32 $0xFFFFC000  }
0x2d: {  	s20 =	sadd.s32 $0x800, s20;
	s24 =	sshll.u32 @!p2 s22, $0xE;
	s22 =	sadd.s32 @!p2 $0x1, s22  }
0x2e: {  	s25 =	simm.s32 @!p2 $0x0;
	s26 =	sadd.s32 $0x1, s21;
	s24 =	sor.u32 @!p2 $0x1400, s24  }
0x2f: {  	[tilespmem:s24], [sflag:s22] =	stream.linear.gather @!p2 [hbm4b:s20+s25], $0x4000, $0x38;
	[tilespmem:$0x1CC80] =	vst v63  }
0x30: {  	p2 =	sne.s32 s7, s18  }
.Ltmp1:
0x31: {  	_ = 	snop;
	(pc) =	sbr.rel @p2 .LBB2_2-.Ltmp1, $4  }
0x32: {  	_ = 	snop  }
0x33: {  	_ =	swait.ge [sflag:s26], $0x4000  }
0x34: {  	s19 =	sadd.s32 $0x80, s19;
	[sflag:s26] =	ssyncset.done $0x0  }
0x35: {  	s21 =	sor.u32 $0x1400, s23;
	[sflag:s26] =	ssyncadd.s32 $0xFFFFC000  }
.LBB2_3:
0x36: {  	[spmem:s1] =	stream.indirect.scatter.add.f32 [tilespmem:s21], [sflag:$0x3], $0x80, s19, s13, $0xb8;
	[tilespmem:$0x1CC80] =	vst v63  }
0x37: {  	_ =	swait.ge [sflag:s11], $0x4000  }
0x38: {  	s17 =	sadd.s32 $0x1, s17;
	[sflag:s11] =	ssyncset.done $0x0  }
0x39: {  	p2 =	sne.s32 s17, s8;
	[sflag:s11] =	ssyncadd.s32 $0xFFFFC000  }
.Ltmp2:
0x3a: {  	s18 =	simm.s32 @!p1 $0x3;
	[bflag:$0x0] =	sbarrier.arrive $0xFFFF;
	(pc) =	sbr.rel @p2 .LBB2_1-.Ltmp2, $4  }
0x3b: {  	[hbm:s14], [sflag:s15] =	dma.local @!p1 [spmem:s16], $0x3E80  }
0x3c: {  	_ =	swait.ge @!p1 [sflag:s18], $0x3E80  }
0x3d: {  	[sflag:s18] =	ssyncset.done @!p1 $0x0  }
0x3e: {  	[sflag:s18] =	ssyncadd.s32 @!p1 $0xFFFFC180  }
0x3f: {  	_ =	sfence.sel $0x180000  }
0x40: {  	[bflag:$0x0] =	sbarrier.arrive $0xFFFF  }
0x41: {  	_ =	strace $0x90000056  }
0x42: {  	s0 =	sadd.s32 @!p0 $0x100000, s0;
	[bflag:$0x2] =	sbarrier.arrive $0xFFFF  }
0x43: {  	[sflag:s0] =	ssyncadd.tile.s32 @!p0 $0x1;
	_ =	shalt  }
.Lfunc_end2:
_tile_overlayer_lowered:
.L_overlay_start_2:
0x44: {  	(tag) =	ssettag $0x2  }
0x45: {  	s0 =	rddreg [dreg:$0x0];
	s2 =	stileid.u32  }
0x46: {  	s1 =	rddreg [dreg:$0x1];
	p0 =	sne.s32 s2, $0x0  }
0x47: {  	s3 =	rddreg [dreg:$0x2];
	[bflag:$0x3] =	sbarrier.arrive $0xFFFF;
	s2 =	simm.s32 @!p0 $0x1C03  }
0x48: {  	[timem:s3], [sflag:s2] =	dma.local @!p0 [hbm:s0], s1  }
0x49: {  	s0 =	simm.s32 @!p0 $0x3  }
0x4a: {  	_ =	swait.ge @!p0 [sflag:s0], s1  }
0x4b: {  	s1 =	ssub.s32 @!p0 $0x0, s1;
	[sflag:s0] =	ssyncset.done @!p0 $0x0  }
0x4c: {  	[sflag:s0] =	ssyncadd.s32 @!p0 s1  }
0x4d: {  	[bflag:$0x3] =	sbarrier.arrive $0xFFFF  }
0x4e: {  	_ =	shalt  }

</sc_bundles>
